<compile_context>
chip_gen: v7x
topology: tpu7x:2x2x1
jax: 0.10.2.dev20260603
libtpu: 0.0.44.dev20260713+nightly
codegen_flags: <defaults>
</compile_context>

<pallas_src>
import functools

import jax
import jax.numpy as jnp
from jax import lax
from jax.experimental import pallas as pl
from jax.experimental.pallas import tpu as pltpu
from jax.experimental.pallas import tpu_sc as plsc

_HIDDEN = 128
_GROUP = 128
_NBUF = 3


def _emb_kernel(n_tokens, n_workers, ng):
    mesh = plsc.VectorSubcoreMesh(core_axis_name="c", subcore_axis_name="s")

    @functools.partial(
        pl.kernel,
        mesh=mesh,
        out_type=jax.ShapeDtypeStruct((n_tokens, _HIDDEN), jnp.float32),
        scratch_types=[
            pltpu.VMEM((_NBUF, _GROUP), jnp.int32),
            pltpu.VMEM((_NBUF, _GROUP), jnp.int32),
            pltpu.VMEM((_NBUF, _GROUP, _HIDDEN), jnp.float32),
            pltpu.VMEM((2, _HIDDEN), jnp.float32),
            pltpu.SemaphoreType.DMA,
            pltpu.SemaphoreType.DMA,
        ],
    )
    def body(vidx_hbm, tidx_hbm, vtab_hbm, ttab_hbm, out_hbm,
             vidx_v, tidx_v, rows_v, ttab_v, sem_g, sem_o):
        wid = lax.axis_index("s") * 2 + lax.axis_index("c")
        base = wid * (ng * _GROUP)
        pltpu.sync_copy(ttab_hbm, ttab_v)
        t0 = [ttab_v[0, pl.ds(16 * j, 16)] for j in range(_HIDDEN // 16)]
        dt = [ttab_v[1, pl.ds(16 * j, 16)] - t0[j]
              for j in range(_HIDDEN // 16)]

        pltpu.sync_copy(vidx_hbm.at[pl.ds(base, _GROUP)], vidx_v.at[0])
        pltpu.sync_copy(tidx_hbm.at[pl.ds(base, _GROUP)], tidx_v.at[0])
        pltpu.async_copy(vtab_hbm.at[vidx_v.at[0]], rows_v.at[0], sem_g)

        def group(g, carry):
            bc = g % _NBUF
            bn = (g + 1) % _NBUF
            off = base + g * _GROUP

            @pl.when(g < ng - 1)
            def _prefetch():
                offn = off + _GROUP
                pltpu.sync_copy(
                    vidx_hbm.at[pl.ds(offn, _GROUP)], vidx_v.at[bn])
                pltpu.sync_copy(
                    tidx_hbm.at[pl.ds(offn, _GROUP)], tidx_v.at[bn])

                @pl.when(g >= _NBUF - 1)
                def _drain():
                    pltpu.make_async_copy(
                        rows_v.at[bn],
                        out_hbm.at[pl.ds(off - (_NBUF - 1) * _GROUP, _GROUP)],
                        sem_o).wait()

                pltpu.async_copy(vtab_hbm.at[vidx_v.at[bn]],
                                 rows_v.at[bn], sem_g)

            pltpu.make_async_copy(
                vtab_hbm.at[vidx_v.at[bc]], rows_v.at[bc], sem_g).wait()

            def block(blk, c2):
                tv = tidx_v[bc, pl.ds(16 * blk, 16)].astype(jnp.float32)
                for k in range(16):
                    r = 16 * blk + k
                    ts = jnp.broadcast_to(tv[k], (16,))
                    for j in range(_HIDDEN // 16):
                        sl = pl.ds(16 * j, 16)
                        rows_v[bc, r, sl] = (
                            rows_v[bc, r, sl] + (t0[j] + ts * dt[j]))
                return c2

            lax.fori_loop(0, _GROUP // 16, block, 0)
            pltpu.async_copy(rows_v.at[bc], out_hbm.at[pl.ds(off, _GROUP)],
                             sem_o)
            return carry

        lax.fori_loop(0, ng, group, 0)
        for i in range(_NBUF):
            g = ng - _NBUF + i
            pltpu.make_async_copy(
                rows_v.at[g % _NBUF],
                out_hbm.at[pl.ds(base + g * _GROUP, _GROUP)], sem_o).wait()

    return body


def kernel(vocab, type, vocab_table, type_table):
    b, l = vocab.shape
    n_tokens = b * l
    info = plsc.get_sparse_core_info()
    n_workers = info.num_cores * info.num_subcores
    groups_per_worker = n_tokens // (n_workers * _GROUP)
    vidx = vocab.reshape(n_tokens)
    tidx = type.reshape(n_tokens)
    out = _emb_kernel(n_tokens, n_workers, groups_per_worker)(
        vidx, tidx, vocab_table, type_table)
    return out.reshape(b, l, _HIDDEN)

# --- scband reference (transcript-rebuilt; emitter-appended) ---
"""Pipeline reference for scband-bert-12137577578575 (READ-ONLY COPY).

The authoritative reference and input builder live on the scoring server;
editing this copy changes nothing except your own understanding.
"""

import jax, jax.numpy as jnp
import numpy as np

VOCAB = 100000
TYPES = 2
HIDDEN = 128
B, L = 4096, 50

def setup_inputs(seed: int = 0) -> dict:
    key = jax.random.key(seed)
    k1, k2, k3, k4 = jax.random.split(key, 4)
    vocab = jax.random.randint(k1, (B, L), 0, VOCAB, dtype=jnp.int64 if jax.config.jax_enable_x64 else jnp.int32).astype(jnp.int32)
    type_ids = jax.random.randint(k2, (B, L), 0, TYPES).astype(jnp.int32)
    vocab_table = jax.random.normal(k3, (VOCAB, HIDDEN), dtype=jnp.float32)
    type_table = jax.random.normal(k4, (TYPES, HIDDEN), dtype=jnp.float32)
    return {"vocab": vocab, "type": type_ids, "vocab_table": vocab_table, "type_table": type_table}

def reference(vocab, type, vocab_table, type_table):
    # embebding = self._vocab(vocab)
    embedding = jnp.take(vocab_table, vocab, axis=0)
    # type = self._type(type); embebding += type
    embedding = embedding + jnp.take(type_table, type, axis=0)
    # NOTE: original forward has a bare `return` (returns None); we return the
    # computed embedding, which is the intended output of the computation.
    return embedding

if __name__ == "__main__":
    import jax
    _d = setup_inputs()
    print(jax.jit(kernel)(*tuple(_d.values())))

</pallas_src>

<mosaic_0001>
#map = affine_map<(d0, d1) -> (0)>
#map1 = affine_map<(d0, d1) -> (0, 0)>
module attributes {stable_mosaic.version = 14 : i64} {
  func.func @body(%arg0: i32, %arg1: i32, %arg2: memref<204800xi32, #tpu.memory_space<hbm>>, %arg3: memref<204800xi32, #tpu.memory_space<hbm>>, %arg4: memref<100000x128xf32, #tpu.memory_space<hbm>>, %arg5: memref<2x128xf32, #tpu.memory_space<hbm>>, %arg6: memref<204800x128xf32, #tpu.memory_space<hbm>>, %arg7: memref<3x128xi32, #tpu.memory_space<vmem>>, %arg8: memref<3x128xi32, #tpu.memory_space<vmem>>, %arg9: memref<3x128x128xf32, #tpu.memory_space<vmem>>, %arg10: memref<2x128xf32, #tpu.memory_space<vmem>>, %arg11: memref<!tpu.dma_semaphore, #tpu.memory_space<semaphore_mem>>, %arg12: memref<!tpu.dma_semaphore, #tpu.memory_space<semaphore_mem>>) attributes {dimension_semantics = [#tpu.dimension_semantics<core_parallel>, #tpu.dimension_semantics<subcore_parallel>], iteration_bounds = array<i64: 2, 16>, scalar_prefetch = 0 : i64, scratch_operands = 6 : i64, tpu.core_type = #tpu.core_type<sc_vector_subcore>, window_params = [{transform_indices = #map}, {transform_indices = #map}, {transform_indices = #map1}, {transform_indices = #map1}, {transform_indices = #map1}]} {
    %mul3A = arith.constant 2 : i32
    %mul3A_0 = arith.muli %arg1, %mul3A : i32
    %add3A = arith.addi %mul3A_0, %arg0 : i32
    %mul3A_1 = arith.constant 6400 : i32
    %mul3A_2 = arith.muli %add3A, %mul3A_1 : i32
    "tpu.region"() ({
      %run_scoped3A_150 = tpu.sem_alloc : memref<!tpu.dma_semaphore, #tpu.memory_space<semaphore_mem>>
      tpu.enqueue_dma source(%arg5 : memref<2x128xf32, #tpu.memory_space<hbm>>) target(%arg10 : memref<2x128xf32, #tpu.memory_space<vmem>>) target_semaphore(%run_scoped3A_150 : memref<!tpu.dma_semaphore, #tpu.memory_space<semaphore_mem>>)
      tpu.wait_dma2 semaphore(%run_scoped3A_150 : memref<!tpu.dma_semaphore, #tpu.memory_space<semaphore_mem>>) src(%arg5 : memref<2x128xf32, #tpu.memory_space<hbm>>) dst(%arg10 : memref<2x128xf32, #tpu.memory_space<vmem>>)
      tpu.yield
    }) : () -> ()
    %get3A = arith.constant 0 : i32
    %get3A_3 = arith.index_cast %get3A : i32 to index
    %get3A_4 = arith.constant 0 : index
    %get3A_5 = tpu.vector_load %arg10[%get3A_3, %get3A_4] {strides = array<i32>} : memref<2x128xf32, #tpu.memory_space<vmem>>, vector<1x16xf32>,
    %get3A_6 = vector.shape_cast %get3A_5 : vector<1x16xf32> to vector<16xf32>
    %get3A_7 = arith.constant 0 : i32
    %get3A_8 = arith.index_cast %get3A_7 : i32 to index
    %get3A_9 = arith.constant 16 : index
    %get3A_10 = tpu.vector_load %arg10[%get3A_8, %get3A_9] {strides = array<i32>} : memref<2x128xf32, #tpu.memory_space<vmem>>, vector<1x16xf32>,
    %get3A_11 = vector.shape_cast %get3A_10 : vector<1x16xf32> to vector<16xf32>
    %get3A_12 = arith.constant 0 : i32
    %get3A_13 = arith.index_cast %get3A_12 : i32 to index
    %get3A_14 = arith.constant 32 : index
    %get3A_15 = tpu.vector_load %arg10[%get3A_13, %get3A_14] {strides = array<i32>} : memref<2x128xf32, #tpu.memory_space<vmem>>, vector<1x16xf32>,
    %get3A_16 = vector.shape_cast %get3A_15 : vector<1x16xf32> to vector<16xf32>
    %get3A_17 = arith.constant 0 : i32
    %get3A_18 = arith.index_cast %get3A_17 : i32 to index
    %get3A_19 = arith.constant 48 : index
    %get3A_20 = tpu.vector_load %arg10[%get3A_18, %get3A_19] {strides = array<i32>} : memref<2x128xf32, #tpu.memory_space<vmem>>, vector<1x16xf32>,
    %get3A_21 = vector.shape_cast %get3A_20 : vector<1x16xf32> to vector<16xf32>
    %get3A_22 = arith.constant 0 : i32
    %get3A_23 = arith.index_cast %get3A_22 : i32 to index
    %get3A_24 = arith.constant 64 : index
    %get3A_25 = tpu.vector_load %arg10[%get3A_23, %get3A_24] {strides = array<i32>} : memref<2x128xf32, #tpu.memory_space<vmem>>, vector<1x16xf32>,
    %get3A_26 = vector.shape_cast %get3A_25 : vector<1x16xf32> to vector<16xf32>
    %get3A_27 = arith.constant 0 : i32
    %get3A_28 = arith.index_cast %get3A_27 : i32 to index
    %get3A_29 = arith.constant 80 : index
    %get3A_30 = tpu.vector_load %arg10[%get3A_28, %get3A_29] {strides = array<i32>} : memref<2x128xf32, #tpu.memory_space<vmem>>, vector<1x16xf32>,
    %get3A_31 = vector.shape_cast %get3A_30 : vector<1x16xf32> to vector<16xf32>
    %get3A_32 = arith.constant 0 : i32
    %get3A_33 = arith.index_cast %get3A_32 : i32 to index
    %get3A_34 = arith.constant 96 : index
    %get3A_35 = tpu.vector_load %arg10[%get3A_33, %get3A_34] {strides = array<i32>} : memref<2x128xf32, #tpu.memory_space<vmem>>, vector<1x16xf32>,
    %get3A_36 = vector.shape_cast %get3A_35 : vector<1x16xf32> to vector<16xf32>
    %get3A_37 = arith.constant 0 : i32
    %get3A_38 = arith.index_cast %get3A_37 : i32 to index
    %get3A_39 = arith.constant 112 : index
    %get3A_40 = tpu.vector_load %arg10[%get3A_38, %get3A_39] {strides = array<i32>} : memref<2x128xf32, #tpu.memory_space<vmem>>, vector<1x16xf32>,
    %get3A_41 = vector.shape_cast %get3A_40 : vector<1x16xf32> to vector<16xf32>
    %get3A_42 = arith.constant 1 : i32
    %get3A_43 = arith.index_cast %get3A_42 : i32 to index
    %get3A_44 = arith.constant 0 : index
    %get3A_45 = tpu.vector_load %arg10[%get3A_43, %get3A_44] {strides = array<i32>} : memref<2x128xf32, #tpu.memory_space<vmem>>, vector<1x16xf32>,
    %get3A_46 = vector.shape_cast %get3A_45 : vector<1x16xf32> to vector<16xf32>
    %sub3A = arith.subf %get3A_46, %get3A_6 : vector<16xf32>
    %get3A_47 = arith.constant 1 : i32
    %get3A_48 = arith.index_cast %get3A_47 : i32 to index
    %get3A_49 = arith.constant 16 : index
    %get3A_50 = tpu.vector_load %arg10[%get3A_48, %get3A_49] {strides = array<i32>} : memref<2x128xf32, #tpu.memory_space<vmem>>, vector<1x16xf32>,
    %get3A_51 = vector.shape_cast %get3A_50 : vector<1x16xf32> to vector<16xf32>
    %sub3A_52 = arith.subf %get3A_51, %get3A_11 : vector<16xf32>
    %get3A_53 = arith.constant 1 : i32
    %get3A_54 = arith.index_cast %get3A_53 : i32 to index
    %get3A_55 = arith.constant 32 : index
    %get3A_56 = tpu.vector_load %arg10[%get3A_54, %get3A_55] {strides = array<i32>} : memref<2x128xf32, #tpu.memory_space<vmem>>, vector<1x16xf32>,
    %get3A_57 = vector.shape_cast %get3A_56 : vector<1x16xf32> to vector<16xf32>
    %sub3A_58 = arith.subf %get3A_57, %get3A_16 : vector<16xf32>
    %get3A_59 = arith.constant 1 : i32
    %get3A_60 = arith.index_cast %get3A_59 : i32 to index
    %get3A_61 = arith.constant 48 : index
    %get3A_62 = tpu.vector_load %arg10[%get3A_60, %get3A_61] {strides = array<i32>} : memref<2x128xf32, #tpu.memory_space<vmem>>, vector<1x16xf32>,
    %get3A_63 = vector.shape_cast %get3A_62 : vector<1x16xf32> to vector<16xf32>
    %sub3A_64 = arith.subf %get3A_63, %get3A_21 : vector<16xf32>
    %get3A_65 = arith.constant 1 : i32
    %get3A_66 = arith.index_cast %get3A_65 : i32 to index
    %get3A_67 = arith.constant 64 : index
    %get3A_68 = tpu.vector_load %arg10[%get3A_66, %get3A_67] {strides = array<i32>} : memref<2x128xf32, #tpu.memory_space<vmem>>, vector<1x16xf32>,
    %get3A_69 = vector.shape_cast %get3A_68 : vector<1x16xf32> to vector<16xf32>
    %sub3A_70 = arith.subf %get3A_69, %get3A_26 : vector<16xf32>
    %get3A_71 = arith.constant 1 : i32
    %get3A_72 = arith.index_cast %get3A_71 : i32 to index
    %get3A_73 = arith.constant 80 : index
    %get3A_74 = tpu.vector_load %arg10[%get3A_72, %get3A_73] {strides = array<i32>} : memref<2x128xf32, #tpu.memory_space<vmem>>, vector<1x16xf32>,
    %get3A_75 = vector.shape_cast %get3A_74 : vector<1x16xf32> to vector<16xf32>
    %sub3A_76 = arith.subf %get3A_75, %get3A_31 : vector<16xf32>
    %get3A_77 = arith.constant 1 : i32
    %get3A_78 = arith.index_cast %get3A_77 : i32 to index
    %get3A_79 = arith.constant 96 : index
    %get3A_80 = tpu.vector_load %arg10[%get3A_78, %get3A_79] {strides = array<i32>} : memref<2x128xf32, #tpu.memory_space<vmem>>, vector<1x16xf32>,
    %get3A_81 = vector.shape_cast %get3A_80 : vector<1x16xf32> to vector<16xf32>
    %sub3A_82 = arith.subf %get3A_81, %get3A_36 : vector<16xf32>
    %get3A_83 = arith.constant 1 : i32
    %get3A_84 = arith.index_cast %get3A_83 : i32 to index
    %get3A_85 = arith.constant 112 : index
    %get3A_86 = tpu.vector_load %arg10[%get3A_84, %get3A_85] {strides = array<i32>} : memref<2x128xf32, #tpu.memory_space<vmem>>, vector<1x16xf32>,
    %get3A_87 = vector.shape_cast %get3A_86 : vector<1x16xf32> to vector<16xf32>
    %sub3A_88 = arith.subf %get3A_87, %get3A_41 : vector<16xf32>
    %run_scoped3A = arith.constant 0 : i32
    "tpu.region"() ({
      %run_scoped3A_150 = tpu.sem_alloc : memref<!tpu.dma_semaphore, #tpu.memory_space<semaphore_mem>>
      %dma_start3A_151 = arith.constant 0 : i32
      %dma_start3A_152 = tpu.memref_slice %arg7[%run_scoped3A, %dma_start3A_151] : memref<3x128xi32, #tpu.memory_space<vmem>> -> memref<1x128xi32, #tpu.memory_space<vmem>>
      %dma_start3A_153 = tpu.memref_squeeze %dma_start3A_152 : memref<1x128xi32, #tpu.memory_space<vmem>> -> memref<128xi32, #tpu.memory_space<vmem>>
      %dma_start3A_154 = tpu.memref_slice %arg2[%mul3A_2] : memref<204800xi32, #tpu.memory_space<hbm>> -> memref<128xi32, #tpu.memory_space<hbm>>
      %dma_start3A_155 = arith.constant 0 : i32
      %dma_start3A_156 = tpu.memref_slice %arg7[%run_scoped3A, %dma_start3A_155] : memref<3x128xi32, #tpu.memory_space<vmem>> -> memref<1x128xi32, #tpu.memory_space<vmem>>
      %dma_start3A_157 = tpu.memref_squeeze %dma_start3A_156 : memref<1x128xi32, #tpu.memory_space<vmem>> -> memref<128xi32, #tpu.memory_space<vmem>>
      %dma_start3A_158 = tpu.memref_slice %arg2[%mul3A_2] : memref<204800xi32, #tpu.memory_space<hbm>> -> memref<128xi32, #tpu.memory_space<hbm>>
      tpu.enqueue_dma source(%dma_start3A_158 : memref<128xi32, #tpu.memory_space<hbm>>) target(%dma_start3A_157 : memref<128xi32, #tpu.memory_space<vmem>>) target_semaphore(%run_scoped3A_150 : memref<!tpu.dma_semaphore, #tpu.memory_space<semaphore_mem>>)
      %dma_wait3A_159 = arith.constant 0 : i32
      %dma_wait3A_160 = tpu.memref_slice %arg7[%run_scoped3A, %dma_wait3A_159] : memref<3x128xi32, #tpu.memory_space<vmem>> -> memref<1x128xi32, #tpu.memory_space<vmem>>
      %dma_wait3A_161 = tpu.memref_squeeze %dma_wait3A_160 : memref<1x128xi32, #tpu.memory_space<vmem>> -> memref<128xi32, #tpu.memory_space<vmem>>
      %dma_wait3A_162 = tpu.memref_slice %arg2[%mul3A_2] : memref<204800xi32, #tpu.memory_space<hbm>> -> memref<128xi32, #tpu.memory_space<hbm>>
      %dma_wait3A_163 = arith.constant 0 : i32
      %dma_wait3A_164 = tpu.memref_slice %arg7[%run_scoped3A, %dma_wait3A_163] : memref<3x128xi32, #tpu.memory_space<vmem>> -> memref<1x128xi32, #tpu.memory_space<vmem>>
      %dma_wait3A_165 = tpu.memref_squeeze %dma_wait3A_164 : memref<1x128xi32, #tpu.memory_space<vmem>> -> memref<128xi32, #tpu.memory_space<vmem>>
      %dma_wait3A_166 = tpu.memref_slice %arg2[%mul3A_2] : memref<204800xi32, #tpu.memory_space<hbm>> -> memref<128xi32, #tpu.memory_space<hbm>>
      tpu.wait_dma2 semaphore(%run_scoped3A_150 : memref<!tpu.dma_semaphore, #tpu.memory_space<semaphore_mem>>) src(%dma_wait3A_166 : memref<128xi32, #tpu.memory_space<hbm>>) dst(%dma_wait3A_165 : memref<128xi32, #tpu.memory_space<vmem>>)
      tpu.yield
    }) : () -> ()
    %run_scoped3A_89 = arith.constant 0 : i32
    "tpu.region"() ({
      %run_scoped3A_150 = tpu.sem_alloc : memref<!tpu.dma_semaphore, #tpu.memory_space<semaphore_mem>>
      %dma_start3A_151 = arith.constant 0 : i32
      %dma_start3A_152 = tpu.memref_slice %arg8[%run_scoped3A_89, %dma_start3A_151] : memref<3x128xi32, #tpu.memory_space<vmem>> -> memref<1x128xi32, #tpu.memory_space<vmem>>
      %dma_start3A_153 = tpu.memref_squeeze %dma_start3A_152 : memref<1x128xi32, #tpu.memory_space<vmem>> -> memref<128xi32, #tpu.memory_space<vmem>>
      %dma_start3A_154 = tpu.memref_slice %arg3[%mul3A_2] : memref<204800xi32, #tpu.memory_space<hbm>> -> memref<128xi32, #tpu.memory_space<hbm>>
      %dma_start3A_155 = arith.constant 0 : i32
      %dma_start3A_156 = tpu.memref_slice %arg8[%run_scoped3A_89, %dma_start3A_155] : memref<3x128xi32, #tpu.memory_space<vmem>> -> memref<1x128xi32, #tpu.memory_space<vmem>>
      %dma_start3A_157 = tpu.memref_squeeze %dma_start3A_156 : memref<1x128xi32, #tpu.memory_space<vmem>> -> memref<128xi32, #tpu.memory_space<vmem>>
      %dma_start3A_158 = tpu.memref_slice %arg3[%mul3A_2] : memref<204800xi32, #tpu.memory_space<hbm>> -> memref<128xi32, #tpu.memory_space<hbm>>
      tpu.enqueue_dma source(%dma_start3A_158 : memref<128xi32, #tpu.memory_space<hbm>>) target(%dma_start3A_157 : memref<128xi32, #tpu.memory_space<vmem>>) target_semaphore(%run_scoped3A_150 : memref<!tpu.dma_semaphore, #tpu.memory_space<semaphore_mem>>)
      %dma_wait3A_159 = arith.constant 0 : i32
      %dma_wait3A_160 = tpu.memref_slice %arg8[%run_scoped3A_89, %dma_wait3A_159] : memref<3x128xi32, #tpu.memory_space<vmem>> -> memref<1x128xi32, #tpu.memory_space<vmem>>
      %dma_wait3A_161 = tpu.memref_squeeze %dma_wait3A_160 : memref<1x128xi32, #tpu.memory_space<vmem>> -> memref<128xi32, #tpu.memory_space<vmem>>
      %dma_wait3A_162 = tpu.memref_slice %arg3[%mul3A_2] : memref<204800xi32, #tpu.memory_space<hbm>> -> memref<128xi32, #tpu.memory_space<hbm>>
      %dma_wait3A_163 = arith.constant 0 : i32
      %dma_wait3A_164 = tpu.memref_slice %arg8[%run_scoped3A_89, %dma_wait3A_163] : memref<3x128xi32, #tpu.memory_space<vmem>> -> memref<1x128xi32, #tpu.memory_space<vmem>>
      %dma_wait3A_165 = tpu.memref_squeeze %dma_wait3A_164 : memref<1x128xi32, #tpu.memory_space<vmem>> -> memref<128xi32, #tpu.memory_space<vmem>>
      %dma_wait3A_166 = tpu.memref_slice %arg3[%mul3A_2] : memref<204800xi32, #tpu.memory_space<hbm>> -> memref<128xi32, #tpu.memory_space<hbm>>
      tpu.wait_dma2 semaphore(%run_scoped3A_150 : memref<!tpu.dma_semaphore, #tpu.memory_space<semaphore_mem>>) src(%dma_wait3A_166 : memref<128xi32, #tpu.memory_space<hbm>>) dst(%dma_wait3A_165 : memref<128xi32, #tpu.memory_space<vmem>>)
      tpu.yield
    }) : () -> ()
    %dma_start3A = arith.constant 0 : i32
    %dma_start3A_90 = arith.constant 0 : i32
    %dma_start3A_91 = arith.constant 0 : i32
    %dma_start3A_92 = arith.constant 0 : i32
    %dma_start3A_93 = tpu.memref_slice %arg9[%dma_start3A_90, %dma_start3A_91, %dma_start3A_92] : memref<3x128x128xf32, #tpu.memory_space<vmem>> -> memref<1x128x128xf32, #tpu.memory_space<vmem>>
    %dma_start3A_94 = tpu.memref_squeeze %dma_start3A_93 : memref<1x128x128xf32, #tpu.memory_space<vmem>> -> memref<128x128xf32, #tpu.memory_space<vmem>>
    %dma_start3A_95 = arith.constant 0 : i32
    %dma_start3A_96 = tpu.memref_slice %arg7[%dma_start3A, %dma_start3A_95] : memref<3x128xi32, #tpu.memory_space<vmem>> -> memref<1x128xi32, #tpu.memory_space<vmem>>
    %dma_start3A_97 = tpu.memref_squeeze %dma_start3A_96 : memref<1x128xi32, #tpu.memory_space<vmem>> -> memref<128xi32, #tpu.memory_space<vmem>>
    %dma_start3A_98 = arith.constant 0 : i32
    %dma_start3A_99 = arith.constant 0 : i32
    %dma_start3A_100 = tpu.memref_slice %arg4[%dma_start3A_98, %dma_start3A_99] : memref<100000x128xf32, #tpu.memory_space<hbm>> -> memref<100000x128xf32, #tpu.memory_space<hbm>>
    tpu.enqueue_indirect_dma source(%dma_start3A_100 : memref<100000x128xf32, #tpu.memory_space<hbm>>) target(%dma_start3A_94 : memref<128x128xf32, #tpu.memory_space<vmem>>) offsets(%dma_start3A_97 : memref<128xi32, #tpu.memory_space<vmem>>) semaphore(%arg11 : memref<!tpu.dma_semaphore, #tpu.memory_space<semaphore_mem>>)
    %scan3A = arith.constant 0 : i32
    %scan3A_101 = arith.constant 0 : i32
    %scan3A_102 = arith.constant 50 : i32
    %scan3A_103 = arith.addi %scan3A_101, %scan3A_102 : i32
    %scan3A_104 = arith.constant 1 : i32
    scf.for %scan3A_150 = %scan3A_101 to %scan3A_103 step %scan3A_104  : i32 {
      %jit3A = arith.constant 3 : i32
      %eq3A = arith.constant 0 : i32
      %eq3A_151 = arith.cmpi eq, %jit3A, %eq3A : i32
      %jit3A_152 = arith.constant 1 : i32
      %select_n3A = arith.select %eq3A_151, %jit3A_152, %jit3A : i32
      %rem3A = arith.remsi %scan3A_150, %select_n3A : i32
      %ne3A = arith.constant 0 : i32
      %ne3A_153 = arith.cmpi ne, %rem3A, %ne3A : i32
      %lt3A = arith.constant 0 : i32
      %lt3A_154 = arith.cmpi slt, %rem3A, %lt3A : i32
      %lt3A_155 = arith.constant 0 : i32
      %lt3A_156 = arith.cmpi slt, %select_n3A, %lt3A_155 : i32
      %ne3A_157 = arith.xori %lt3A_154, %lt3A_156 : i1
      %and3A = arith.andi %ne3A_157, %ne3A_153 : i1
      %add3A_158 = arith.addi %rem3A, %select_n3A : i32
      %select_n3A_159 = arith.select %and3A, %add3A_158, %rem3A : i32
      %add3A_160 = arith.constant 1 : i32
      %add3A_161 = arith.addi %scan3A_150, %add3A_160 : i32
      %jit3A_162 = arith.constant 3 : i32
      %eq3A_163 = arith.constant 0 : i32
      %eq3A_164 = arith.cmpi eq, %jit3A_162, %eq3A_163 : i32
      %jit3A_165 = arith.constant 1 : i32
      %select_n3A_166 = arith.select %eq3A_164, %jit3A_165, %jit3A_162 : i32
      %rem3A_167 = arith.remsi %add3A_161, %select_n3A_166 : i32
      %ne3A_168 = arith.constant 0 : i32
      %ne3A_169 = arith.cmpi ne, %rem3A_167, %ne3A_168 : i32
      %lt3A_170 = arith.constant 0 : i32
      %lt3A_171 = arith.cmpi slt, %rem3A_167, %lt3A_170 : i32
      %lt3A_172 = arith.constant 0 : i32
      %lt3A_173 = arith.cmpi slt, %select_n3A_166, %lt3A_172 : i32
      %ne3A_174 = arith.xori %lt3A_171, %lt3A_173 : i1
      %and3A_175 = arith.andi %ne3A_174, %ne3A_169 : i1
      %add3A_176 = arith.addi %rem3A_167, %select_n3A_166 : i32
      %select_n3A_177 = arith.select %and3A_175, %add3A_176, %rem3A_167 : i32
      %mul3A_178 = arith.constant 128 : i32
      %mul3A_179 = arith.muli %scan3A_150, %mul3A_178 : i32
      %add3A_180 = arith.addi %mul3A_2, %mul3A_179 : i32
      %lt3A_181 = arith.constant 49 : i32
      %lt3A_182 = arith.cmpi slt, %scan3A_150, %lt3A_181 : i32
      %convert_element_type3A = arith.extui %lt3A_182 : i1 to i32
      %cond3A = arith.constant 0 : i32
      %cond3A_183 = arith.cmpi ne, %convert_element_type3A, %cond3A : i32
      scf.if %cond3A_183 {
        %add3A_212 = arith.constant 128 : i32
        %add3A_213 = arith.addi %add3A_180, %add3A_212 : i32
        "tpu.region"() ({
          %run_scoped3A_228 = tpu.sem_alloc : memref<!tpu.dma_semaphore, #tpu.memory_space<semaphore_mem>>
          %dma_start3A_229 = arith.constant 0 : i32
          %dma_start3A_230 = tpu.memref_slice %arg7[%select_n3A_177, %dma_start3A_229] : memref<3x128xi32, #tpu.memory_space<vmem>> -> memref<1x128xi32, #tpu.memory_space<vmem>>
          %dma_start3A_231 = tpu.memref_squeeze %dma_start3A_230 : memref<1x128xi32, #tpu.memory_space<vmem>> -> memref<128xi32, #tpu.memory_space<vmem>>
          %dma_start3A_232 = tpu.memref_slice %arg2[%add3A_213] : memref<204800xi32, #tpu.memory_space<hbm>> -> memref<128xi32, #tpu.memory_space<hbm>>
          %dma_start3A_233 = arith.constant 0 : i32
          %dma_start3A_234 = tpu.memref_slice %arg7[%select_n3A_177, %dma_start3A_233] : memref<3x128xi32, #tpu.memory_space<vmem>> -> memref<1x128xi32, #tpu.memory_space<vmem>>
          %dma_start3A_235 = tpu.memref_squeeze %dma_start3A_234 : memref<1x128xi32, #tpu.memory_space<vmem>> -> memref<128xi32, #tpu.memory_space<vmem>>
          %dma_start3A_236 = tpu.memref_slice %arg2[%add3A_213] : memref<204800xi32, #tpu.memory_space<hbm>> -> memref<128xi32, #tpu.memory_space<hbm>>
          tpu.enqueue_dma source(%dma_start3A_236 : memref<128xi32, #tpu.memory_space<hbm>>) target(%dma_start3A_235 : memref<128xi32, #tpu.memory_space<vmem>>) target_semaphore(%run_scoped3A_228 : memref<!tpu.dma_semaphore, #tpu.memory_space<semaphore_mem>>)
          %dma_wait3A_237 = arith.constant 0 : i32
          %dma_wait3A_238 = tpu.memref_slice %arg7[%select_n3A_177, %dma_wait3A_237] : memref<3x128xi32, #tpu.memory_space<vmem>> -> memref<1x128xi32, #tpu.memory_space<vmem>>
          %dma_wait3A_239 = tpu.memref_squeeze %dma_wait3A_238 : memref<1x128xi32, #tpu.memory_space<vmem>> -> memref<128xi32, #tpu.memory_space<vmem>>
          %dma_wait3A_240 = tpu.memref_slice %arg2[%add3A_213] : memref<204800xi32, #tpu.memory_space<hbm>> -> memref<128xi32, #tpu.memory_space<hbm>>
          %dma_wait3A_241 = arith.constant 0 : i32
          %dma_wait3A_242 = tpu.memref_slice %arg7[%select_n3A_177, %dma_wait3A_241] : memref<3x128xi32, #tpu.memory_space<vmem>> -> memref<1x128xi32, #tpu.memory_space<vmem>>
          %dma_wait3A_243 = tpu.memref_squeeze %dma_wait3A_242 : memref<1x128xi32, #tpu.memory_space<vmem>> -> memref<128xi32, #tpu.memory_space<vmem>>
          %dma_wait3A_244 = tpu.memref_slice %arg2[%add3A_213] : memref<204800xi32, #tpu.memory_space<hbm>> -> memref<128xi32, #tpu.memory_space<hbm>>
          tpu.wait_dma2 semaphore(%run_scoped3A_228 : memref<!tpu.dma_semaphore, #tpu.memory_space<semaphore_mem>>) src(%dma_wait3A_244 : memref<128xi32, #tpu.memory_space<hbm>>) dst(%dma_wait3A_243 : memref<128xi32, #tpu.memory_space<vmem>>)
          tpu.yield
        }) : () -> ()
        "tpu.region"() ({
          %run_scoped3A_228 = tpu.sem_alloc : memref<!tpu.dma_semaphore, #tpu.memory_space<semaphore_mem>>
          %dma_start3A_229 = arith.constant 0 : i32
          %dma_start3A_230 = tpu.memref_slice %arg8[%select_n3A_177, %dma_start3A_229] : memref<3x128xi32, #tpu.memory_space<vmem>> -> memref<1x128xi32, #tpu.memory_space<vmem>>
          %dma_start3A_231 = tpu.memref_squeeze %dma_start3A_230 : memref<1x128xi32, #tpu.memory_space<vmem>> -> memref<128xi32, #tpu.memory_space<vmem>>
          %dma_start3A_232 = tpu.memref_slice %arg3[%add3A_213] : memref<204800xi32, #tpu.memory_space<hbm>> -> memref<128xi32, #tpu.memory_space<hbm>>
          %dma_start3A_233 = arith.constant 0 : i32
          %dma_start3A_234 = tpu.memref_slice %arg8[%select_n3A_177, %dma_start3A_233] : memref<3x128xi32, #tpu.memory_space<vmem>> -> memref<1x128xi32, #tpu.memory_space<vmem>>
          %dma_start3A_235 = tpu.memref_squeeze %dma_start3A_234 : memref<1x128xi32, #tpu.memory_space<vmem>> -> memref<128xi32, #tpu.memory_space<vmem>>
          %dma_start3A_236 = tpu.memref_slice %arg3[%add3A_213] : memref<204800xi32, #tpu.memory_space<hbm>> -> memref<128xi32, #tpu.memory_space<hbm>>
          tpu.enqueue_dma source(%dma_start3A_236 : memref<128xi32, #tpu.memory_space<hbm>>) target(%dma_start3A_235 : memref<128xi32, #tpu.memory_space<vmem>>) target_semaphore(%run_scoped3A_228 : memref<!tpu.dma_semaphore, #tpu.memory_space<semaphore_mem>>)
          %dma_wait3A_237 = arith.constant 0 : i32
          %dma_wait3A_238 = tpu.memref_slice %arg8[%select_n3A_177, %dma_wait3A_237] : memref<3x128xi32, #tpu.memory_space<vmem>> -> memref<1x128xi32, #tpu.memory_space<vmem>>
          %dma_wait3A_239 = tpu.memref_squeeze %dma_wait3A_238 : memref<1x128xi32, #tpu.memory_space<vmem>> -> memref<128xi32, #tpu.memory_space<vmem>>
          %dma_wait3A_240 = tpu.memref_slice %arg3[%add3A_213] : memref<204800xi32, #tpu.memory_space<hbm>> -> memref<128xi32, #tpu.memory_space<hbm>>
          %dma_wait3A_241 = arith.constant 0 : i32
          %dma_wait3A_242 = tpu.memref_slice %arg8[%select_n3A_177, %dma_wait3A_241] : memref<3x128xi32, #tpu.memory_space<vmem>> -> memref<1x128xi32, #tpu.memory_space<vmem>>
          %dma_wait3A_243 = tpu.memref_squeeze %dma_wait3A_242 : memref<1x128xi32, #tpu.memory_space<vmem>> -> memref<128xi32, #tpu.memory_space<vmem>>
          %dma_wait3A_244 = tpu.memref_slice %arg3[%add3A_213] : memref<204800xi32, #tpu.memory_space<hbm>> -> memref<128xi32, #tpu.memory_space<hbm>>
          tpu.wait_dma2 semaphore(%run_scoped3A_228 : memref<!tpu.dma_semaphore, #tpu.memory_space<semaphore_mem>>) src(%dma_wait3A_244 : memref<128xi32, #tpu.memory_space<hbm>>) dst(%dma_wait3A_243 : memref<128xi32, #tpu.memory_space<vmem>>)
          tpu.yield
        }) : () -> ()
        %ge3A = arith.constant 2 : i32
        %ge3A_214 = arith.cmpi sge, %scan3A_150, %ge3A : i32
        %convert_element_type3A_215 = arith.extui %ge3A_214 : i1 to i32
        %cond3A_216 = arith.constant 0 : i32
        %cond3A_217 = arith.cmpi ne, %convert_element_type3A_215, %cond3A_216 : i32
        scf.if %cond3A_217 {
          %sub3A_228 = arith.constant 256 : i32
          %sub3A_229 = arith.subi %add3A_180, %sub3A_228 : i32
          %dma_wait3A_230 = arith.constant 0 : i32
          %dma_wait3A_231 = arith.constant 0 : i32
          %dma_wait3A_232 = tpu.memref_slice %arg9[%select_n3A_177, %dma_wait3A_230, %dma_wait3A_231] : memref<3x128x128xf32, #tpu.memory_space<vmem>> -> memref<1x128x128xf32, #tpu.memory_space<vmem>>
          %dma_wait3A_233 = tpu.memref_squeeze %dma_wait3A_232 : memref<1x128x128xf32, #tpu.memory_space<vmem>> -> memref<128x128xf32, #tpu.memory_space<vmem>>
          %dma_wait3A_234 = arith.constant 0 : i32
          %dma_wait3A_235 = tpu.memref_slice %arg6[%sub3A_229, %dma_wait3A_234] : memref<204800x128xf32, #tpu.memory_space<hbm>> -> memref<128x128xf32, #tpu.memory_space<hbm>>
          %dma_wait3A_236 = arith.constant 0 : i32
          %dma_wait3A_237 = tpu.memref_slice %arg6[%sub3A_229, %dma_wait3A_236] : memref<204800x128xf32, #tpu.memory_space<hbm>> -> memref<128x128xf32, #tpu.memory_space<hbm>>
          %dma_wait3A_238 = arith.constant 0 : i32
          %dma_wait3A_239 = arith.constant 0 : i32
          %dma_wait3A_240 = tpu.memref_slice %arg9[%select_n3A_177, %dma_wait3A_238, %dma_wait3A_239] : memref<3x128x128xf32, #tpu.memory_space<vmem>> -> memref<1x128x128xf32, #tpu.memory_space<vmem>>
          %dma_wait3A_241 = tpu.memref_squeeze %dma_wait3A_240 : memref<1x128x128xf32, #tpu.memory_space<vmem>> -> memref<128x128xf32, #tpu.memory_space<vmem>>
          tpu.wait_dma2 semaphore(%arg12 : memref<!tpu.dma_semaphore, #tpu.memory_space<semaphore_mem>>) src(%dma_wait3A_241 : memref<128x128xf32, #tpu.memory_space<vmem>>) dst(%dma_wait3A_237 : memref<128x128xf32, #tpu.memory_space<hbm>>)
        } else {
        }
        %dma_start3A_218 = arith.constant 0 : i32
        %dma_start3A_219 = arith.constant 0 : i32
        %dma_start3A_220 = tpu.memref_slice %arg9[%select_n3A_177, %dma_start3A_218, %dma_start3A_219] : memref<3x128x128xf32, #tpu.memory_space<vmem>> -> memref<1x128x128xf32, #tpu.memory_space<vmem>>
        %dma_start3A_221 = tpu.memref_squeeze %dma_start3A_220 : memref<1x128x128xf32, #tpu.memory_space<vmem>> -> memref<128x128xf32, #tpu.memory_space<vmem>>
        %dma_start3A_222 = arith.constant 0 : i32
        %dma_start3A_223 = tpu.memref_slice %arg7[%select_n3A_177, %dma_start3A_222] : memref<3x128xi32, #tpu.memory_space<vmem>> -> memref<1x128xi32, #tpu.memory_space<vmem>>
        %dma_start3A_224 = tpu.memref_squeeze %dma_start3A_223 : memref<1x128xi32, #tpu.memory_space<vmem>> -> memref<128xi32, #tpu.memory_space<vmem>>
        %dma_start3A_225 = arith.constant 0 : i32
        %dma_start3A_226 = arith.constant 0 : i32
        %dma_start3A_227 = tpu.memref_slice %arg4[%dma_start3A_225, %dma_start3A_226] : memref<100000x128xf32, #tpu.memory_space<hbm>> -> memref<100000x128xf32, #tpu.memory_space<hbm>>
        tpu.enqueue_indirect_dma source(%dma_start3A_227 : memref<100000x128xf32, #tpu.memory_space<hbm>>) target(%dma_start3A_221 : memref<128x128xf32, #tpu.memory_space<vmem>>) offsets(%dma_start3A_224 : memref<128xi32, #tpu.memory_space<vmem>>) semaphore(%arg11 : memref<!tpu.dma_semaphore, #tpu.memory_space<semaphore_mem>>)
      } else {
      }
      %dma_wait3A_184 = arith.constant 0 : i32
      %dma_wait3A_185 = arith.constant 0 : i32
      %dma_wait3A_186 = tpu.memref_slice %arg9[%select_n3A_159, %dma_wait3A_184, %dma_wait3A_185] : memref<3x128x128xf32, #tpu.memory_space<vmem>> -> memref<1x128x128xf32, #tpu.memory_space<vmem>>
      %dma_wait3A_187 = tpu.memref_squeeze %dma_wait3A_186 : memref<1x128x128xf32, #tpu.memory_space<vmem>> -> memref<128x128xf32, #tpu.memory_space<vmem>>
      %dma_wait3A_188 = arith.constant 0 : i32
      %dma_wait3A_189 = tpu.memref_slice %arg7[%select_n3A_159, %dma_wait3A_188] : memref<3x128xi32, #tpu.memory_space<vmem>> -> memref<1x128xi32, #tpu.memory_space<vmem>>
      %dma_wait3A_190 = tpu.memref_squeeze %dma_wait3A_189 : memref<1x128xi32, #tpu.memory_space<vmem>> -> memref<128xi32, #tpu.memory_space<vmem>>
      %dma_wait3A_191 = arith.constant 0 : i32
      %dma_wait3A_192 = arith.constant 0 : i32
      %dma_wait3A_193 = tpu.memref_slice %arg4[%dma_wait3A_191, %dma_wait3A_192] : memref<100000x128xf32, #tpu.memory_space<hbm>> -> memref<100000x128xf32, #tpu.memory_space<hbm>>
      tpu.wait_indirect_dma semaphore(%arg11 : memref<!tpu.dma_semaphore, #tpu.memory_space<semaphore_mem>>) src(%dma_wait3A_193 : memref<100000x128xf32, #tpu.memory_space<hbm>>) dst(%dma_wait3A_187 : memref<128x128xf32, #tpu.memory_space<vmem>>)
      %scan3A_194 = arith.constant 0 : i32
      %scan3A_195 = arith.constant 0 : i32
      %scan3A_196 = arith.constant 8 : i32
      %scan3A_197 = arith.addi %scan3A_195, %scan3A_196 : i32
      %scan3A_198 = arith.constant 1 : i32
      scf.for %scan3A_212 = %scan3A_195 to %scan3A_197 step %scan3A_198  : i32 {
        %mul3A_213 = arith.constant 16 : i32
        %mul3A_214 = arith.muli %mul3A_213, %scan3A_212 : i32
        %get3A_215 = arith.index_cast %select_n3A_159 : i32 to index
        %get3A_216 = arith.index_cast %mul3A_214 : i32 to index
        %get3A_217 = tpu.vector_load %arg8[%get3A_215, %get3A_216] {strides = array<i32>} : memref<3x128xi32, #tpu.memory_space<vmem>>, vector<1x16xi32>,
        %get3A_218 = vector.shape_cast %get3A_217 : vector<1x16xi32> to vector<16xi32>
        %convert_element_type3A_219 = arith.sitofp %get3A_218 : vector<16xi32> to vector<16xf32>
        %mul3A_220 = arith.constant 16 : i32
        %mul3A_221 = arith.muli %mul3A_220, %scan3A_212 : i32
        %add3A_222 = arith.constant 0 : i32
        %add3A_223 = arith.addi %mul3A_221, %add3A_222 : i32
        %slice3A = vector.extract_strided_slice %convert_element_type3A_219 {offsets = [0], sizes = [1], strides = [1]} : vector<16xf32> to vector<1xf32>
        %squeeze3A = vector.extract %slice3A[0] : f32 from vector<1xf32>
        %broadcast_in_dim3A = vector.broadcast %squeeze3A : f32 to vector<16xf32>
        %get3A_224 = arith.index_cast %select_n3A_159 : i32 to index
        %get3A_225 = arith.index_cast %add3A_223 : i32 to index
        %get3A_226 = arith.constant 0 : index
        %get3A_227 = tpu.vector_load %arg9[%get3A_224, %get3A_225, %get3A_226] {strides = array<i32>} : memref<3x128x128xf32, #tpu.memory_space<vmem>>, vector<1x1x16xf32>,
        %get3A_228 = vector.shape_cast %get3A_227 : vector<1x1x16xf32> to vector<16xf32>
        %mul3A_229 = arith.mulf %broadcast_in_dim3A, %sub3A : vector<16xf32>
        %add3A_230 = arith.addf %get3A_6, %mul3A_229 : vector<16xf32>
        %add3A_231 = arith.addf %get3A_228, %add3A_230 : vector<16xf32>
        %swap3A = arith.index_cast %select_n3A_159 : i32 to index
        %swap3A_232 = arith.index_cast %add3A_223 : i32 to index
        %swap3A_233 = arith.constant 0 : index
        %swap3A_234 = tpu.vector_load %arg9[%swap3A, %swap3A_232, %swap3A_233] {strides = array<i32>} : memref<3x128x128xf32, #tpu.memory_space<vmem>>, vector<1x1x16xf32>,
        %swap3A_235 = vector.shape_cast %swap3A_234 : vector<1x1x16xf32> to vector<16xf32>
        %swap3A_236 = vector.shape_cast %add3A_231 : vector<16xf32> to vector<1x1x16xf32>
        tpu.vector_store %arg9[%swap3A, %swap3A_232, %swap3A_233], %swap3A_236 {strides = array<i32>} : memref<3x128x128xf32, #tpu.memory_space<vmem>>, vector<1x1x16xf32>,
        %get3A_237 = arith.index_cast %select_n3A_159 : i32 to index
        %get3A_238 = arith.index_cast %add3A_223 : i32 to index
        %get3A_239 = arith.constant 16 : index
        %get3A_240 = tpu.vector_load %arg9[%get3A_237, %get3A_238, %get3A_239] {strides = array<i32>} : memref<3x128x128xf32, #tpu.memory_space<vmem>>, vector<1x1x16xf32>,
        %get3A_241 = vector.shape_cast %get3A_240 : vector<1x1x16xf32> to vector<16xf32>
        %mul3A_242 = arith.mulf %broadcast_in_dim3A, %sub3A_52 : vector<16xf32>
        %add3A_243 = arith.addf %get3A_11, %mul3A_242 : vector<16xf32>
        %add3A_244 = arith.addf %get3A_241, %add3A_243 : vector<16xf32>
        %swap3A_245 = arith.index_cast %select_n3A_159 : i32 to index
        %swap3A_246 = arith.index_cast %add3A_223 : i32 to index
        %swap3A_247 = arith.constant 16 : index
        %swap3A_248 = tpu.vector_load %arg9[%swap3A_245, %swap3A_246, %swap3A_247] {strides = array<i32>} : memref<3x128x128xf32, #tpu.memory_space<vmem>>, vector<1x1x16xf32>,
        %swap3A_249 = vector.shape_cast %swap3A_248 : vector<1x1x16xf32> to vector<16xf32>
        %swap3A_250 = vector.shape_cast %add3A_244 : vector<16xf32> to vector<1x1x16xf32>
        tpu.vector_store %arg9[%swap3A_245, %swap3A_246, %swap3A_247], %swap3A_250 {strides = array<i32>} : memref<3x128x128xf32, #tpu.memory_space<vmem>>, vector<1x1x16xf32>,
        %get3A_251 = arith.index_cast %select_n3A_159 : i32 to index
        %get3A_252 = arith.index_cast %add3A_223 : i32 to index
        %get3A_253 = arith.constant 32 : index
        %get3A_254 = tpu.vector_load %arg9[%get3A_251, %get3A_252, %get3A_253] {strides = array<i32>} : memref<3x128x128xf32, #tpu.memory_space<vmem>>, vector<1x1x16xf32>,
        %get3A_255 = vector.shape_cast %get3A_254 : vector<1x1x16xf32> to vector<16xf32>
        %mul3A_256 = arith.mulf %broadcast_in_dim3A, %sub3A_58 : vector<16xf32>
        %add3A_257 = arith.addf %get3A_16, %mul3A_256 : vector<16xf32>
        %add3A_258 = arith.addf %get3A_255, %add3A_257 : vector<16xf32>
        %swap3A_259 = arith.index_cast %select_n3A_159 : i32 to index
        %swap3A_260 = arith.index_cast %add3A_223 : i32 to index
        %swap3A_261 = arith.constant 32 : index
        %swap3A_262 = tpu.vector_load %arg9[%swap3A_259, %swap3A_260, %swap3A_261] {strides = array<i32>} : memref<3x128x128xf32, #tpu.memory_space<vmem>>, vector<1x1x16xf32>,
        %swap3A_263 = vector.shape_cast %swap3A_262 : vector<1x1x16xf32> to vector<16xf32>
        %swap3A_264 = vector.shape_cast %add3A_258 : vector<16xf32> to vector<1x1x16xf32>
        tpu.vector_store %arg9[%swap3A_259, %swap3A_260, %swap3A_261], %swap3A_264 {strides = array<i32>} : memref<3x128x128xf32, #tpu.memory_space<vmem>>, vector<1x1x16xf32>,
        %get3A_265 = arith.index_cast %select_n3A_159 : i32 to index
        %get3A_266 = arith.index_cast %add3A_223 : i32 to index
        %get3A_267 = arith.constant 48 : index
        %get3A_268 = tpu.vector_load %arg9[%get3A_265, %get3A_266, %get3A_267] {strides = array<i32>} : memref<3x128x128xf32, #tpu.memory_space<vmem>>, vector<1x1x16xf32>,
        %get3A_269 = vector.shape_cast %get3A_268 : vector<1x1x16xf32> to vector<16xf32>
        %mul3A_270 = arith.mulf %broadcast_in_dim3A, %sub3A_64 : vector<16xf32>
        %add3A_271 = arith.addf %get3A_21, %mul3A_270 : vector<16xf32>
        %add3A_272 = arith.addf %get3A_269, %add3A_271 : vector<16xf32>
        %swap3A_273 = arith.index_cast %select_n3A_159 : i32 to index
        %swap3A_274 = arith.index_cast %add3A_223 : i32 to index
        %swap3A_275 = arith.constant 48 : index
        %swap3A_276 = tpu.vector_load %arg9[%swap3A_273, %swap3A_274, %swap3A_275] {strides = array<i32>} : memref<3x128x128xf32, #tpu.memory_space<vmem>>, vector<1x1x16xf32>,
        %swap3A_277 = vector.shape_cast %swap3A_276 : vector<1x1x16xf32> to vector<16xf32>
        %swap3A_278 = vector.shape_cast %add3A_272 : vector<16xf32> to vector<1x1x16xf32>
        tpu.vector_store %arg9[%swap3A_273, %swap3A_274, %swap3A_275], %swap3A_278 {strides = array<i32>} : memref<3x128x128xf32, #tpu.memory_space<vmem>>, vector<1x1x16xf32>,
        %get3A_279 = arith.index_cast %select_n3A_159 : i32 to index
        %get3A_280 = arith.index_cast %add3A_223 : i32 to index
        %get3A_281 = arith.constant 64 : index
        %get3A_282 = tpu.vector_load %arg9[%get3A_279, %get3A_280, %get3A_281] {strides = array<i32>} : memref<3x128x128xf32, #tpu.memory_space<vmem>>, vector<1x1x16xf32>,
        %get3A_283 = vector.shape_cast %get3A_282 : vector<1x1x16xf32> to vector<16xf32>
        %mul3A_284 = arith.mulf %broadcast_in_dim3A, %sub3A_70 : vector<16xf32>
        %add3A_285 = arith.addf %get3A_26, %mul3A_284 : vector<16xf32>
        %add3A_286 = arith.addf %get3A_283, %add3A_285 : vector<16xf32>
        %swap3A_287 = arith.index_cast %select_n3A_159 : i32 to index
        %swap3A_288 = arith.index_cast %add3A_223 : i32 to index
        %swap3A_289 = arith.constant 64 : index
        %swap3A_290 = tpu.vector_load %arg9[%swap3A_287, %swap3A_288, %swap3A_289] {strides = array<i32>} : memref<3x128x128xf32, #tpu.memory_space<vmem>>, vector<1x1x16xf32>,
        %swap3A_291 = vector.shape_cast %swap3A_290 : vector<1x1x16xf32> to vector<16xf32>
        %swap3A_292 = vector.shape_cast %add3A_286 : vector<16xf32> to vector<1x1x16xf32>
        tpu.vector_store %arg9[%swap3A_287, %swap3A_288, %swap3A_289], %swap3A_292 {strides = array<i32>} : memref<3x128x128xf32, #tpu.memory_space<vmem>>, vector<1x1x16xf32>,
        %get3A_293 = arith.index_cast %select_n3A_159 : i32 to index
        %get3A_294 = arith.index_cast %add3A_223 : i32 to index
        %get3A_295 = arith.constant 80 : index
        %get3A_296 = tpu.vector_load %arg9[%get3A_293, %get3A_294, %get3A_295] {strides = array<i32>} : memref<3x128x128xf32, #tpu.memory_space<vmem>>, vector<1x1x16xf32>,
        %get3A_297 = vector.shape_cast %get3A_296 : vector<1x1x16xf32> to vector<16xf32>
        %mul3A_298 = arith.mulf %broadcast_in_dim3A, %sub3A_76 : vector<16xf32>
        %add3A_299 = arith.addf %get3A_31, %mul3A_298 : vector<16xf32>
        %add3A_300 = arith.addf %get3A_297, %add3A_299 : vector<16xf32>
        %swap3A_301 = arith.index_cast %select_n3A_159 : i32 to index
        %swap3A_302 = arith.index_cast %add3A_223 : i32 to index
        %swap3A_303 = arith.constant 80 : index
        %swap3A_304 = tpu.vector_load %arg9[%swap3A_301, %swap3A_302, %swap3A_303] {strides = array<i32>} : memref<3x128x128xf32, #tpu.memory_space<vmem>>, vector<1x1x16xf32>,
        %swap3A_305 = vector.shape_cast %swap3A_304 : vector<1x1x16xf32> to vector<16xf32>
        %swap3A_306 = vector.shape_cast %add3A_300 : vector<16xf32> to vector<1x1x16xf32>
        tpu.vector_store %arg9[%swap3A_301, %swap3A_302, %swap3A_303], %swap3A_306 {strides = array<i32>} : memref<3x128x128xf32, #tpu.memory_space<vmem>>, vector<1x1x16xf32>,
        %get3A_307 = arith.index_cast %select_n3A_159 : i32 to index
        %get3A_308 = arith.index_cast %add3A_223 : i32 to index
        %get3A_309 = arith.constant 96 : index
        %get3A_310 = tpu.vector_load %arg9[%get3A_307, %get3A_308, %get3A_309] {strides = array<i32>} : memref<3x128x128xf32, #tpu.memory_space<vmem>>, vector<1x1x16xf32>,
        %get3A_311 = vector.shape_cast %get3A_310 : vector<1x1x16xf32> to vector<16xf32>
        %mul3A_312 = arith.mulf %broadcast_in_dim3A, %sub3A_82 : vector<16xf32>
        %add3A_313 = arith.addf %get3A_36, %mul3A_312 : vector<16xf32>
        %add3A_314 = arith.addf %get3A_311, %add3A_313 : vector<16xf32>
        %swap3A_315 = arith.index_cast %select_n3A_159 : i32 to index
        %swap3A_316 = arith.index_cast %add3A_223 : i32 to index
        %swap3A_317 = arith.constant 96 : index
        %swap3A_318 = tpu.vector_load %arg9[%swap3A_315, %swap3A_316, %swap3A_317] {strides = array<i32>} : memref<3x128x128xf32, #tpu.memory_space<vmem>>, vector<1x1x16xf32>,
        %swap3A_319 = vector.shape_cast %swap3A_318 : vector<1x1x16xf32> to vector<16xf32>
        %swap3A_320 = vector.shape_cast %add3A_314 : vector<16xf32> to vector<1x1x16xf32>
        tpu.vector_store %arg9[%swap3A_315, %swap3A_316, %swap3A_317], %swap3A_320 {strides = array<i32>} : memref<3x128x128xf32, #tpu.memory_space<vmem>>, vector<1x1x16xf32>,
        %get3A_321 = arith.index_cast %select_n3A_159 : i32 to index
        %get3A_322 = arith.index_cast %add3A_223 : i32 to index
        %get3A_323 = arith.constant 112 : index
        %get3A_324 = tpu.vector_load %arg9[%get3A_321, %get3A_322, %get3A_323] {strides = array<i32>} : memref<3x128x128xf32, #tpu.memory_space<vmem>>, vector<1x1x16xf32>,
        %get3A_325 = vector.shape_cast %get3A_324 : vector<1x1x16xf32> to vector<16xf32>
        %mul3A_326 = arith.mulf %broadcast_in_dim3A, %sub3A_88 : vector<16xf32>
        %add3A_327 = arith.addf %get3A_41, %mul3A_326 : vector<16xf32>
        %add3A_328 = arith.addf %get3A_325, %add3A_327 : vector<16xf32>
        %swap3A_329 = arith.index_cast %select_n3A_159 : i32 to index
        %swap3A_330 = arith.index_cast %add3A_223 : i32 to index
        %swap3A_331 = arith.constant 112 : index
        %swap3A_332 = tpu.vector_load %arg9[%swap3A_329, %swap3A_330, %swap3A_331] {strides = array<i32>} : memref<3x128x128xf32, #tpu.memory_space<vmem>>, vector<1x1x16xf32>,
        %swap3A_333 = vector.shape_cast %swap3A_332 : vector<1x1x16xf32> to vector<16xf32>
        %swap3A_334 = vector.shape_cast %add3A_328 : vector<16xf32> to vector<1x1x16xf32>
        tpu.vector_store %arg9[%swap3A_329, %swap3A_330, %swap3A_331], %swap3A_334 {strides = array<i32>} : memref<3x128x128xf32, #tpu.memory_space<vmem>>, vector<1x1x16xf32>,
        %mul3A_335 = arith.constant 16 : i32
        %mul3A_336 = arith.muli %mul3A_335, %scan3A_212 : i32
        %add3A_337 = arith.constant 1 : i32
        %add3A_338 = arith.addi %mul3A_336, %add3A_337 : i32
        %slice3A_339 = vector.extract_strided_slice %convert_element_type3A_219 {offsets = [1], sizes = [1], strides = [1]} : vector<16xf32> to vector<1xf32>
        %squeeze3A_340 = vector.extract %slice3A_339[0] : f32 from vector<1xf32>
        %broadcast_in_dim3A_341 = vector.broadcast %squeeze3A_340 : f32 to vector<16xf32>
        %get3A_342 = arith.index_cast %select_n3A_159 : i32 to index
        %get3A_343 = arith.index_cast %add3A_338 : i32 to index
        %get3A_344 = arith.constant 0 : index
        %get3A_345 = tpu.vector_load %arg9[%get3A_342, %get3A_343, %get3A_344] {strides = array<i32>} : memref<3x128x128xf32, #tpu.memory_space<vmem>>, vector<1x1x16xf32>,
        %get3A_346 = vector.shape_cast %get3A_345 : vector<1x1x16xf32> to vector<16xf32>
        %mul3A_347 = arith.mulf %broadcast_in_dim3A_341, %sub3A : vector<16xf32>
        %add3A_348 = arith.addf %get3A_6, %mul3A_347 : vector<16xf32>
        %add3A_349 = arith.addf %get3A_346, %add3A_348 : vector<16xf32>
        %swap3A_350 = arith.index_cast %select_n3A_159 : i32 to index
        %swap3A_351 = arith.index_cast %add3A_338 : i32 to index
        %swap3A_352 = arith.constant 0 : index
        %swap3A_353 = tpu.vector_load %arg9[%swap3A_350, %swap3A_351, %swap3A_352] {strides = array<i32>} : memref<3x128x128xf32, #tpu.memory_space<vmem>>, vector<1x1x16xf32>,
        %swap3A_354 = vector.shape_cast %swap3A_353 : vector<1x1x16xf32> to vector<16xf32>
        %swap3A_355 = vector.shape_cast %add3A_349 : vector<16xf32> to vector<1x1x16xf32>
        tpu.vector_store %arg9[%swap3A_350, %swap3A_351, %swap3A_352], %swap3A_355 {strides = array<i32>} : memref<3x128x128xf32, #tpu.memory_space<vmem>>, vector<1x1x16xf32>,
        %get3A_356 = arith.index_cast %select_n3A_159 : i32 to index
        %get3A_357 = arith.index_cast %add3A_338 : i32 to index
        %get3A_358 = arith.constant 16 : index
        %get3A_359 = tpu.vector_load %arg9[%get3A_356, %get3A_357, %get3A_358] {strides = array<i32>} : memref<3x128x128xf32, #tpu.memory_space<vmem>>, vector<1x1x16xf32>,
        %get3A_360 = vector.shape_cast %get3A_359 : vector<1x1x16xf32> to vector<16xf32>
        %mul3A_361 = arith.mulf %broadcast_in_dim3A_341, %sub3A_52 : vector<16xf32>
        %add3A_362 = arith.addf %get3A_11, %mul3A_361 : vector<16xf32>
        %add3A_363 = arith.addf %get3A_360, %add3A_362 : vector<16xf32>
        %swap3A_364 = arith.index_cast %select_n3A_159 : i32 to index
        %swap3A_365 = arith.index_cast %add3A_338 : i32 to index
        %swap3A_366 = arith.constant 16 : index
        %swap3A_367 = tpu.vector_load %arg9[%swap3A_364, %swap3A_365, %swap3A_366] {strides = array<i32>} : memref<3x128x128xf32, #tpu.memory_space<vmem>>, vector<1x1x16xf32>,
        %swap3A_368 = vector.shape_cast %swap3A_367 : vector<1x1x16xf32> to vector<16xf32>
        %swap3A_369 = vector.shape_cast %add3A_363 : vector<16xf32> to vector<1x1x16xf32>
        tpu.vector_store %arg9[%swap3A_364, %swap3A_365, %swap3A_366], %swap3A_369 {strides = array<i32>} : memref<3x128x128xf32, #tpu.memory_space<vmem>>, vector<1x1x16xf32>,
        %get3A_370 = arith.index_cast %select_n3A_159 : i32 to index
        %get3A_371 = arith.index_cast %add3A_338 : i32 to index
        %get3A_372 = arith.constant 32 : index
        %get3A_373 = tpu.vector_load %arg9[%get3A_370, %get3A_371, %get3A_372] {strides = array<i32>} : memref<3x128x128xf32, #tpu.memory_space<vmem>>, vector<1x1x16xf32>,
        %get3A_374 = vector.shape_cast %get3A_373 : vector<1x1x16xf32> to vector<16xf32>
        %mul3A_375 = arith.mulf %broadcast_in_dim3A_341, %sub3A_58 : vector<16xf32>
        %add3A_376 = arith.addf %get3A_16, %mul3A_375 : vector<16xf32>
        %add3A_377 = arith.addf %get3A_374, %add3A_376 : vector<16xf32>
        %swap3A_378 = arith.index_cast %select_n3A_159 : i32 to index
        %swap3A_379 = arith.index_cast %add3A_338 : i32 to index
        %swap3A_380 = arith.constant 32 : index
        %swap3A_381 = tpu.vector_load %arg9[%swap3A_378, %swap3A_379, %swap3A_380] {strides = array<i32>} : memref<3x128x128xf32, #tpu.memory_space<vmem>>, vector<1x1x16xf32>,
        %swap3A_382 = vector.shape_cast %swap3A_381 : vector<1x1x16xf32> to vector<16xf32>
        %swap3A_383 = vector.shape_cast %add3A_377 : vector<16xf32> to vector<1x1x16xf32>
        tpu.vector_store %arg9[%swap3A_378, %swap3A_379, %swap3A_380], %swap3A_383 {strides = array<i32>} : memref<3x128x128xf32, #tpu.memory_space<vmem>>, vector<1x1x16xf32>,
        %get3A_384 = arith.index_cast %select_n3A_159 : i32 to index
        %get3A_385 = arith.index_cast %add3A_338 : i32 to index
        %get3A_386 = arith.constant 48 : index
        %get3A_387 = tpu.vector_load %arg9[%get3A_384, %get3A_385, %get3A_386] {strides = array<i32>} : memref<3x128x128xf32, #tpu.memory_space<vmem>>, vector<1x1x16xf32>,
        %get3A_388 = vector.shape_cast %get3A_387 : vector<1x1x16xf32> to vector<16xf32>
        %mul3A_389 = arith.mulf %broadcast_in_dim3A_341, %sub3A_64 : vector<16xf32>
        %add3A_390 = arith.addf %get3A_21, %mul3A_389 : vector<16xf32>
        %add3A_391 = arith.addf %get3A_388, %add3A_390 : vector<16xf32>
        %swap3A_392 = arith.index_cast %select_n3A_159 : i32 to index
        %swap3A_393 = arith.index_cast %add3A_338 : i32 to index
        %swap3A_394 = arith.constant 48 : index
        %swap3A_395 = tpu.vector_load %arg9[%swap3A_392, %swap3A_393, %swap3A_394] {strides = array<i32>} : memref<3x128x128xf32, #tpu.memory_space<vmem>>, vector<1x1x16xf32>,
        %swap3A_396 = vector.shape_cast %swap3A_395 : vector<1x1x16xf32> to vector<16xf32>
        %swap3A_397 = vector.shape_cast %add3A_391 : vector<16xf32> to vector<1x1x16xf32>
        tpu.vector_store %arg9[%swap3A_392, %swap3A_393, %swap3A_394], %swap3A_397 {strides = array<i32>} : memref<3x128x128xf32, #tpu.memory_space<vmem>>, vector<1x1x16xf32>,
        %get3A_398 = arith.index_cast %select_n3A_159 : i32 to index
        %get3A_399 = arith.index_cast %add3A_338 : i32 to index
        %get3A_400 = arith.constant 64 : index
        %get3A_401 = tpu.vector_load %arg9[%get3A_398, %get3A_399, %get3A_400] {strides = array<i32>} : memref<3x128x128xf32, #tpu.memory_space<vmem>>, vector<1x1x16xf32>,
        %get3A_402 = vector.shape_cast %get3A_401 : vector<1x1x16xf32> to vector<16xf32>
        %mul3A_403 = arith.mulf %broadcast_in_dim3A_341, %sub3A_70 : vector<16xf32>
        %add3A_404 = arith.addf %get3A_26, %mul3A_403 : vector<16xf32>
        %add3A_405 = arith.addf %get3A_402, %add3A_404 : vector<16xf32>
        %swap3A_406 = arith.index_cast %select_n3A_159 : i32 to index
        %swap3A_407 = arith.index_cast %add3A_338 : i32 to index
        %swap3A_408 = arith.constant 64 : index
        %swap3A_409 = tpu.vector_load %arg9[%swap3A_406, %swap3A_407, %swap3A_408] {strides = array<i32>} : memref<3x128x128xf32, #tpu.memory_space<vmem>>, vector<1x1x16xf32>,
        %swap3A_410 = vector.shape_cast %swap3A_409 : vector<1x1x16xf32> to vector<16xf32>
        %swap3A_411 = vector.shape_cast %add3A_405 : vector<16xf32> to vector<1x1x16xf32>
        tpu.vector_store %arg9[%swap3A_406, %swap3A_407, %swap3A_408], %swap3A_411 {strides = array<i32>} : memref<3x128x128xf32, #tpu.memory_space<vmem>>, vector<1x1x16xf32>,
        %get3A_412 = arith.index_cast %select_n3A_159 : i32 to index
        %get3A_413 = arith.index_cast %add3A_338 : i32 to index
        %get3A_414 = arith.constant 80 : index
        %get3A_415 = tpu.vector_load %arg9[%get3A_412, %get3A_413, %get3A_414] {strides = array<i32>} : memref<3x128x128xf32, #tpu.memory_space<vmem>>, vector<1x1x16xf32>,
        %get3A_416 = vector.shape_cast %get3A_415 : vector<1x1x16xf32> to vector<16xf32>
        %mul3A_417 = arith.mulf %broadcast_in_dim3A_341, %sub3A_76 : vector<16xf32>
        %add3A_418 = arith.addf %get3A_31, %mul3A_417 : vector<16xf32>
        %add3A_419 = arith.addf %get3A_416, %add3A_418 : vector<16xf32>
        %swap3A_420 = arith.index_cast %select_n3A_159 : i32 to index
        %swap3A_421 = arith.index_cast %add3A_338 : i32 to index
        %swap3A_422 = arith.constant 80 : index
        %swap3A_423 = tpu.vector_load %arg9[%swap3A_420, %swap3A_421, %swap3A_422] {strides = array<i32>} : memref<3x128x128xf32, #tpu.memory_space<vmem>>, vector<1x1x16xf32>,
        %swap3A_424 = vector.shape_cast %swap3A_423 : vector<1x1x16xf32> to vector<16xf32>
        %swap3A_425 = vector.shape_cast %add3A_419 : vector<16xf32> to vector<1x1x16xf32>
        tpu.vector_store %arg9[%swap3A_420, %swap3A_421, %swap3A_422], %swap3A_425 {strides = array<i32>} : memref<3x128x128xf32, #tpu.memory_space<vmem>>, vector<1x1x16xf32>,
        %get3A_426 = arith.index_cast %select_n3A_159 : i32 to index
        %get3A_427 = arith.index_cast %add3A_338 : i32 to index
        %get3A_428 = arith.constant 96 : index
        %get3A_429 = tpu.vector_load %arg9[%get3A_426, %get3A_427, %get3A_428] {strides = array<i32>} : memref<3x128x128xf32, #tpu.memory_space<vmem>>, vector<1x1x16xf32>,
        %get3A_430 = vector.shape_cast %get3A_429 : vector<1x1x16xf32> to vector<16xf32>
        %mul3A_431 = arith.mulf %broadcast_in_dim3A_341, %sub3A_82 : vector<16xf32>
        %add3A_432 = arith.addf %get3A_36, %mul3A_431 : vector<16xf32>
        %add3A_433 = arith.addf %get3A_430, %add3A_432 : vector<16xf32>
        %swap3A_434 = arith.index_cast %select_n3A_159 : i32 to index
        %swap3A_435 = arith.index_cast %add3A_338 : i32 to index
        %swap3A_436 = arith.constant 96 : index
        %swap3A_437 = tpu.vector_load %arg9[%swap3A_434, %swap3A_435, %swap3A_436] {strides = array<i32>} : memref<3x128x128xf32, #tpu.memory_space<vmem>>, vector<1x1x16xf32>,
        %swap3A_438 = vector.shape_cast %swap3A_437 : vector<1x1x16xf32> to vector<16xf32>
        %swap3A_439 = vector.shape_cast %add3A_433 : vector<16xf32> to vector<1x1x16xf32>
        tpu.vector_store %arg9[%swap3A_434, %swap3A_435, %swap3A_436], %swap3A_439 {strides = array<i32>} : memref<3x128x128xf32, #tpu.memory_space<vmem>>, vector<1x1x16xf32>,
        %get3A_440 = arith.index_cast %select_n3A_159 : i32 to index
        %get3A_441 = arith.index_cast %add3A_338 : i32 to index
        %get3A_442 = arith.constant 112 : index
        %get3A_443 = tpu.vector_load %arg9[%get3A_440, %get3A_441, %get3A_442] {strides = array<i32>} : memref<3x128x128xf32, #tpu.memory_space<vmem>>, vector<1x1x16xf32>,
        %get3A_444 = vector.shape_cast %get3A_443 : vector<1x1x16xf32> to vector<16xf32>
        %mul3A_445 = arith.mulf %broadcast_in_dim3A_341, %sub3A_88 : vector<16xf32>
        %add3A_446 = arith.addf %get3A_41, %mul3A_445 : vector<16xf32>
        %add3A_447 = arith.addf %get3A_444, %add3A_446 : vector<16xf32>
        %swap3A_448 = arith.index_cast %select_n3A_159 : i32 to index
        %swap3A_449 = arith.index_cast %add3A_338 : i32 to index
        %swap3A_450 = arith.constant 112 : index
        %swap3A_451 = tpu.vector_load %arg9[%swap3A_448, %swap3A_449, %swap3A_450] {strides = array<i32>} : memref<3x128x128xf32, #tpu.memory_space<vmem>>, vector<1x1x16xf32>,
        %swap3A_452 = vector.shape_cast %swap3A_451 : vector<1x1x16xf32> to vector<16xf32>
        %swap3A_453 = vector.shape_cast %add3A_447 : vector<16xf32> to vector<1x1x16xf32>
        tpu.vector_store %arg9[%swap3A_448, %swap3A_449, %swap3A_450], %swap3A_453 {strides = array<i32>} : memref<3x128x128xf32, #tpu.memory_space<vmem>>, vector<1x1x16xf32>,
        %mul3A_454 = arith.constant 16 : i32
        %mul3A_455 = arith.muli %mul3A_454, %scan3A_212 : i32
        %add3A_456 = arith.constant 2 : i32
        %add3A_457 = arith.addi %mul3A_455, %add3A_456 : i32
        %slice3A_458 = vector.extract_strided_slice %convert_element_type3A_219 {offsets = [2], sizes = [1], strides = [1]} : vector<16xf32> to vector<1xf32>
        %squeeze3A_459 = vector.extract %slice3A_458[0] : f32 from vector<1xf32>
        %broadcast_in_dim3A_460 = vector.broadcast %squeeze3A_459 : f32 to vector<16xf32>
        %get3A_461 = arith.index_cast %select_n3A_159 : i32 to index
        %get3A_462 = arith.index_cast %add3A_457 : i32 to index
        %get3A_463 = arith.constant 0 : index
        %get3A_464 = tpu.vector_load %arg9[%get3A_461, %get3A_462, %get3A_463] {strides = array<i32>} : memref<3x128x128xf32, #tpu.memory_space<vmem>>, vector<1x1x16xf32>,
        %get3A_465 = vector.shape_cast %get3A_464 : vector<1x1x16xf32> to vector<16xf32>
        %mul3A_466 = arith.mulf %broadcast_in_dim3A_460, %sub3A : vector<16xf32>
        %add3A_467 = arith.addf %get3A_6, %mul3A_466 : vector<16xf32>
        %add3A_468 = arith.addf %get3A_465, %add3A_467 : vector<16xf32>
        %swap3A_469 = arith.index_cast %select_n3A_159 : i32 to index
        %swap3A_470 = arith.index_cast %add3A_457 : i32 to index
        %swap3A_471 = arith.constant 0 : index
        %swap3A_472 = tpu.vector_load %arg9[%swap3A_469, %swap3A_470, %swap3A_471] {strides = array<i32>} : memref<3x128x128xf32, #tpu.memory_space<vmem>>, vector<1x1x16xf32>,
        %swap3A_473 = vector.shape_cast %swap3A_472 : vector<1x1x16xf32> to vector<16xf32>
        %swap3A_474 = vector.shape_cast %add3A_468 : vector<16xf32> to vector<1x1x16xf32>
        tpu.vector_store %arg9[%swap3A_469, %swap3A_470, %swap3A_471], %swap3A_474 {strides = array<i32>} : memref<3x128x128xf32, #tpu.memory_space<vmem>>, vector<1x1x16xf32>,
        %get3A_475 = arith.index_cast %select_n3A_159 : i32 to index
        %get3A_476 = arith.index_cast %add3A_457 : i32 to index
        %get3A_477 = arith.constant 16 : index
        %get3A_478 = tpu.vector_load %arg9[%get3A_475, %get3A_476, %get3A_477] {strides = array<i32>} : memref<3x128x128xf32, #tpu.memory_space<vmem>>, vector<1x1x16xf32>,
        %get3A_479 = vector.shape_cast %get3A_478 : vector<1x1x16xf32> to vector<16xf32>
        %mul3A_480 = arith.mulf %broadcast_in_dim3A_460, %sub3A_52 : vector<16xf32>
        %add3A_481 = arith.addf %get3A_11, %mul3A_480 : vector<16xf32>
        %add3A_482 = arith.addf %get3A_479, %add3A_481 : vector<16xf32>
        %swap3A_483 = arith.index_cast %select_n3A_159 : i32 to index
        %swap3A_484 = arith.index_cast %add3A_457 : i32 to index
        %swap3A_485 = arith.constant 16 : index
        %swap3A_486 = tpu.vector_load %arg9[%swap3A_483, %swap3A_484, %swap3A_485] {strides = array<i32>} : memref<3x128x128xf32, #tpu.memory_space<vmem>>, vector<1x1x16xf32>,
        %swap3A_487 = vector.shape_cast %swap3A_486 : vector<1x1x16xf32> to vector<16xf32>
        %swap3A_488 = vector.shape_cast %add3A_482 : vector<16xf32> to vector<1x1x16xf32>
        tpu.vector_store %arg9[%swap3A_483, %swap3A_484, %swap3A_485], %swap3A_488 {strides = array<i32>} : memref<3x128x128xf32, #tpu.memory_space<vmem>>, vector<1x1x16xf32>,
        %get3A_489 = arith.index_cast %select_n3A_159 : i32 to index
        %get3A_490 = arith.index_cast %add3A_457 : i32 to index
        %get3A_491 = arith.constant 32 : index
        %get3A_492 = tpu.vector_load %arg9[%get3A_489, %get3A_490, %get3A_491] {strides = array<i32>} : memref<3x128x128xf32, #tpu.memory_space<vmem>>, vector<1x1x16xf32>,
        %get3A_493 = vector.shape_cast %get3A_492 : vector<1x1x16xf32> to vector<16xf32>
        %mul3A_494 = arith.mulf %broadcast_in_dim3A_460, %sub3A_58 : vector<16xf32>
        %add3A_495 = arith.addf %get3A_16, %mul3A_494 : vector<16xf32>
        %add3A_496 = arith.addf %get3A_493, %add3A_495 : vector<16xf32>
        %swap3A_497 = arith.index_cast %select_n3A_159 : i32 to index
        %swap3A_498 = arith.index_cast %add3A_457 : i32 to index
        %swap3A_499 = arith.constant 32 : index
        %swap3A_500 = tpu.vector_load %arg9[%swap3A_497, %swap3A_498, %swap3A_499] {strides = array<i32>} : memref<3x128x128xf32, #tpu.memory_space<vmem>>, vector<1x1x16xf32>,
        %swap3A_501 = vector.shape_cast %swap3A_500 : vector<1x1x16xf32> to vector<16xf32>
        %swap3A_502 = vector.shape_cast %add3A_496 : vector<16xf32> to vector<1x1x16xf32>
        tpu.vector_store %arg9[%swap3A_497, %swap3A_498, %swap3A_499], %swap3A_502 {strides = array<i32>} : memref<3x128x128xf32, #tpu.memory_space<vmem>>, vector<1x1x16xf32>,
        %get3A_503 = arith.index_cast %select_n3A_159 : i32 to index
        %get3A_504 = arith.index_cast %add3A_457 : i32 to index
        %get3A_505 = arith.constant 48 : index
        %get3A_506 = tpu.vector_load %arg9[%get3A_503, %get3A_504, %get3A_505] {strides = array<i32>} : memref<3x128x128xf32, #tpu.memory_space<vmem>>, vector<1x1x16xf32>,
        %get3A_507 = vector.shape_cast %get3A_506 : vector<1x1x16xf32> to vector<16xf32>
        %mul3A_508 = arith.mulf %broadcast_in_dim3A_460, %sub3A_64 : vector<16xf32>
        %add3A_509 = arith.addf %get3A_21, %mul3A_508 : vector<16xf32>
        %add3A_510 = arith.addf %get3A_507, %add3A_509 : vector<16xf32>
        %swap3A_511 = arith.index_cast %select_n3A_159 : i32 to index
        %swap3A_512 = arith.index_cast %add3A_457 : i32 to index
        %swap3A_513 = arith.constant 48 : index
        %swap3A_514 = tpu.vector_load %arg9[%swap3A_511, %swap3A_512, %swap3A_513] {strides = array<i32>} : memref<3x128x128xf32, #tpu.memory_space<vmem>>, vector<1x1x16xf32>,
        %swap3A_515 = vector.shape_cast %swap3A_514 : vector<1x1x16xf32> to vector<16xf32>
        %swap3A_516 = vector.shape_cast %add3A_510 : vector<16xf32> to vector<1x1x16xf32>
        tpu.vector_store %arg9[%swap3A_511, %swap3A_512, %swap3A_513], %swap3A_516 {strides = array<i32>} : memref<3x128x128xf32, #tpu.memory_space<vmem>>, vector<1x1x16xf32>,
        %get3A_517 = arith.index_cast %select_n3A_159 : i32 to index
        %get3A_518 = arith.index_cast %add3A_457 : i32 to index
        %get3A_519 = arith.constant 64 : index
        %get3A_520 = tpu.vector_load %arg9[%get3A_517, %get3A_518, %get3A_519] {strides = array<i32>} : memref<3x128x128xf32, #tpu.memory_space<vmem>>, vector<1x1x16xf32>,
        %get3A_521 = vector.shape_cast %get3A_520 : vector<1x1x16xf32> to vector<16xf32>
        %mul3A_522 = arith.mulf %broadcast_in_dim3A_460, %sub3A_70 : vector<16xf32>
        %add3A_523 = arith.addf %get3A_26, %mul3A_522 : vector<16xf32>
        %add3A_524 = arith.addf %get3A_521, %add3A_523 : vector<16xf32>
        %swap3A_525 = arith.index_cast %select_n3A_159 : i32 to index
        %swap3A_526 = arith.index_cast %add3A_457 : i32 to index
        %swap3A_527 = arith.constant 64 : index
        %swap3A_528 = tpu.vector_load %arg9[%swap3A_525, %swap3A_526, %swap3A_527] {strides = array<i32>} : memref<3x128x128xf32, #tpu.memory_space<vmem>>, vector<1x1x16xf32>,
        %swap3A_529 = vector.shape_cast %swap3A_528 : vector<1x1x16xf32> to vector<16xf32>
        %swap3A_530 = vector.shape_cast %add3A_524 : vector<16xf32> to vector<1x1x16xf32>
        tpu.vector_store %arg9[%swap3A_525, %swap3A_526, %swap3A_527], %swap3A_530 {strides = array<i32>} : memref<3x128x128xf32, #tpu.memory_space<vmem>>, vector<1x1x16xf32>,
        %get3A_531 = arith.index_cast %select_n3A_159 : i32 to index
        %get3A_532 = arith.index_cast %add3A_457 : i32 to index
        %get3A_533 = arith.constant 80 : index
        %get3A_534 = tpu.vector_load %arg9[%get3A_531, %get3A_532, %get3A_533] {strides = array<i32>} : memref<3x128x128xf32, #tpu.memory_space<vmem>>, vector<1x1x16xf32>,
        %get3A_535 = vector.shape_cast %get3A_534 : vector<1x1x16xf32> to vector<16xf32>
        %mul3A_536 = arith.mulf %broadcast_in_dim3A_460, %sub3A_76 : vector<16xf32>
        %add3A_537 = arith.addf %get3A_31, %mul3A_536 : vector<16xf32>
        %add3A_538 = arith.addf %get3A_535, %add3A_537 : vector<16xf32>
        %swap3A_539 = arith.index_cast %select_n3A_159 : i32 to index
        %swap3A_540 = arith.index_cast %add3A_457 : i32 to index
        %swap3A_541 = arith.constant 80 : index
        %swap3A_542 = tpu.vector_load %arg9[%swap3A_539, %swap3A_540, %swap3A_541] {strides = array<i32>} : memref<3x128x128xf32, #tpu.memory_space<vmem>>, vector<1x1x16xf32>,
        %swap3A_543 = vector.shape_cast %swap3A_542 : vector<1x1x16xf32> to vector<16xf32>
        %swap3A_544 = vector.shape_cast %add3A_538 : vector<16xf32> to vector<1x1x16xf32>
        tpu.vector_store %arg9[%swap3A_539, %swap3A_540, %swap3A_541], %swap3A_544 {strides = array<i32>} : memref<3x128x128xf32, #tpu.memory_space<vmem>>, vector<1x1x16xf32>,
        %get3A_545 = arith.index_cast %select_n3A_159 : i32 to index
        %get3A_546 = arith.index_cast %add3A_457 : i32 to index
        %get3A_547 = arith.constant 96 : index
        %get3A_548 = tpu.vector_load %arg9[%get3A_545, %get3A_546, %get3A_547] {strides = array<i32>} : memref<3x128x128xf32, #tpu.memory_space<vmem>>, vector<1x1x16xf32>,
        %get3A_549 = vector.shape_cast %get3A_548 : vector<1x1x16xf32> to vector<16xf32>
        %mul3A_550 = arith.mulf %broadcast_in_dim3A_460, %sub3A_82 : vector<16xf32>
        %add3A_551 = arith.addf %get3A_36, %mul3A_550 : vector<16xf32>
        %add3A_552 = arith.addf %get3A_549, %add3A_551 : vector<16xf32>
        %swap3A_553 = arith.index_cast %select_n3A_159 : i32 to index
        %swap3A_554 = arith.index_cast %add3A_457 : i32 to index
        %swap3A_555 = arith.constant 96 : index
        %swap3A_556 = tpu.vector_load %arg9[%swap3A_553, %swap3A_554, %swap3A_555] {strides = array<i32>} : memref<3x128x128xf32, #tpu.memory_space<vmem>>, vector<1x1x16xf32>,
        %swap3A_557 = vector.shape_cast %swap3A_556 : vector<1x1x16xf32> to vector<16xf32>
        %swap3A_558 = vector.shape_cast %add3A_552 : vector<16xf32> to vector<1x1x16xf32>
        tpu.vector_store %arg9[%swap3A_553, %swap3A_554, %swap3A_555], %swap3A_558 {strides = array<i32>} : memref<3x128x128xf32, #tpu.memory_space<vmem>>, vector<1x1x16xf32>,
        %get3A_559 = arith.index_cast %select_n3A_159 : i32 to index
        %get3A_560 = arith.index_cast %add3A_457 : i32 to index
        %get3A_561 = arith.constant 112 : index
        %get3A_562 = tpu.vector_load %arg9[%get3A_559, %get3A_560, %get3A_561] {strides = array<i32>} : memref<3x128x128xf32, #tpu.memory_space<vmem>>, vector<1x1x16xf32>,
        %get3A_563 = vector.shape_cast %get3A_562 : vector<1x1x16xf32> to vector<16xf32>
        %mul3A_564 = arith.mulf %broadcast_in_dim3A_460, %sub3A_88 : vector<16xf32>
        %add3A_565 = arith.addf %get3A_41, %mul3A_564 : vector<16xf32>
        %add3A_566 = arith.addf %get3A_563, %add3A_565 : vector<16xf32>
        %swap3A_567 = arith.index_cast %select_n3A_159 : i32 to index
        %swap3A_568 = arith.index_cast %add3A_457 : i32 to index
        %swap3A_569 = arith.constant 112 : index
        %swap3A_570 = tpu.vector_load %arg9[%swap3A_567, %swap3A_568, %swap3A_569] {strides = array<i32>} : memref<3x128x128xf32, #tpu.memory_space<vmem>>, vector<1x1x16xf32>,
        %swap3A_571 = vector.shape_cast %swap3A_570 : vector<1x1x16xf32> to vector<16xf32>
        %swap3A_572 = vector.shape_cast %add3A_566 : vector<16xf32> to vector<1x1x16xf32>
        tpu.vector_store %arg9[%swap3A_567, %swap3A_568, %swap3A_569], %swap3A_572 {strides = array<i32>} : memref<3x128x128xf32, #tpu.memory_space<vmem>>, vector<1x1x16xf32>,
        %mul3A_573 = arith.constant 16 : i32
        %mul3A_574 = arith.muli %mul3A_573, %scan3A_212 : i32
        %add3A_575 = arith.constant 3 : i32
        %add3A_576 = arith.addi %mul3A_574, %add3A_575 : i32
        %slice3A_577 = vector.extract_strided_slice %convert_element_type3A_219 {offsets = [3], sizes = [1], strides = [1]} : vector<16xf32> to vector<1xf32>
        %squeeze3A_578 = vector.extract %slice3A_577[0] : f32 from vector<1xf32>
        %broadcast_in_dim3A_579 = vector.broadcast %squeeze3A_578 : f32 to vector<16xf32>
        %get3A_580 = arith.index_cast %select_n3A_159 : i32 to index
        %get3A_581 = arith.index_cast %add3A_576 : i32 to index
        %get3A_582 = arith.constant 0 : index
        %get3A_583 = tpu.vector_load %arg9[%get3A_580, %get3A_581, %get3A_582] {strides = array<i32>} : memref<3x128x128xf32, #tpu.memory_space<vmem>>, vector<1x1x16xf32>,
        %get3A_584 = vector.shape_cast %get3A_583 : vector<1x1x16xf32> to vector<16xf32>
        %mul3A_585 = arith.mulf %broadcast_in_dim3A_579, %sub3A : vector<16xf32>
        %add3A_586 = arith.addf %get3A_6, %mul3A_585 : vector<16xf32>
        %add3A_587 = arith.addf %get3A_584, %add3A_586 : vector<16xf32>
        %swap3A_588 = arith.index_cast %select_n3A_159 : i32 to index
        %swap3A_589 = arith.index_cast %add3A_576 : i32 to index
        %swap3A_590 = arith.constant 0 : index
        %swap3A_591 = tpu.vector_load %arg9[%swap3A_588, %swap3A_589, %swap3A_590] {strides = array<i32>} : memref<3x128x128xf32, #tpu.memory_space<vmem>>, vector<1x1x16xf32>,
        %swap3A_592 = vector.shape_cast %swap3A_591 : vector<1x1x16xf32> to vector<16xf32>
        %swap3A_593 = vector.shape_cast %add3A_587 : vector<16xf32> to vector<1x1x16xf32>
        tpu.vector_store %arg9[%swap3A_588, %swap3A_589, %swap3A_590], %swap3A_593 {strides = array<i32>} : memref<3x128x128xf32, #tpu.memory_space<vmem>>, vector<1x1x16xf32>,
        %get3A_594 = arith.index_cast %select_n3A_159 : i32 to index
        %get3A_595 = arith.index_cast %add3A_576 : i32 to index
        %get3A_596 = arith.constant 16 : index
        %get3A_597 = tpu.vector_load %arg9[%get3A_594, %get3A_595, %get3A_596] {strides = array<i32>} : memref<3x128x128xf32, #tpu.memory_space<vmem>>, vector<1x1x16xf32>,
        %get3A_598 = vector.shape_cast %get3A_597 : vector<1x1x16xf32> to vector<16xf32>
        %mul3A_599 = arith.mulf %broadcast_in_dim3A_579, %sub3A_52 : vector<16xf32>
        %add3A_600 = arith.addf %get3A_11, %mul3A_599 : vector<16xf32>
        %add3A_601 = arith.addf %get3A_598, %add3A_600 : vector<16xf32>
        %swap3A_602 = arith.index_cast %select_n3A_159 : i32 to index
        %swap3A_603 = arith.index_cast %add3A_576 : i32 to index
        %swap3A_604 = arith.constant 16 : index
        %swap3A_605 = tpu.vector_load %arg9[%swap3A_602, %swap3A_603, %swap3A_604] {strides = array<i32>} : memref<3x128x128xf32, #tpu.memory_space<vmem>>, vector<1x1x16xf32>,
        %swap3A_606 = vector.shape_cast %swap3A_605 : vector<1x1x16xf32> to vector<16xf32>
        %swap3A_607 = vector.shape_cast %add3A_601 : vector<16xf32> to vector<1x1x16xf32>
        tpu.vector_store %arg9[%swap3A_602, %swap3A_603, %swap3A_604], %swap3A_607 {strides = array<i32>} : memref<3x128x128xf32, #tpu.memory_space<vmem>>, vector<1x1x16xf32>,
        %get3A_608 = arith.index_cast %select_n3A_159 : i32 to index
        %get3A_609 = arith.index_cast %add3A_576 : i32 to index
        %get3A_610 = arith.constant 32 : index
        %get3A_611 = tpu.vector_load %arg9[%get3A_608, %get3A_609, %get3A_610] {strides = array<i32>} : memref<3x128x128xf32, #tpu.memory_space<vmem>>, vector<1x1x16xf32>,
        %get3A_612 = vector.shape_cast %get3A_611 : vector<1x1x16xf32> to vector<16xf32>
        %mul3A_613 = arith.mulf %broadcast_in_dim3A_579, %sub3A_58 : vector<16xf32>
        %add3A_614 = arith.addf %get3A_16, %mul3A_613 : vector<16xf32>
        %add3A_615 = arith.addf %get3A_612, %add3A_614 : vector<16xf32>
        %swap3A_616 = arith.index_cast %select_n3A_159 : i32 to index
        %swap3A_617 = arith.index_cast %add3A_576 : i32 to index
        %swap3A_618 = arith.constant 32 : index
        %swap3A_619 = tpu.vector_load %arg9[%swap3A_616, %swap3A_617, %swap3A_618] {strides = array<i32>} : memref<3x128x128xf32, #tpu.memory_space<vmem>>, vector<1x1x16xf32>,
        %swap3A_620 = vector.shape_cast %swap3A_619 : vector<1x1x16xf32> to vector<16xf32>
        %swap3A_621 = vector.shape_cast %add3A_615 : vector<16xf32> to vector<1x1x16xf32>
        tpu.vector_store %arg9[%swap3A_616, %swap3A_617, %swap3A_618], %swap3A_621 {strides = array<i32>} : memref<3x128x128xf32, #tpu.memory_space<vmem>>, vector<1x1x16xf32>,
        %get3A_622 = arith.index_cast %select_n3A_159 : i32 to index
        %get3A_623 = arith.index_cast %add3A_576 : i32 to index
        %get3A_624 = arith.constant 48 : index
        %get3A_625 = tpu.vector_load %arg9[%get3A_622, %get3A_623, %get3A_624] {strides = array<i32>} : memref<3x128x128xf32, #tpu.memory_space<vmem>>, vector<1x1x16xf32>,
        %get3A_626 = vector.shape_cast %get3A_625 : vector<1x1x16xf32> to vector<16xf32>
        %mul3A_627 = arith.mulf %broadcast_in_dim3A_579, %sub3A_64 : vector<16xf32>
        %add3A_628 = arith.addf %get3A_21, %mul3A_627 : vector<16xf32>
        %add3A_629 = arith.addf %get3A_626, %add3A_628 : vector<16xf32>
        %swap3A_630 = arith.index_cast %select_n3A_159 : i32 to index
        %swap3A_631 = arith.index_cast %add3A_576 : i32 to index
        %swap3A_632 = arith.constant 48 : index
        %swap3A_633 = tpu.vector_load %arg9[%swap3A_630, %swap3A_631, %swap3A_632] {strides = array<i32>} : memref<3x128x128xf32, #tpu.memory_space<vmem>>, vector<1x1x16xf32>,
        %swap3A_634 = vector.shape_cast %swap3A_633 : vector<1x1x16xf32> to vector<16xf32>
        %swap3A_635 = vector.shape_cast %add3A_629 : vector<16xf32> to vector<1x1x16xf32>
        tpu.vector_store %arg9[%swap3A_630, %swap3A_631, %swap3A_632], %swap3A_635 {strides = array<i32>} : memref<3x128x128xf32, #tpu.memory_space<vmem>>, vector<1x1x16xf32>,
        %get3A_636 = arith.index_cast %select_n3A_159 : i32 to index
        %get3A_637 = arith.index_cast %add3A_576 : i32 to index
        %get3A_638 = arith.constant 64 : index
        %get3A_639 = tpu.vector_load %arg9[%get3A_636, %get3A_637, %get3A_638] {strides = array<i32>} : memref<3x128x128xf32, #tpu.memory_space<vmem>>, vector<1x1x16xf32>,
        %get3A_640 = vector.shape_cast %get3A_639 : vector<1x1x16xf32> to vector<16xf32>
        %mul3A_641 = arith.mulf %broadcast_in_dim3A_579, %sub3A_70 : vector<16xf32>
        %add3A_642 = arith.addf %get3A_26, %mul3A_641 : vector<16xf32>
        %add3A_643 = arith.addf %get3A_640, %add3A_642 : vector<16xf32>
        %swap3A_644 = arith.index_cast %select_n3A_159 : i32 to index
        %swap3A_645 = arith.index_cast %add3A_576 : i32 to index
        %swap3A_646 = arith.constant 64 : index
        %swap3A_647 = tpu.vector_load %arg9[%swap3A_644, %swap3A_645, %swap3A_646] {strides = array<i32>} : memref<3x128x128xf32, #tpu.memory_space<vmem>>, vector<1x1x16xf32>,
        %swap3A_648 = vector.shape_cast %swap3A_647 : vector<1x1x16xf32> to vector<16xf32>
        %swap3A_649 = vector.shape_cast %add3A_643 : vector<16xf32> to vector<1x1x16xf32>
        tpu.vector_store %arg9[%swap3A_644, %swap3A_645, %swap3A_646], %swap3A_649 {strides = array<i32>} : memref<3x128x128xf32, #tpu.memory_space<vmem>>, vector<1x1x16xf32>,
        %get3A_650 = arith.index_cast %select_n3A_159 : i32 to index
        %get3A_651 = arith.index_cast %add3A_576 : i32 to index
        %get3A_652 = arith.constant 80 : index
        %get3A_653 = tpu.vector_load %arg9[%get3A_650, %get3A_651, %get3A_652] {strides = array<i32>} : memref<3x128x128xf32, #tpu.memory_space<vmem>>, vector<1x1x16xf32>,
        %get3A_654 = vector.shape_cast %get3A_653 : vector<1x1x16xf32> to vector<16xf32>
        %mul3A_655 = arith.mulf %broadcast_in_dim3A_579, %sub3A_76 : vector<16xf32>
        %add3A_656 = arith.addf %get3A_31, %mul3A_655 : vector<16xf32>
        %add3A_657 = arith.addf %get3A_654, %add3A_656 : vector<16xf32>
        %swap3A_658 = arith.index_cast %select_n3A_159 : i32 to index
        %swap3A_659 = arith.index_cast %add3A_576 : i32 to index
        %swap3A_660 = arith.constant 80 : index
        %swap3A_661 = tpu.vector_load %arg9[%swap3A_658, %swap3A_659, %swap3A_660] {strides = array<i32>} : memref<3x128x128xf32, #tpu.memory_space<vmem>>, vector<1x1x16xf32>,
        %swap3A_662 = vector.shape_cast %swap3A_661 : vector<1x1x16xf32> to vector<16xf32>
        %swap3A_663 = vector.shape_cast %add3A_657 : vector<16xf32> to vector<1x1x16xf32>
        tpu.vector_store %arg9[%swap3A_658, %swap3A_659, %swap3A_660], %swap3A_663 {strides = array<i32>} : memref<3x128x128xf32, #tpu.memory_space<vmem>>, vector<1x1x16xf32>,
        %get3A_664 = arith.index_cast %select_n3A_159 : i32 to index
        %get3A_665 = arith.index_cast %add3A_576 : i32 to index
        %get3A_666 = arith.constant 96 : index
        %get3A_667 = tpu.vector_load %arg9[%get3A_664, %get3A_665, %get3A_666] {strides = array<i32>} : memref<3x128x128xf32, #tpu.memory_space<vmem>>, vector<1x1x16xf32>,
        %get3A_668 = vector.shape_cast %get3A_667 : vector<1x1x16xf32> to vector<16xf32>
        %mul3A_669 = arith.mulf %broadcast_in_dim3A_579, %sub3A_82 : vector<16xf32>
        %add3A_670 = arith.addf %get3A_36, %mul3A_669 : vector<16xf32>
        %add3A_671 = arith.addf %get3A_668, %add3A_670 : vector<16xf32>
        %swap3A_672 = arith.index_cast %select_n3A_159 : i32 to index
        %swap3A_673 = arith.index_cast %add3A_576 : i32 to index
        %swap3A_674 = arith.constant 96 : index
        %swap3A_675 = tpu.vector_load %arg9[%swap3A_672, %swap3A_673, %swap3A_674] {strides = array<i32>} : memref<3x128x128xf32, #tpu.memory_space<vmem>>, vector<1x1x16xf32>,
        %swap3A_676 = vector.shape_cast %swap3A_675 : vector<1x1x16xf32> to vector<16xf32>
        %swap3A_677 = vector.shape_cast %add3A_671 : vector<16xf32> to vector<1x1x16xf32>
        tpu.vector_store %arg9[%swap3A_672, %swap3A_673, %swap3A_674], %swap3A_677 {strides = array<i32>} : memref<3x128x128xf32, #tpu.memory_space<vmem>>, vector<1x1x16xf32>,
        %get3A_678 = arith.index_cast %select_n3A_159 : i32 to index
        %get3A_679 = arith.index_cast %add3A_576 : i32 to index
        %get3A_680 = arith.constant 112 : index
        %get3A_681 = tpu.vector_load %arg9[%get3A_678, %get3A_679, %get3A_680] {strides = array<i32>} : memref<3x128x128xf32, #tpu.memory_space<vmem>>, vector<1x1x16xf32>,
        %get3A_682 = vector.shape_cast %get3A_681 : vector<1x1x16xf32> to vector<16xf32>
        %mul3A_683 = arith.mulf %broadcast_in_dim3A_579, %sub3A_88 : vector<16xf32>
        %add3A_684 = arith.addf %get3A_41, %mul3A_683 : vector<16xf32>
        %add3A_685 = arith.addf %get3A_682, %add3A_684 : vector<16xf32>
        %swap3A_686 = arith.index_cast %select_n3A_159 : i32 to index
        %swap3A_687 = arith.index_cast %add3A_576 : i32 to index
        %swap3A_688 = arith.constant 112 : index
        %swap3A_689 = tpu.vector_load %arg9[%swap3A_686, %swap3A_687, %swap3A_688] {strides = array<i32>} : memref<3x128x128xf32, #tpu.memory_space<vmem>>, vector<1x1x16xf32>,
        %swap3A_690 = vector.shape_cast %swap3A_689 : vector<1x1x16xf32> to vector<16xf32>
        %swap3A_691 = vector.shape_cast %add3A_685 : vector<16xf32> to vector<1x1x16xf32>
        tpu.vector_store %arg9[%swap3A_686, %swap3A_687, %swap3A_688], %swap3A_691 {strides = array<i32>} : memref<3x128x128xf32, #tpu.memory_space<vmem>>, vector<1x1x16xf32>,
        %mul3A_692 = arith.constant 16 : i32
        %mul3A_693 = arith.muli %mul3A_692, %scan3A_212 : i32
        %add3A_694 = arith.constant 4 : i32
        %add3A_695 = arith.addi %mul3A_693, %add3A_694 : i32
        %slice3A_696 = vector.extract_strided_slice %convert_element_type3A_219 {offsets = [4], sizes = [1], strides = [1]} : vector<16xf32> to vector<1xf32>
        %squeeze3A_697 = vector.extract %slice3A_696[0] : f32 from vector<1xf32>
        %broadcast_in_dim3A_698 = vector.broadcast %squeeze3A_697 : f32 to vector<16xf32>
        %get3A_699 = arith.index_cast %select_n3A_159 : i32 to index
        %get3A_700 = arith.index_cast %add3A_695 : i32 to index
        %get3A_701 = arith.constant 0 : index
        %get3A_702 = tpu.vector_load %arg9[%get3A_699, %get3A_700, %get3A_701] {strides = array<i32>} : memref<3x128x128xf32, #tpu.memory_space<vmem>>, vector<1x1x16xf32>,
        %get3A_703 = vector.shape_cast %get3A_702 : vector<1x1x16xf32> to vector<16xf32>
        %mul3A_704 = arith.mulf %broadcast_in_dim3A_698, %sub3A : vector<16xf32>
        %add3A_705 = arith.addf %get3A_6, %mul3A_704 : vector<16xf32>
        %add3A_706 = arith.addf %get3A_703, %add3A_705 : vector<16xf32>
        %swap3A_707 = arith.index_cast %select_n3A_159 : i32 to index
        %swap3A_708 = arith.index_cast %add3A_695 : i32 to index
        %swap3A_709 = arith.constant 0 : index
        %swap3A_710 = tpu.vector_load %arg9[%swap3A_707, %swap3A_708, %swap3A_709] {strides = array<i32>} : memref<3x128x128xf32, #tpu.memory_space<vmem>>, vector<1x1x16xf32>,
        %swap3A_711 = vector.shape_cast %swap3A_710 : vector<1x1x16xf32> to vector<16xf32>
        %swap3A_712 = vector.shape_cast %add3A_706 : vector<16xf32> to vector<1x1x16xf32>
        tpu.vector_store %arg9[%swap3A_707, %swap3A_708, %swap3A_709], %swap3A_712 {strides = array<i32>} : memref<3x128x128xf32, #tpu.memory_space<vmem>>, vector<1x1x16xf32>,
        %get3A_713 = arith.index_cast %select_n3A_159 : i32 to index
        %get3A_714 = arith.index_cast %add3A_695 : i32 to index
        %get3A_715 = arith.constant 16 : index
        %get3A_716 = tpu.vector_load %arg9[%get3A_713, %get3A_714, %get3A_715] {strides = array<i32>} : memref<3x128x128xf32, #tpu.memory_space<vmem>>, vector<1x1x16xf32>,
        %get3A_717 = vector.shape_cast %get3A_716 : vector<1x1x16xf32> to vector<16xf32>
        %mul3A_718 = arith.mulf %broadcast_in_dim3A_698, %sub3A_52 : vector<16xf32>
        %add3A_719 = arith.addf %get3A_11, %mul3A_718 : vector<16xf32>
        %add3A_720 = arith.addf %get3A_717, %add3A_719 : vector<16xf32>
        %swap3A_721 = arith.index_cast %select_n3A_159 : i32 to index
        %swap3A_722 = arith.index_cast %add3A_695 : i32 to index
        %swap3A_723 = arith.constant 16 : index
        %swap3A_724 = tpu.vector_load %arg9[%swap3A_721, %swap3A_722, %swap3A_723] {strides = array<i32>} : memref<3x128x128xf32, #tpu.memory_space<vmem>>, vector<1x1x16xf32>,
        %swap3A_725 = vector.shape_cast %swap3A_724 : vector<1x1x16xf32> to vector<16xf32>
        %swap3A_726 = vector.shape_cast %add3A_720 : vector<16xf32> to vector<1x1x16xf32>
        tpu.vector_store %arg9[%swap3A_721, %swap3A_722, %swap3A_723], %swap3A_726 {strides = array<i32>} : memref<3x128x128xf32, #tpu.memory_space<vmem>>, vector<1x1x16xf32>,
        %get3A_727 = arith.index_cast %select_n3A_159 : i32 to index
        %get3A_728 = arith.index_cast %add3A_695 : i32 to index
        %get3A_729 = arith.constant 32 : index
        %get3A_730 = tpu.vector_load %arg9[%get3A_727, %get3A_728, %get3A_729] {strides = array<i32>} : memref<3x128x128xf32, #tpu.memory_space<vmem>>, vector<1x1x16xf32>,
        %get3A_731 = vector.shape_cast %get3A_730 : vector<1x1x16xf32> to vector<16xf32>
        %mul3A_732 = arith.mulf %broadcast_in_dim3A_698, %sub3A_58 : vector<16xf32>
        %add3A_733 = arith.addf %get3A_16, %mul3A_732 : vector<16xf32>
        %add3A_734 = arith.addf %get3A_731, %add3A_733 : vector<16xf32>
        %swap3A_735 = arith.index_cast %select_n3A_159 : i32 to index
        %swap3A_736 = arith.index_cast %add3A_695 : i32 to index
        %swap3A_737 = arith.constant 32 : index
        %swap3A_738 = tpu.vector_load %arg9[%swap3A_735, %swap3A_736, %swap3A_737] {strides = array<i32>} : memref<3x128x128xf32, #tpu.memory_space<vmem>>, vector<1x1x16xf32>,
        %swap3A_739 = vector.shape_cast %swap3A_738 : vector<1x1x16xf32> to vector<16xf32>
        %swap3A_740 = vector.shape_cast %add3A_734 : vector<16xf32> to vector<1x1x16xf32>
        tpu.vector_store %arg9[%swap3A_735, %swap3A_736, %swap3A_737], %swap3A_740 {strides = array<i32>} : memref<3x128x128xf32, #tpu.memory_space<vmem>>, vector<1x1x16xf32>,
        %get3A_741 = arith.index_cast %select_n3A_159 : i32 to index
        %get3A_742 = arith.index_cast %add3A_695 : i32 to index
        %get3A_743 = arith.constant 48 : index
        %get3A_744 = tpu.vector_load %arg9[%get3A_741, %get3A_742, %get3A_743] {strides = array<i32>} : memref<3x128x128xf32, #tpu.memory_space<vmem>>, vector<1x1x16xf32>,
        %get3A_745 = vector.shape_cast %get3A_744 : vector<1x1x16xf32> to vector<16xf32>
        %mul3A_746 = arith.mulf %broadcast_in_dim3A_698, %sub3A_64 : vector<16xf32>
        %add3A_747 = arith.addf %get3A_21, %mul3A_746 : vector<16xf32>
        %add3A_748 = arith.addf %get3A_745, %add3A_747 : vector<16xf32>
        %swap3A_749 = arith.index_cast %select_n3A_159 : i32 to index
        %swap3A_750 = arith.index_cast %add3A_695 : i32 to index
        %swap3A_751 = arith.constant 48 : index
        %swap3A_752 = tpu.vector_load %arg9[%swap3A_749, %swap3A_750, %swap3A_751] {strides = array<i32>} : memref<3x128x128xf32, #tpu.memory_space<vmem>>, vector<1x1x16xf32>,
        %swap3A_753 = vector.shape_cast %swap3A_752 : vector<1x1x16xf32> to vector<16xf32>
        %swap3A_754 = vector.shape_cast %add3A_748 : vector<16xf32> to vector<1x1x16xf32>
        tpu.vector_store %arg9[%swap3A_749, %swap3A_750, %swap3A_751], %swap3A_754 {strides = array<i32>} : memref<3x128x128xf32, #tpu.memory_space<vmem>>, vector<1x1x16xf32>,
        %get3A_755 = arith.index_cast %select_n3A_159 : i32 to index
        %get3A_756 = arith.index_cast %add3A_695 : i32 to index
        %get3A_757 = arith.constant 64 : index
        %get3A_758 = tpu.vector_load %arg9[%get3A_755, %get3A_756, %get3A_757] {strides = array<i32>} : memref<3x128x128xf32, #tpu.memory_space<vmem>>, vector<1x1x16xf32>,
        %get3A_759 = vector.shape_cast %get3A_758 : vector<1x1x16xf32> to vector<16xf32>
        %mul3A_760 = arith.mulf %broadcast_in_dim3A_698, %sub3A_70 : vector<16xf32>
        %add3A_761 = arith.addf %get3A_26, %mul3A_760 : vector<16xf32>
        %add3A_762 = arith.addf %get3A_759, %add3A_761 : vector<16xf32>
        %swap3A_763 = arith.index_cast %select_n3A_159 : i32 to index
        %swap3A_764 = arith.index_cast %add3A_695 : i32 to index
        %swap3A_765 = arith.constant 64 : index
        %swap3A_766 = tpu.vector_load %arg9[%swap3A_763, %swap3A_764, %swap3A_765] {strides = array<i32>} : memref<3x128x128xf32, #tpu.memory_space<vmem>>, vector<1x1x16xf32>,
        %swap3A_767 = vector.shape_cast %swap3A_766 : vector<1x1x16xf32> to vector<16xf32>
        %swap3A_768 = vector.shape_cast %add3A_762 : vector<16xf32> to vector<1x1x16xf32>
        tpu.vector_store %arg9[%swap3A_763, %swap3A_764, %swap3A_765], %swap3A_768 {strides = array<i32>} : memref<3x128x128xf32, #tpu.memory_space<vmem>>, vector<1x1x16xf32>,
        %get3A_769 = arith.index_cast %select_n3A_159 : i32 to index
        %get3A_770 = arith.index_cast %add3A_695 : i32 to index
        %get3A_771 = arith.constant 80 : index
        %get3A_772 = tpu.vector_load %arg9[%get3A_769, %get3A_770, %get3A_771] {strides = array<i32>} : memref<3x128x128xf32, #tpu.memory_space<vmem>>, vector<1x1x16xf32>,
        %get3A_773 = vector.shape_cast %get3A_772 : vector<1x1x16xf32> to vector<16xf32>
        %mul3A_774 = arith.mulf %broadcast_in_dim3A_698, %sub3A_76 : vector<16xf32>
        %add3A_775 = arith.addf %get3A_31, %mul3A_774 : vector<16xf32>
        %add3A_776 = arith.addf %get3A_773, %add3A_775 : vector<16xf32>
        %swap3A_777 = arith.index_cast %select_n3A_159 : i32 to index
        %swap3A_778 = arith.index_cast %add3A_695 : i32 to index
        %swap3A_779 = arith.constant 80 : index
        %swap3A_780 = tpu.vector_load %arg9[%swap3A_777, %swap3A_778, %swap3A_779] {strides = array<i32>} : memref<3x128x128xf32, #tpu.memory_space<vmem>>, vector<1x1x16xf32>,
        %swap3A_781 = vector.shape_cast %swap3A_780 : vector<1x1x16xf32> to vector<16xf32>
        %swap3A_782 = vector.shape_cast %add3A_776 : vector<16xf32> to vector<1x1x16xf32>
        tpu.vector_store %arg9[%swap3A_777, %swap3A_778, %swap3A_779], %swap3A_782 {strides = array<i32>} : memref<3x128x128xf32, #tpu.memory_space<vmem>>, vector<1x1x16xf32>,
        %get3A_783 = arith.index_cast %select_n3A_159 : i32 to index
        %get3A_784 = arith.index_cast %add3A_695 : i32 to index
        %get3A_785 = arith.constant 96 : index
        %get3A_786 = tpu.vector_load %arg9[%get3A_783, %get3A_784, %get3A_785] {strides = array<i32>} : memref<3x128x128xf32, #tpu.memory_space<vmem>>, vector<1x1x16xf32>,
        %get3A_787 = vector.shape_cast %get3A_786 : vector<1x1x16xf32> to vector<16xf32>
        %mul3A_788 = arith.mulf %broadcast_in_dim3A_698, %sub3A_82 : vector<16xf32>
        %add3A_789 = arith.addf %get3A_36, %mul3A_788 : vector<16xf32>
        %add3A_790 = arith.addf %get3A_787, %add3A_789 : vector<16xf32>
        %swap3A_791 = arith.index_cast %select_n3A_159 : i32 to index
        %swap3A_792 = arith.index_cast %add3A_695 : i32 to index
        %swap3A_793 = arith.constant 96 : index
        %swap3A_794 = tpu.vector_load %arg9[%swap3A_791, %swap3A_792, %swap3A_793] {strides = array<i32>} : memref<3x128x128xf32, #tpu.memory_space<vmem>>, vector<1x1x16xf32>,
        %swap3A_795 = vector.shape_cast %swap3A_794 : vector<1x1x16xf32> to vector<16xf32>
        %swap3A_796 = vector.shape_cast %add3A_790 : vector<16xf32> to vector<1x1x16xf32>
        tpu.vector_store %arg9[%swap3A_791, %swap3A_792, %swap3A_793], %swap3A_796 {strides = array<i32>} : memref<3x128x128xf32, #tpu.memory_space<vmem>>, vector<1x1x16xf32>,
        %get3A_797 = arith.index_cast %select_n3A_159 : i32 to index
        %get3A_798 = arith.index_cast %add3A_695 : i32 to index
        %get3A_799 = arith.constant 112 : index
        %get3A_800 = tpu.vector_load %arg9[%get3A_797, %get3A_798, %get3A_799] {strides = array<i32>} : memref<3x128x128xf32, #tpu.memory_space<vmem>>, vector<1x1x16xf32>,
        %get3A_801 = vector.shape_cast %get3A_800 : vector<1x1x16xf32> to vector<16xf32>
        %mul3A_802 = arith.mulf %broadcast_in_dim3A_698, %sub3A_88 : vector<16xf32>
        %add3A_803 = arith.addf %get3A_41, %mul3A_802 : vector<16xf32>
        %add3A_804 = arith.addf %get3A_801, %add3A_803 : vector<16xf32>
        %swap3A_805 = arith.index_cast %select_n3A_159 : i32 to index
        %swap3A_806 = arith.index_cast %add3A_695 : i32 to index
        %swap3A_807 = arith.constant 112 : index
        %swap3A_808 = tpu.vector_load %arg9[%swap3A_805, %swap3A_806, %swap3A_807] {strides = array<i32>} : memref<3x128x128xf32, #tpu.memory_space<vmem>>, vector<1x1x16xf32>,
        %swap3A_809 = vector.shape_cast %swap3A_808 : vector<1x1x16xf32> to vector<16xf32>
        %swap3A_810 = vector.shape_cast %add3A_804 : vector<16xf32> to vector<1x1x16xf32>
        tpu.vector_store %arg9[%swap3A_805, %swap3A_806, %swap3A_807], %swap3A_810 {strides = array<i32>} : memref<3x128x128xf32, #tpu.memory_space<vmem>>, vector<1x1x16xf32>,
        %mul3A_811 = arith.constant 16 : i32
        %mul3A_812 = arith.muli %mul3A_811, %scan3A_212 : i32
        %add3A_813 = arith.constant 5 : i32
        %add3A_814 = arith.addi %mul3A_812, %add3A_813 : i32
        %slice3A_815 = vector.extract_strided_slice %convert_element_type3A_219 {offsets = [5], sizes = [1], strides = [1]} : vector<16xf32> to vector<1xf32>
        %squeeze3A_816 = vector.extract %slice3A_815[0] : f32 from vector<1xf32>
        %broadcast_in_dim3A_817 = vector.broadcast %squeeze3A_816 : f32 to vector<16xf32>
        %get3A_818 = arith.index_cast %select_n3A_159 : i32 to index
        %get3A_819 = arith.index_cast %add3A_814 : i32 to index
        %get3A_820 = arith.constant 0 : index
        %get3A_821 = tpu.vector_load %arg9[%get3A_818, %get3A_819, %get3A_820] {strides = array<i32>} : memref<3x128x128xf32, #tpu.memory_space<vmem>>, vector<1x1x16xf32>,
        %get3A_822 = vector.shape_cast %get3A_821 : vector<1x1x16xf32> to vector<16xf32>
        %mul3A_823 = arith.mulf %broadcast_in_dim3A_817, %sub3A : vector<16xf32>
        %add3A_824 = arith.addf %get3A_6, %mul3A_823 : vector<16xf32>
        %add3A_825 = arith.addf %get3A_822, %add3A_824 : vector<16xf32>
        %swap3A_826 = arith.index_cast %select_n3A_159 : i32 to index
        %swap3A_827 = arith.index_cast %add3A_814 : i32 to index
        %swap3A_828 = arith.constant 0 : index
        %swap3A_829 = tpu.vector_load %arg9[%swap3A_826, %swap3A_827, %swap3A_828] {strides = array<i32>} : memref<3x128x128xf32, #tpu.memory_space<vmem>>, vector<1x1x16xf32>,
        %swap3A_830 = vector.shape_cast %swap3A_829 : vector<1x1x16xf32> to vector<16xf32>
        %swap3A_831 = vector.shape_cast %add3A_825 : vector<16xf32> to vector<1x1x16xf32>
        tpu.vector_store %arg9[%swap3A_826, %swap3A_827, %swap3A_828], %swap3A_831 {strides = array<i32>} : memref<3x128x128xf32, #tpu.memory_space<vmem>>, vector<1x1x16xf32>,
        %get3A_832 = arith.index_cast %select_n3A_159 : i32 to index
        %get3A_833 = arith.index_cast %add3A_814 : i32 to index
        %get3A_834 = arith.constant 16 : index
        %get3A_835 = tpu.vector_load %arg9[%get3A_832, %get3A_833, %get3A_834] {strides = array<i32>} : memref<3x128x128xf32, #tpu.memory_space<vmem>>, vector<1x1x16xf32>,
        %get3A_836 = vector.shape_cast %get3A_835 : vector<1x1x16xf32> to vector<16xf32>
        %mul3A_837 = arith.mulf %broadcast_in_dim3A_817, %sub3A_52 : vector<16xf32>
        %add3A_838 = arith.addf %get3A_11, %mul3A_837 : vector<16xf32>
        %add3A_839 = arith.addf %get3A_836, %add3A_838 : vector<16xf32>
        %swap3A_840 = arith.index_cast %select_n3A_159 : i32 to index
        %swap3A_841 = arith.index_cast %add3A_814 : i32 to index
        %swap3A_842 = arith.constant 16 : index
        %swap3A_843 = tpu.vector_load %arg9[%swap3A_840, %swap3A_841, %swap3A_842] {strides = array<i32>} : memref<3x128x128xf32, #tpu.memory_space<vmem>>, vector<1x1x16xf32>,
        %swap3A_844 = vector.shape_cast %swap3A_843 : vector<1x1x16xf32> to vector<16xf32>
        %swap3A_845 = vector.shape_cast %add3A_839 : vector<16xf32> to vector<1x1x16xf32>
        tpu.vector_store %arg9[%swap3A_840, %swap3A_841, %swap3A_842], %swap3A_845 {strides = array<i32>} : memref<3x128x128xf32, #tpu.memory_space<vmem>>, vector<1x1x16xf32>,
        %get3A_846 = arith.index_cast %select_n3A_159 : i32 to index
        %get3A_847 = arith.index_cast %add3A_814 : i32 to index
        %get3A_848 = arith.constant 32 : index
        %get3A_849 = tpu.vector_load %arg9[%get3A_846, %get3A_847, %get3A_848] {strides = array<i32>} : memref<3x128x128xf32, #tpu.memory_space<vmem>>, vector<1x1x16xf32>,
        %get3A_850 = vector.shape_cast %get3A_849 : vector<1x1x16xf32> to vector<16xf32>
        %mul3A_851 = arith.mulf %broadcast_in_dim3A_817, %sub3A_58 : vector<16xf32>
        %add3A_852 = arith.addf %get3A_16, %mul3A_851 : vector<16xf32>
        %add3A_853 = arith.addf %get3A_850, %add3A_852 : vector<16xf32>
        %swap3A_854 = arith.index_cast %select_n3A_159 : i32 to index
        %swap3A_855 = arith.index_cast %add3A_814 : i32 to index
        %swap3A_856 = arith.constant 32 : index
        %swap3A_857 = tpu.vector_load %arg9[%swap3A_854, %swap3A_855, %swap3A_856] {strides = array<i32>} : memref<3x128x128xf32, #tpu.memory_space<vmem>>, vector<1x1x16xf32>,
        %swap3A_858 = vector.shape_cast %swap3A_857 : vector<1x1x16xf32> to vector<16xf32>
        %swap3A_859 = vector.shape_cast %add3A_853 : vector<16xf32> to vector<1x1x16xf32>
        tpu.vector_store %arg9[%swap3A_854, %swap3A_855, %swap3A_856], %swap3A_859 {strides = array<i32>} : memref<3x128x128xf32, #tpu.memory_space<vmem>>, vector<1x1x16xf32>,
        %get3A_860 = arith.index_cast %select_n3A_159 : i32 to index
        %get3A_861 = arith.index_cast %add3A_814 : i32 to index
        %get3A_862 = arith.constant 48 : index
        %get3A_863 = tpu.vector_load %arg9[%get3A_860, %get3A_861, %get3A_862] {strides = array<i32>} : memref<3x128x128xf32, #tpu.memory_space<vmem>>, vector<1x1x16xf32>,
        %get3A_864 = vector.shape_cast %get3A_863 : vector<1x1x16xf32> to vector<16xf32>
        %mul3A_865 = arith.mulf %broadcast_in_dim3A_817, %sub3A_64 : vector<16xf32>
        %add3A_866 = arith.addf %get3A_21, %mul3A_865 : vector<16xf32>
        %add3A_867 = arith.addf %get3A_864, %add3A_866 : vector<16xf32>
        %swap3A_868 = arith.index_cast %select_n3A_159 : i32 to index
        %swap3A_869 = arith.index_cast %add3A_814 : i32 to index
        %swap3A_870 = arith.constant 48 : index
        %swap3A_871 = tpu.vector_load %arg9[%swap3A_868, %swap3A_869, %swap3A_870] {strides = array<i32>} : memref<3x128x128xf32, #tpu.memory_space<vmem>>, vector<1x1x16xf32>,
        %swap3A_872 = vector.shape_cast %swap3A_871 : vector<1x1x16xf32> to vector<16xf32>
        %swap3A_873 = vector.shape_cast %add3A_867 : vector<16xf32> to vector<1x1x16xf32>
        tpu.vector_store %arg9[%swap3A_868, %swap3A_869, %swap3A_870], %swap3A_873 {strides = array<i32>} : memref<3x128x128xf32, #tpu.memory_space<vmem>>, vector<1x1x16xf32>,
        %get3A_874 = arith.index_cast %select_n3A_159 : i32 to index
        %get3A_875 = arith.index_cast %add3A_814 : i32 to index
        %get3A_876 = arith.constant 64 : index
        %get3A_877 = tpu.vector_load %arg9[%get3A_874, %get3A_875, %get3A_876] {strides = array<i32>} : memref<3x128x128xf32, #tpu.memory_space<vmem>>, vector<1x1x16xf32>,
        %get3A_878 = vector.shape_cast %get3A_877 : vector<1x1x16xf32> to vector<16xf32>
        %mul3A_879 = arith.mulf %broadcast_in_dim3A_817, %sub3A_70 : vector<16xf32>
        %add3A_880 = arith.addf %get3A_26, %mul3A_879 : vector<16xf32>
        %add3A_881 = arith.addf %get3A_878, %add3A_880 : vector<16xf32>
        %swap3A_882 = arith.index_cast %select_n3A_159 : i32 to index
        %swap3A_883 = arith.index_cast %add3A_814 : i32 to index
        %swap3A_884 = arith.constant 64 : index
        %swap3A_885 = tpu.vector_load %arg9[%swap3A_882, %swap3A_883, %swap3A_884] {strides = array<i32>} : memref<3x128x128xf32, #tpu.memory_space<vmem>>, vector<1x1x16xf32>,
        %swap3A_886 = vector.shape_cast %swap3A_885 : vector<1x1x16xf32> to vector<16xf32>
        %swap3A_887 = vector.shape_cast %add3A_881 : vector<16xf32> to vector<1x1x16xf32>
        tpu.vector_store %arg9[%swap3A_882, %swap3A_883, %swap3A_884], %swap3A_887 {strides = array<i32>} : memref<3x128x128xf32, #tpu.memory_space<vmem>>, vector<1x1x16xf32>,
        %get3A_888 = arith.index_cast %select_n3A_159 : i32 to index
        %get3A_889 = arith.index_cast %add3A_814 : i32 to index
        %get3A_890 = arith.constant 80 : index
        %get3A_891 = tpu.vector_load %arg9[%get3A_888, %get3A_889, %get3A_890] {strides = array<i32>} : memref<3x128x128xf32, #tpu.memory_space<vmem>>, vector<1x1x16xf32>,
        %get3A_892 = vector.shape_cast %get3A_891 : vector<1x1x16xf32> to vector<16xf32>
        %mul3A_893 = arith.mulf %broadcast_in_dim3A_817, %sub3A_76 : vector<16xf32>
        %add3A_894 = arith.addf %get3A_31, %mul3A_893 : vector<16xf32>
        %add3A_895 = arith.addf %get3A_892, %add3A_894 : vector<16xf32>
        %swap3A_896 = arith.index_cast %select_n3A_159 : i32 to index
        %swap3A_897 = arith.index_cast %add3A_814 : i32 to index
        %swap3A_898 = arith.constant 80 : index
        %swap3A_899 = tpu.vector_load %arg9[%swap3A_896, %swap3A_897, %swap3A_898] {strides = array<i32>} : memref<3x128x128xf32, #tpu.memory_space<vmem>>, vector<1x1x16xf32>,
        %swap3A_900 = vector.shape_cast %swap3A_899 : vector<1x1x16xf32> to vector<16xf32>
        %swap3A_901 = vector.shape_cast %add3A_895 : vector<16xf32> to vector<1x1x16xf32>
        tpu.vector_store %arg9[%swap3A_896, %swap3A_897, %swap3A_898], %swap3A_901 {strides = array<i32>} : memref<3x128x128xf32, #tpu.memory_space<vmem>>, vector<1x1x16xf32>,
        %get3A_902 = arith.index_cast %select_n3A_159 : i32 to index
        %get3A_903 = arith.index_cast %add3A_814 : i32 to index
        %get3A_904 = arith.constant 96 : index
        %get3A_905 = tpu.vector_load %arg9[%get3A_902, %get3A_903, %get3A_904] {strides = array<i32>} : memref<3x128x128xf32, #tpu.memory_space<vmem>>, vector<1x1x16xf32>,
        %get3A_906 = vector.shape_cast %get3A_905 : vector<1x1x16xf32> to vector<16xf32>
        %mul3A_907 = arith.mulf %broadcast_in_dim3A_817, %sub3A_82 : vector<16xf32>
        %add3A_908 = arith.addf %get3A_36, %mul3A_907 : vector<16xf32>
        %add3A_909 = arith.addf %get3A_906, %add3A_908 : vector<16xf32>
        %swap3A_910 = arith.index_cast %select_n3A_159 : i32 to index
        %swap3A_911 = arith.index_cast %add3A_814 : i32 to index
        %swap3A_912 = arith.constant 96 : index
        %swap3A_913 = tpu.vector_load %arg9[%swap3A_910, %swap3A_911, %swap3A_912] {strides = array<i32>} : memref<3x128x128xf32, #tpu.memory_space<vmem>>, vector<1x1x16xf32>,
        %swap3A_914 = vector.shape_cast %swap3A_913 : vector<1x1x16xf32> to vector<16xf32>
        %swap3A_915 = vector.shape_cast %add3A_909 : vector<16xf32> to vector<1x1x16xf32>
        tpu.vector_store %arg9[%swap3A_910, %swap3A_911, %swap3A_912], %swap3A_915 {strides = array<i32>} : memref<3x128x128xf32, #tpu.memory_space<vmem>>, vector<1x1x16xf32>,
        %get3A_916 = arith.index_cast %select_n3A_159 : i32 to index
        %get3A_917 = arith.index_cast %add3A_814 : i32 to index
        %get3A_918 = arith.constant 112 : index
        %get3A_919 = tpu.vector_load %arg9[%get3A_916, %get3A_917, %get3A_918] {strides = array<i32>} : memref<3x128x128xf32, #tpu.memory_space<vmem>>, vector<1x1x16xf32>,
        %get3A_920 = vector.shape_cast %get3A_919 : vector<1x1x16xf32> to vector<16xf32>
        %mul3A_921 = arith.mulf %broadcast_in_dim3A_817, %sub3A_88 : vector<16xf32>
        %add3A_922 = arith.addf %get3A_41, %mul3A_921 : vector<16xf32>
        %add3A_923 = arith.addf %get3A_920, %add3A_922 : vector<16xf32>
        %swap3A_924 = arith.index_cast %select_n3A_159 : i32 to index
        %swap3A_925 = arith.index_cast %add3A_814 : i32 to index
        %swap3A_926 = arith.constant 112 : index
        %swap3A_927 = tpu.vector_load %arg9[%swap3A_924, %swap3A_925, %swap3A_926] {strides = array<i32>} : memref<3x128x128xf32, #tpu.memory_space<vmem>>, vector<1x1x16xf32>,
        %swap3A_928 = vector.shape_cast %swap3A_927 : vector<1x1x16xf32> to vector<16xf32>
        %swap3A_929 = vector.shape_cast %add3A_923 : vector<16xf32> to vector<1x1x16xf32>
        tpu.vector_store %arg9[%swap3A_924, %swap3A_925, %swap3A_926], %swap3A_929 {strides = array<i32>} : memref<3x128x128xf32, #tpu.memory_space<vmem>>, vector<1x1x16xf32>,
        %mul3A_930 = arith.constant 16 : i32
        %mul3A_931 = arith.muli %mul3A_930, %scan3A_212 : i32
        %add3A_932 = arith.constant 6 : i32
        %add3A_933 = arith.addi %mul3A_931, %add3A_932 : i32
        %slice3A_934 = vector.extract_strided_slice %convert_element_type3A_219 {offsets = [6], sizes = [1], strides = [1]} : vector<16xf32> to vector<1xf32>
        %squeeze3A_935 = vector.extract %slice3A_934[0] : f32 from vector<1xf32>
        %broadcast_in_dim3A_936 = vector.broadcast %squeeze3A_935 : f32 to vector<16xf32>
        %get3A_937 = arith.index_cast %select_n3A_159 : i32 to index
        %get3A_938 = arith.index_cast %add3A_933 : i32 to index
        %get3A_939 = arith.constant 0 : index
        %get3A_940 = tpu.vector_load %arg9[%get3A_937, %get3A_938, %get3A_939] {strides = array<i32>} : memref<3x128x128xf32, #tpu.memory_space<vmem>>, vector<1x1x16xf32>,
        %get3A_941 = vector.shape_cast %get3A_940 : vector<1x1x16xf32> to vector<16xf32>
        %mul3A_942 = arith.mulf %broadcast_in_dim3A_936, %sub3A : vector<16xf32>
        %add3A_943 = arith.addf %get3A_6, %mul3A_942 : vector<16xf32>
        %add3A_944 = arith.addf %get3A_941, %add3A_943 : vector<16xf32>
        %swap3A_945 = arith.index_cast %select_n3A_159 : i32 to index
        %swap3A_946 = arith.index_cast %add3A_933 : i32 to index
        %swap3A_947 = arith.constant 0 : index
        %swap3A_948 = tpu.vector_load %arg9[%swap3A_945, %swap3A_946, %swap3A_947] {strides = array<i32>} : memref<3x128x128xf32, #tpu.memory_space<vmem>>, vector<1x1x16xf32>,
        %swap3A_949 = vector.shape_cast %swap3A_948 : vector<1x1x16xf32> to vector<16xf32>
        %swap3A_950 = vector.shape_cast %add3A_944 : vector<16xf32> to vector<1x1x16xf32>
        tpu.vector_store %arg9[%swap3A_945, %swap3A_946, %swap3A_947], %swap3A_950 {strides = array<i32>} : memref<3x128x128xf32, #tpu.memory_space<vmem>>, vector<1x1x16xf32>,
        %get3A_951 = arith.index_cast %select_n3A_159 : i32 to index
        %get3A_952 = arith.index_cast %add3A_933 : i32 to index
        %get3A_953 = arith.constant 16 : index
        %get3A_954 = tpu.vector_load %arg9[%get3A_951, %get3A_952, %get3A_953] {strides = array<i32>} : memref<3x128x128xf32, #tpu.memory_space<vmem>>, vector<1x1x16xf32>,
        %get3A_955 = vector.shape_cast %get3A_954 : vector<1x1x16xf32> to vector<16xf32>
        %mul3A_956 = arith.mulf %broadcast_in_dim3A_936, %sub3A_52 : vector<16xf32>
        %add3A_957 = arith.addf %get3A_11, %mul3A_956 : vector<16xf32>
        %add3A_958 = arith.addf %get3A_955, %add3A_957 : vector<16xf32>
        %swap3A_959 = arith.index_cast %select_n3A_159 : i32 to index
        %swap3A_960 = arith.index_cast %add3A_933 : i32 to index
        %swap3A_961 = arith.constant 16 : index
        %swap3A_962 = tpu.vector_load %arg9[%swap3A_959, %swap3A_960, %swap3A_961] {strides = array<i32>} : memref<3x128x128xf32, #tpu.memory_space<vmem>>, vector<1x1x16xf32>,
        %swap3A_963 = vector.shape_cast %swap3A_962 : vector<1x1x16xf32> to vector<16xf32>
        %swap3A_964 = vector.shape_cast %add3A_958 : vector<16xf32> to vector<1x1x16xf32>
        tpu.vector_store %arg9[%swap3A_959, %swap3A_960, %swap3A_961], %swap3A_964 {strides = array<i32>} : memref<3x128x128xf32, #tpu.memory_space<vmem>>, vector<1x1x16xf32>,
        %get3A_965 = arith.index_cast %select_n3A_159 : i32 to index
        %get3A_966 = arith.index_cast %add3A_933 : i32 to index
        %get3A_967 = arith.constant 32 : index
        %get3A_968 = tpu.vector_load %arg9[%get3A_965, %get3A_966, %get3A_967] {strides = array<i32>} : memref<3x128x128xf32, #tpu.memory_space<vmem>>, vector<1x1x16xf32>,
        %get3A_969 = vector.shape_cast %get3A_968 : vector<1x1x16xf32> to vector<16xf32>
        %mul3A_970 = arith.mulf %broadcast_in_dim3A_936, %sub3A_58 : vector<16xf32>
        %add3A_971 = arith.addf %get3A_16, %mul3A_970 : vector<16xf32>
        %add3A_972 = arith.addf %get3A_969, %add3A_971 : vector<16xf32>
        %swap3A_973 = arith.index_cast %select_n3A_159 : i32 to index
        %swap3A_974 = arith.index_cast %add3A_933 : i32 to index
        %swap3A_975 = arith.constant 32 : index
        %swap3A_976 = tpu.vector_load %arg9[%swap3A_973, %swap3A_974, %swap3A_975] {strides = array<i32>} : memref<3x128x128xf32, #tpu.memory_space<vmem>>, vector<1x1x16xf32>,
        %swap3A_977 = vector.shape_cast %swap3A_976 : vector<1x1x16xf32> to vector<16xf32>
        %swap3A_978 = vector.shape_cast %add3A_972 : vector<16xf32> to vector<1x1x16xf32>
        tpu.vector_store %arg9[%swap3A_973, %swap3A_974, %swap3A_975], %swap3A_978 {strides = array<i32>} : memref<3x128x128xf32, #tpu.memory_space<vmem>>, vector<1x1x16xf32>,
        %get3A_979 = arith.index_cast %select_n3A_159 : i32 to index
        %get3A_980 = arith.index_cast %add3A_933 : i32 to index
        %get3A_981 = arith.constant 48 : index
        %get3A_982 = tpu.vector_load %arg9[%get3A_979, %get3A_980, %get3A_981] {strides = array<i32>} : memref<3x128x128xf32, #tpu.memory_space<vmem>>, vector<1x1x16xf32>,
        %get3A_983 = vector.shape_cast %get3A_982 : vector<1x1x16xf32> to vector<16xf32>
        %mul3A_984 = arith.mulf %broadcast_in_dim3A_936, %sub3A_64 : vector<16xf32>
        %add3A_985 = arith.addf %get3A_21, %mul3A_984 : vector<16xf32>
        %add3A_986 = arith.addf %get3A_983, %add3A_985 : vector<16xf32>
        %swap3A_987 = arith.index_cast %select_n3A_159 : i32 to index
        %swap3A_988 = arith.index_cast %add3A_933 : i32 to index
        %swap3A_989 = arith.constant 48 : index
        %swap3A_990 = tpu.vector_load %arg9[%swap3A_987, %swap3A_988, %swap3A_989] {strides = array<i32>} : memref<3x128x128xf32, #tpu.memory_space<vmem>>, vector<1x1x16xf32>,
        %swap3A_991 = vector.shape_cast %swap3A_990 : vector<1x1x16xf32> to vector<16xf32>
        %swap3A_992 = vector.shape_cast %add3A_986 : vector<16xf32> to vector<1x1x16xf32>
        tpu.vector_store %arg9[%swap3A_987, %swap3A_988, %swap3A_989], %swap3A_992 {strides = array<i32>} : memref<3x128x128xf32, #tpu.memory_space<vmem>>, vector<1x1x16xf32>,
        %get3A_993 = arith.index_cast %select_n3A_159 : i32 to index
        %get3A_994 = arith.index_cast %add3A_933 : i32 to index
        %get3A_995 = arith.constant 64 : index
        %get3A_996 = tpu.vector_load %arg9[%get3A_993, %get3A_994, %get3A_995] {strides = array<i32>} : memref<3x128x128xf32, #tpu.memory_space<vmem>>, vector<1x1x16xf32>,
        %get3A_997 = vector.shape_cast %get3A_996 : vector<1x1x16xf32> to vector<16xf32>
        %mul3A_998 = arith.mulf %broadcast_in_dim3A_936, %sub3A_70 : vector<16xf32>
        %add3A_999 = arith.addf %get3A_26, %mul3A_998 : vector<16xf32>
        %add3A_1000 = arith.addf %get3A_997, %add3A_999 : vector<16xf32>
        %swap3A_1001 = arith.index_cast %select_n3A_159 : i32 to index
        %swap3A_1002 = arith.index_cast %add3A_933 : i32 to index
        %swap3A_1003 = arith.constant 64 : index
        %swap3A_1004 = tpu.vector_load %arg9[%swap3A_1001, %swap3A_1002, %swap3A_1003] {strides = array<i32>} : memref<3x128x128xf32, #tpu.memory_space<vmem>>, vector<1x1x16xf32>,
        %swap3A_1005 = vector.shape_cast %swap3A_1004 : vector<1x1x16xf32> to vector<16xf32>
        %swap3A_1006 = vector.shape_cast %add3A_1000 : vector<16xf32> to vector<1x1x16xf32>
        tpu.vector_store %arg9[%swap3A_1001, %swap3A_1002, %swap3A_1003], %swap3A_1006 {strides = array<i32>} : memref<3x128x128xf32, #tpu.memory_space<vmem>>, vector<1x1x16xf32>,
        %get3A_1007 = arith.index_cast %select_n3A_159 : i32 to index
        %get3A_1008 = arith.index_cast %add3A_933 : i32 to index
        %get3A_1009 = arith.constant 80 : index
        %get3A_1010 = tpu.vector_load %arg9[%get3A_1007, %get3A_1008, %get3A_1009] {strides = array<i32>} : memref<3x128x128xf32, #tpu.memory_space<vmem>>, vector<1x1x16xf32>,
        %get3A_1011 = vector.shape_cast %get3A_1010 : vector<1x1x16xf32> to vector<16xf32>
        %mul3A_1012 = arith.mulf %broadcast_in_dim3A_936, %sub3A_76 : vector<16xf32>
        %add3A_1013 = arith.addf %get3A_31, %mul3A_1012 : vector<16xf32>
        %add3A_1014 = arith.addf %get3A_1011, %add3A_1013 : vector<16xf32>
        %swap3A_1015 = arith.index_cast %select_n3A_159 : i32 to index
        %swap3A_1016 = arith.index_cast %add3A_933 : i32 to index
        %swap3A_1017 = arith.constant 80 : index
        %swap3A_1018 = tpu.vector_load %arg9[%swap3A_1015, %swap3A_1016, %swap3A_1017] {strides = array<i32>} : memref<3x128x128xf32, #tpu.memory_space<vmem>>, vector<1x1x16xf32>,
        %swap3A_1019 = vector.shape_cast %swap3A_1018 : vector<1x1x16xf32> to vector<16xf32>
        %swap3A_1020 = vector.shape_cast %add3A_1014 : vector<16xf32> to vector<1x1x16xf32>
        tpu.vector_store %arg9[%swap3A_1015, %swap3A_1016, %swap3A_1017], %swap3A_1020 {strides = array<i32>} : memref<3x128x128xf32, #tpu.memory_space<vmem>>, vector<1x1x16xf32>,
        %get3A_1021 = arith.index_cast %select_n3A_159 : i32 to index
        %get3A_1022 = arith.index_cast %add3A_933 : i32 to index
        %get3A_1023 = arith.constant 96 : index
        %get3A_1024 = tpu.vector_load %arg9[%get3A_1021, %get3A_1022, %get3A_1023] {strides = array<i32>} : memref<3x128x128xf32, #tpu.memory_space<vmem>>, vector<1x1x16xf32>,
        %get3A_1025 = vector.shape_cast %get3A_1024 : vector<1x1x16xf32> to vector<16xf32>
        %mul3A_1026 = arith.mulf %broadcast_in_dim3A_936, %sub3A_82 : vector<16xf32>
        %add3A_1027 = arith.addf %get3A_36, %mul3A_1026 : vector<16xf32>
        %add3A_1028 = arith.addf %get3A_1025, %add3A_1027 : vector<16xf32>
        %swap3A_1029 = arith.index_cast %select_n3A_159 : i32 to index
        %swap3A_1030 = arith.index_cast %add3A_933 : i32 to index
        %swap3A_1031 = arith.constant 96 : index
        %swap3A_1032 = tpu.vector_load %arg9[%swap3A_1029, %swap3A_1030, %swap3A_1031] {strides = array<i32>} : memref<3x128x128xf32, #tpu.memory_space<vmem>>, vector<1x1x16xf32>,
        %swap3A_1033 = vector.shape_cast %swap3A_1032 : vector<1x1x16xf32> to vector<16xf32>
        %swap3A_1034 = vector.shape_cast %add3A_1028 : vector<16xf32> to vector<1x1x16xf32>
        tpu.vector_store %arg9[%swap3A_1029, %swap3A_1030, %swap3A_1031], %swap3A_1034 {strides = array<i32>} : memref<3x128x128xf32, #tpu.memory_space<vmem>>, vector<1x1x16xf32>,
        %get3A_1035 = arith.index_cast %select_n3A_159 : i32 to index
        %get3A_1036 = arith.index_cast %add3A_933 : i32 to index
        %get3A_1037 = arith.constant 112 : index
        %get3A_1038 = tpu.vector_load %arg9[%get3A_1035, %get3A_1036, %get3A_1037] {strides = array<i32>} : memref<3x128x128xf32, #tpu.memory_space<vmem>>, vector<1x1x16xf32>,
        %get3A_1039 = vector.shape_cast %get3A_1038 : vector<1x1x16xf32> to vector<16xf32>
        %mul3A_1040 = arith.mulf %broadcast_in_dim3A_936, %sub3A_88 : vector<16xf32>
        %add3A_1041 = arith.addf %get3A_41, %mul3A_1040 : vector<16xf32>
        %add3A_1042 = arith.addf %get3A_1039, %add3A_1041 : vector<16xf32>
        %swap3A_1043 = arith.index_cast %select_n3A_159 : i32 to index
        %swap3A_1044 = arith.index_cast %add3A_933 : i32 to index
        %swap3A_1045 = arith.constant 112 : index
        %swap3A_1046 = tpu.vector_load %arg9[%swap3A_1043, %swap3A_1044, %swap3A_1045] {strides = array<i32>} : memref<3x128x128xf32, #tpu.memory_space<vmem>>, vector<1x1x16xf32>,
        %swap3A_1047 = vector.shape_cast %swap3A_1046 : vector<1x1x16xf32> to vector<16xf32>
        %swap3A_1048 = vector.shape_cast %add3A_1042 : vector<16xf32> to vector<1x1x16xf32>
        tpu.vector_store %arg9[%swap3A_1043, %swap3A_1044, %swap3A_1045], %swap3A_1048 {strides = array<i32>} : memref<3x128x128xf32, #tpu.memory_space<vmem>>, vector<1x1x16xf32>,
        %mul3A_1049 = arith.constant 16 : i32
        %mul3A_1050 = arith.muli %mul3A_1049, %scan3A_212 : i32
        %add3A_1051 = arith.constant 7 : i32
        %add3A_1052 = arith.addi %mul3A_1050, %add3A_1051 : i32
        %slice3A_1053 = vector.extract_strided_slice %convert_element_type3A_219 {offsets = [7], sizes = [1], strides = [1]} : vector<16xf32> to vector<1xf32>
        %squeeze3A_1054 = vector.extract %slice3A_1053[0] : f32 from vector<1xf32>
        %broadcast_in_dim3A_1055 = vector.broadcast %squeeze3A_1054 : f32 to vector<16xf32>
        %get3A_1056 = arith.index_cast %select_n3A_159 : i32 to index
        %get3A_1057 = arith.index_cast %add3A_1052 : i32 to index
        %get3A_1058 = arith.constant 0 : index
        %get3A_1059 = tpu.vector_load %arg9[%get3A_1056, %get3A_1057, %get3A_1058] {strides = array<i32>} : memref<3x128x128xf32, #tpu.memory_space<vmem>>, vector<1x1x16xf32>,
        %get3A_1060 = vector.shape_cast %get3A_1059 : vector<1x1x16xf32> to vector<16xf32>
        %mul3A_1061 = arith.mulf %broadcast_in_dim3A_1055, %sub3A : vector<16xf32>
        %add3A_1062 = arith.addf %get3A_6, %mul3A_1061 : vector<16xf32>
        %add3A_1063 = arith.addf %get3A_1060, %add3A_1062 : vector<16xf32>
        %swap3A_1064 = arith.index_cast %select_n3A_159 : i32 to index
        %swap3A_1065 = arith.index_cast %add3A_1052 : i32 to index
        %swap3A_1066 = arith.constant 0 : index
        %swap3A_1067 = tpu.vector_load %arg9[%swap3A_1064, %swap3A_1065, %swap3A_1066] {strides = array<i32>} : memref<3x128x128xf32, #tpu.memory_space<vmem>>, vector<1x1x16xf32>,
        %swap3A_1068 = vector.shape_cast %swap3A_1067 : vector<1x1x16xf32> to vector<16xf32>
        %swap3A_1069 = vector.shape_cast %add3A_1063 : vector<16xf32> to vector<1x1x16xf32>
        tpu.vector_store %arg9[%swap3A_1064, %swap3A_1065, %swap3A_1066], %swap3A_1069 {strides = array<i32>} : memref<3x128x128xf32, #tpu.memory_space<vmem>>, vector<1x1x16xf32>,
        %get3A_1070 = arith.index_cast %select_n3A_159 : i32 to index
        %get3A_1071 = arith.index_cast %add3A_1052 : i32 to index
        %get3A_1072 = arith.constant 16 : index
        %get3A_1073 = tpu.vector_load %arg9[%get3A_1070, %get3A_1071, %get3A_1072] {strides = array<i32>} : memref<3x128x128xf32, #tpu.memory_space<vmem>>, vector<1x1x16xf32>,
        %get3A_1074 = vector.shape_cast %get3A_1073 : vector<1x1x16xf32> to vector<16xf32>
        %mul3A_1075 = arith.mulf %broadcast_in_dim3A_1055, %sub3A_52 : vector<16xf32>
        %add3A_1076 = arith.addf %get3A_11, %mul3A_1075 : vector<16xf32>
        %add3A_1077 = arith.addf %get3A_1074, %add3A_1076 : vector<16xf32>
        %swap3A_1078 = arith.index_cast %select_n3A_159 : i32 to index
        %swap3A_1079 = arith.index_cast %add3A_1052 : i32 to index
        %swap3A_1080 = arith.constant 16 : index
        %swap3A_1081 = tpu.vector_load %arg9[%swap3A_1078, %swap3A_1079, %swap3A_1080] {strides = array<i32>} : memref<3x128x128xf32, #tpu.memory_space<vmem>>, vector<1x1x16xf32>,
        %swap3A_1082 = vector.shape_cast %swap3A_1081 : vector<1x1x16xf32> to vector<16xf32>
        %swap3A_1083 = vector.shape_cast %add3A_1077 : vector<16xf32> to vector<1x1x16xf32>
        tpu.vector_store %arg9[%swap3A_1078, %swap3A_1079, %swap3A_1080], %swap3A_1083 {strides = array<i32>} : memref<3x128x128xf32, #tpu.memory_space<vmem>>, vector<1x1x16xf32>,
        %get3A_1084 = arith.index_cast %select_n3A_159 : i32 to index
        %get3A_1085 = arith.index_cast %add3A_1052 : i32 to index
        %get3A_1086 = arith.constant 32 : index
        %get3A_1087 = tpu.vector_load %arg9[%get3A_1084, %get3A_1085, %get3A_1086] {strides = array<i32>} : memref<3x128x128xf32, #tpu.memory_space<vmem>>, vector<1x1x16xf32>,
        %get3A_1088 = vector.shape_cast %get3A_1087 : vector<1x1x16xf32> to vector<16xf32>
        %mul3A_1089 = arith.mulf %broadcast_in_dim3A_1055, %sub3A_58 : vector<16xf32>
        %add3A_1090 = arith.addf %get3A_16, %mul3A_1089 : vector<16xf32>
        %add3A_1091 = arith.addf %get3A_1088, %add3A_1090 : vector<16xf32>
        %swap3A_1092 = arith.index_cast %select_n3A_159 : i32 to index
        %swap3A_1093 = arith.index_cast %add3A_1052 : i32 to index
        %swap3A_1094 = arith.constant 32 : index
        %swap3A_1095 = tpu.vector_load %arg9[%swap3A_1092, %swap3A_1093, %swap3A_1094] {strides = array<i32>} : memref<3x128x128xf32, #tpu.memory_space<vmem>>, vector<1x1x16xf32>,
        %swap3A_1096 = vector.shape_cast %swap3A_1095 : vector<1x1x16xf32> to vector<16xf32>
        %swap3A_1097 = vector.shape_cast %add3A_1091 : vector<16xf32> to vector<1x1x16xf32>
        tpu.vector_store %arg9[%swap3A_1092, %swap3A_1093, %swap3A_1094], %swap3A_1097 {strides = array<i32>} : memref<3x128x128xf32, #tpu.memory_space<vmem>>, vector<1x1x16xf32>,
        %get3A_1098 = arith.index_cast %select_n3A_159 : i32 to index
        %get3A_1099 = arith.index_cast %add3A_1052 : i32 to index
        %get3A_1100 = arith.constant 48 : index
        %get3A_1101 = tpu.vector_load %arg9[%get3A_1098, %get3A_1099, %get3A_1100] {strides = array<i32>} : memref<3x128x128xf32, #tpu.memory_space<vmem>>, vector<1x1x16xf32>,
        %get3A_1102 = vector.shape_cast %get3A_1101 : vector<1x1x16xf32> to vector<16xf32>
        %mul3A_1103 = arith.mulf %broadcast_in_dim3A_1055, %sub3A_64 : vector<16xf32>
        %add3A_1104 = arith.addf %get3A_21, %mul3A_1103 : vector<16xf32>
        %add3A_1105 = arith.addf %get3A_1102, %add3A_1104 : vector<16xf32>
        %swap3A_1106 = arith.index_cast %select_n3A_159 : i32 to index
        %swap3A_1107 = arith.index_cast %add3A_1052 : i32 to index
        %swap3A_1108 = arith.constant 48 : index
        %swap3A_1109 = tpu.vector_load %arg9[%swap3A_1106, %swap3A_1107, %swap3A_1108] {strides = array<i32>} : memref<3x128x128xf32, #tpu.memory_space<vmem>>, vector<1x1x16xf32>,
        %swap3A_1110 = vector.shape_cast %swap3A_1109 : vector<1x1x16xf32> to vector<16xf32>
        %swap3A_1111 = vector.shape_cast %add3A_1105 : vector<16xf32> to vector<1x1x16xf32>
        tpu.vector_store %arg9[%swap3A_1106, %swap3A_1107, %swap3A_1108], %swap3A_1111 {strides = array<i32>} : memref<3x128x128xf32, #tpu.memory_space<vmem>>, vector<1x1x16xf32>,
        %get3A_1112 = arith.index_cast %select_n3A_159 : i32 to index
        %get3A_1113 = arith.index_cast %add3A_1052 : i32 to index
        %get3A_1114 = arith.constant 64 : index
        %get3A_1115 = tpu.vector_load %arg9[%get3A_1112, %get3A_1113, %get3A_1114] {strides = array<i32>} : memref<3x128x128xf32, #tpu.memory_space<vmem>>, vector<1x1x16xf32>,
        %get3A_1116 = vector.shape_cast %get3A_1115 : vector<1x1x16xf32> to vector<16xf32>
        %mul3A_1117 = arith.mulf %broadcast_in_dim3A_1055, %sub3A_70 : vector<16xf32>
        %add3A_1118 = arith.addf %get3A_26, %mul3A_1117 : vector<16xf32>
        %add3A_1119 = arith.addf %get3A_1116, %add3A_1118 : vector<16xf32>
        %swap3A_1120 = arith.index_cast %select_n3A_159 : i32 to index
        %swap3A_1121 = arith.index_cast %add3A_1052 : i32 to index
        %swap3A_1122 = arith.constant 64 : index
        %swap3A_1123 = tpu.vector_load %arg9[%swap3A_1120, %swap3A_1121, %swap3A_1122] {strides = array<i32>} : memref<3x128x128xf32, #tpu.memory_space<vmem>>, vector<1x1x16xf32>,
        %swap3A_1124 = vector.shape_cast %swap3A_1123 : vector<1x1x16xf32> to vector<16xf32>
        %swap3A_1125 = vector.shape_cast %add3A_1119 : vector<16xf32> to vector<1x1x16xf32>
        tpu.vector_store %arg9[%swap3A_1120, %swap3A_1121, %swap3A_1122], %swap3A_1125 {strides = array<i32>} : memref<3x128x128xf32, #tpu.memory_space<vmem>>, vector<1x1x16xf32>,
        %get3A_1126 = arith.index_cast %select_n3A_159 : i32 to index
        %get3A_1127 = arith.index_cast %add3A_1052 : i32 to index
        %get3A_1128 = arith.constant 80 : index
        %get3A_1129 = tpu.vector_load %arg9[%get3A_1126, %get3A_1127, %get3A_1128] {strides = array<i32>} : memref<3x128x128xf32, #tpu.memory_space<vmem>>, vector<1x1x16xf32>,
        %get3A_1130 = vector.shape_cast %get3A_1129 : vector<1x1x16xf32> to vector<16xf32>
        %mul3A_1131 = arith.mulf %broadcast_in_dim3A_1055, %sub3A_76 : vector<16xf32>
        %add3A_1132 = arith.addf %get3A_31, %mul3A_1131 : vector<16xf32>
        %add3A_1133 = arith.addf %get3A_1130, %add3A_1132 : vector<16xf32>
        %swap3A_1134 = arith.index_cast %select_n3A_159 : i32 to index
        %swap3A_1135 = arith.index_cast %add3A_1052 : i32 to index
        %swap3A_1136 = arith.constant 80 : index
        %swap3A_1137 = tpu.vector_load %arg9[%swap3A_1134, %swap3A_1135, %swap3A_1136] {strides = array<i32>} : memref<3x128x128xf32, #tpu.memory_space<vmem>>, vector<1x1x16xf32>,
        %swap3A_1138 = vector.shape_cast %swap3A_1137 : vector<1x1x16xf32> to vector<16xf32>
        %swap3A_1139 = vector.shape_cast %add3A_1133 : vector<16xf32> to vector<1x1x16xf32>
        tpu.vector_store %arg9[%swap3A_1134, %swap3A_1135, %swap3A_1136], %swap3A_1139 {strides = array<i32>} : memref<3x128x128xf32, #tpu.memory_space<vmem>>, vector<1x1x16xf32>,
        %get3A_1140 = arith.index_cast %select_n3A_159 : i32 to index
        %get3A_1141 = arith.index_cast %add3A_1052 : i32 to index
        %get3A_1142 = arith.constant 96 : index
        %get3A_1143 = tpu.vector_load %arg9[%get3A_1140, %get3A_1141, %get3A_1142] {strides = array<i32>} : memref<3x128x128xf32, #tpu.memory_space<vmem>>, vector<1x1x16xf32>,
        %get3A_1144 = vector.shape_cast %get3A_1143 : vector<1x1x16xf32> to vector<16xf32>
        %mul3A_1145 = arith.mulf %broadcast_in_dim3A_1055, %sub3A_82 : vector<16xf32>
        %add3A_1146 = arith.addf %get3A_36, %mul3A_1145 : vector<16xf32>
        %add3A_1147 = arith.addf %get3A_1144, %add3A_1146 : vector<16xf32>
        %swap3A_1148 = arith.index_cast %select_n3A_159 : i32 to index
        %swap3A_1149 = arith.index_cast %add3A_1052 : i32 to index
        %swap3A_1150 = arith.constant 96 : index
        %swap3A_1151 = tpu.vector_load %arg9[%swap3A_1148, %swap3A_1149, %swap3A_1150] {strides = array<i32>} : memref<3x128x128xf32, #tpu.memory_space<vmem>>, vector<1x1x16xf32>,
        %swap3A_1152 = vector.shape_cast %swap3A_1151 : vector<1x1x16xf32> to vector<16xf32>
        %swap3A_1153 = vector.shape_cast %add3A_1147 : vector<16xf32> to vector<1x1x16xf32>
        tpu.vector_store %arg9[%swap3A_1148, %swap3A_1149, %swap3A_1150], %swap3A_1153 {strides = array<i32>} : memref<3x128x128xf32, #tpu.memory_space<vmem>>, vector<1x1x16xf32>,
        %get3A_1154 = arith.index_cast %select_n3A_159 : i32 to index
        %get3A_1155 = arith.index_cast %add3A_1052 : i32 to index
        %get3A_1156 = arith.constant 112 : index
        %get3A_1157 = tpu.vector_load %arg9[%get3A_1154, %get3A_1155, %get3A_1156] {strides = array<i32>} : memref<3x128x128xf32, #tpu.memory_space<vmem>>, vector<1x1x16xf32>,
        %get3A_1158 = vector.shape_cast %get3A_1157 : vector<1x1x16xf32> to vector<16xf32>
        %mul3A_1159 = arith.mulf %broadcast_in_dim3A_1055, %sub3A_88 : vector<16xf32>
        %add3A_1160 = arith.addf %get3A_41, %mul3A_1159 : vector<16xf32>
        %add3A_1161 = arith.addf %get3A_1158, %add3A_1160 : vector<16xf32>
        %swap3A_1162 = arith.index_cast %select_n3A_159 : i32 to index
        %swap3A_1163 = arith.index_cast %add3A_1052 : i32 to index
        %swap3A_1164 = arith.constant 112 : index
        %swap3A_1165 = tpu.vector_load %arg9[%swap3A_1162, %swap3A_1163, %swap3A_1164] {strides = array<i32>} : memref<3x128x128xf32, #tpu.memory_space<vmem>>, vector<1x1x16xf32>,
        %swap3A_1166 = vector.shape_cast %swap3A_1165 : vector<1x1x16xf32> to vector<16xf32>
        %swap3A_1167 = vector.shape_cast %add3A_1161 : vector<16xf32> to vector<1x1x16xf32>
        tpu.vector_store %arg9[%swap3A_1162, %swap3A_1163, %swap3A_1164], %swap3A_1167 {strides = array<i32>} : memref<3x128x128xf32, #tpu.memory_space<vmem>>, vector<1x1x16xf32>,
        %mul3A_1168 = arith.constant 16 : i32
        %mul3A_1169 = arith.muli %mul3A_1168, %scan3A_212 : i32
        %add3A_1170 = arith.constant 8 : i32
        %add3A_1171 = arith.addi %mul3A_1169, %add3A_1170 : i32
        %slice3A_1172 = vector.extract_strided_slice %convert_element_type3A_219 {offsets = [8], sizes = [1], strides = [1]} : vector<16xf32> to vector<1xf32>
        %squeeze3A_1173 = vector.extract %slice3A_1172[0] : f32 from vector<1xf32>
        %broadcast_in_dim3A_1174 = vector.broadcast %squeeze3A_1173 : f32 to vector<16xf32>
        %get3A_1175 = arith.index_cast %select_n3A_159 : i32 to index
        %get3A_1176 = arith.index_cast %add3A_1171 : i32 to index
        %get3A_1177 = arith.constant 0 : index
        %get3A_1178 = tpu.vector_load %arg9[%get3A_1175, %get3A_1176, %get3A_1177] {strides = array<i32>} : memref<3x128x128xf32, #tpu.memory_space<vmem>>, vector<1x1x16xf32>,
        %get3A_1179 = vector.shape_cast %get3A_1178 : vector<1x1x16xf32> to vector<16xf32>
        %mul3A_1180 = arith.mulf %broadcast_in_dim3A_1174, %sub3A : vector<16xf32>
        %add3A_1181 = arith.addf %get3A_6, %mul3A_1180 : vector<16xf32>
        %add3A_1182 = arith.addf %get3A_1179, %add3A_1181 : vector<16xf32>
        %swap3A_1183 = arith.index_cast %select_n3A_159 : i32 to index
        %swap3A_1184 = arith.index_cast %add3A_1171 : i32 to index
        %swap3A_1185 = arith.constant 0 : index
        %swap3A_1186 = tpu.vector_load %arg9[%swap3A_1183, %swap3A_1184, %swap3A_1185] {strides = array<i32>} : memref<3x128x128xf32, #tpu.memory_space<vmem>>, vector<1x1x16xf32>,
        %swap3A_1187 = vector.shape_cast %swap3A_1186 : vector<1x1x16xf32> to vector<16xf32>
        %swap3A_1188 = vector.shape_cast %add3A_1182 : vector<16xf32> to vector<1x1x16xf32>
        tpu.vector_store %arg9[%swap3A_1183, %swap3A_1184, %swap3A_1185], %swap3A_1188 {strides = array<i32>} : memref<3x128x128xf32, #tpu.memory_space<vmem>>, vector<1x1x16xf32>,
        %get3A_1189 = arith.index_cast %select_n3A_159 : i32 to index
        %get3A_1190 = arith.index_cast %add3A_1171 : i32 to index
        %get3A_1191 = arith.constant 16 : index
        %get3A_1192 = tpu.vector_load %arg9[%get3A_1189, %get3A_1190, %get3A_1191] {strides = array<i32>} : memref<3x128x128xf32, #tpu.memory_space<vmem>>, vector<1x1x16xf32>,
        %get3A_1193 = vector.shape_cast %get3A_1192 : vector<1x1x16xf32> to vector<16xf32>
        %mul3A_1194 = arith.mulf %broadcast_in_dim3A_1174, %sub3A_52 : vector<16xf32>
        %add3A_1195 = arith.addf %get3A_11, %mul3A_1194 : vector<16xf32>
        %add3A_1196 = arith.addf %get3A_1193, %add3A_1195 : vector<16xf32>
        %swap3A_1197 = arith.index_cast %select_n3A_159 : i32 to index
        %swap3A_1198 = arith.index_cast %add3A_1171 : i32 to index
        %swap3A_1199 = arith.constant 16 : index
        %swap3A_1200 = tpu.vector_load %arg9[%swap3A_1197, %swap3A_1198, %swap3A_1199] {strides = array<i32>} : memref<3x128x128xf32, #tpu.memory_space<vmem>>, vector<1x1x16xf32>,
        %swap3A_1201 = vector.shape_cast %swap3A_1200 : vector<1x1x16xf32> to vector<16xf32>
        %swap3A_1202 = vector.shape_cast %add3A_1196 : vector<16xf32> to vector<1x1x16xf32>
        tpu.vector_store %arg9[%swap3A_1197, %swap3A_1198, %swap3A_1199], %swap3A_1202 {strides = array<i32>} : memref<3x128x128xf32, #tpu.memory_space<vmem>>, vector<1x1x16xf32>,
        %get3A_1203 = arith.index_cast %select_n3A_159 : i32 to index
        %get3A_1204 = arith.index_cast %add3A_1171 : i32 to index
        %get3A_1205 = arith.constant 32 : index
        %get3A_1206 = tpu.vector_load %arg9[%get3A_1203, %get3A_1204, %get3A_1205] {strides = array<i32>} : memref<3x128x128xf32, #tpu.memory_space<vmem>>, vector<1x1x16xf32>,
        %get3A_1207 = vector.shape_cast %get3A_1206 : vector<1x1x16xf32> to vector<16xf32>
        %mul3A_1208 = arith.mulf %broadcast_in_dim3A_1174, %sub3A_58 : vector<16xf32>
        %add3A_1209 = arith.addf %get3A_16, %mul3A_1208 : vector<16xf32>
        %add3A_1210 = arith.addf %get3A_1207, %add3A_1209 : vector<16xf32>
        %swap3A_1211 = arith.index_cast %select_n3A_159 : i32 to index
        %swap3A_1212 = arith.index_cast %add3A_1171 : i32 to index
        %swap3A_1213 = arith.constant 32 : index
        %swap3A_1214 = tpu.vector_load %arg9[%swap3A_1211, %swap3A_1212, %swap3A_1213] {strides = array<i32>} : memref<3x128x128xf32, #tpu.memory_space<vmem>>, vector<1x1x16xf32>,
        %swap3A_1215 = vector.shape_cast %swap3A_1214 : vector<1x1x16xf32> to vector<16xf32>
        %swap3A_1216 = vector.shape_cast %add3A_1210 : vector<16xf32> to vector<1x1x16xf32>
        tpu.vector_store %arg9[%swap3A_1211, %swap3A_1212, %swap3A_1213], %swap3A_1216 {strides = array<i32>} : memref<3x128x128xf32, #tpu.memory_space<vmem>>, vector<1x1x16xf32>,
        %get3A_1217 = arith.index_cast %select_n3A_159 : i32 to index
        %get3A_1218 = arith.index_cast %add3A_1171 : i32 to index
        %get3A_1219 = arith.constant 48 : index
        %get3A_1220 = tpu.vector_load %arg9[%get3A_1217, %get3A_1218, %get3A_1219] {strides = array<i32>} : memref<3x128x128xf32, #tpu.memory_space<vmem>>, vector<1x1x16xf32>,
        %get3A_1221 = vector.shape_cast %get3A_1220 : vector<1x1x16xf32> to vector<16xf32>
        %mul3A_1222 = arith.mulf %broadcast_in_dim3A_1174, %sub3A_64 : vector<16xf32>
        %add3A_1223 = arith.addf %get3A_21, %mul3A_1222 : vector<16xf32>
        %add3A_1224 = arith.addf %get3A_1221, %add3A_1223 : vector<16xf32>
        %swap3A_1225 = arith.index_cast %select_n3A_159 : i32 to index
        %swap3A_1226 = arith.index_cast %add3A_1171 : i32 to index
        %swap3A_1227 = arith.constant 48 : index
        %swap3A_1228 = tpu.vector_load %arg9[%swap3A_1225, %swap3A_1226, %swap3A_1227] {strides = array<i32>} : memref<3x128x128xf32, #tpu.memory_space<vmem>>, vector<1x1x16xf32>,
        %swap3A_1229 = vector.shape_cast %swap3A_1228 : vector<1x1x16xf32> to vector<16xf32>
        %swap3A_1230 = vector.shape_cast %add3A_1224 : vector<16xf32> to vector<1x1x16xf32>
        tpu.vector_store %arg9[%swap3A_1225, %swap3A_1226, %swap3A_1227], %swap3A_1230 {strides = array<i32>} : memref<3x128x128xf32, #tpu.memory_space<vmem>>, vector<1x1x16xf32>,
        %get3A_1231 = arith.index_cast %select_n3A_159 : i32 to index
        %get3A_1232 = arith.index_cast %add3A_1171 : i32 to index
        %get3A_1233 = arith.constant 64 : index
        %get3A_1234 = tpu.vector_load %arg9[%get3A_1231, %get3A_1232, %get3A_1233] {strides = array<i32>} : memref<3x128x128xf32, #tpu.memory_space<vmem>>, vector<1x1x16xf32>,
        %get3A_1235 = vector.shape_cast %get3A_1234 : vector<1x1x16xf32> to vector<16xf32>
        %mul3A_1236 = arith.mulf %broadcast_in_dim3A_1174, %sub3A_70 : vector<16xf32>
        %add3A_1237 = arith.addf %get3A_26, %mul3A_1236 : vector<16xf32>
        %add3A_1238 = arith.addf %get3A_1235, %add3A_1237 : vector<16xf32>
        %swap3A_1239 = arith.index_cast %select_n3A_159 : i32 to index
        %swap3A_1240 = arith.index_cast %add3A_1171 : i32 to index
        %swap3A_1241 = arith.constant 64 : index
        %swap3A_1242 = tpu.vector_load %arg9[%swap3A_1239, %swap3A_1240, %swap3A_1241] {strides = array<i32>} : memref<3x128x128xf32, #tpu.memory_space<vmem>>, vector<1x1x16xf32>,
        %swap3A_1243 = vector.shape_cast %swap3A_1242 : vector<1x1x16xf32> to vector<16xf32>
        %swap3A_1244 = vector.shape_cast %add3A_1238 : vector<16xf32> to vector<1x1x16xf32>
        tpu.vector_store %arg9[%swap3A_1239, %swap3A_1240, %swap3A_1241], %swap3A_1244 {strides = array<i32>} : memref<3x128x128xf32, #tpu.memory_space<vmem>>, vector<1x1x16xf32>,
        %get3A_1245 = arith.index_cast %select_n3A_159 : i32 to index
        %get3A_1246 = arith.index_cast %add3A_1171 : i32 to index
        %get3A_1247 = arith.constant 80 : index
        %get3A_1248 = tpu.vector_load %arg9[%get3A_1245, %get3A_1246, %get3A_1247] {strides = array<i32>} : memref<3x128x128xf32, #tpu.memory_space<vmem>>, vector<1x1x16xf32>,
        %get3A_1249 = vector.shape_cast %get3A_1248 : vector<1x1x16xf32> to vector<16xf32>
        %mul3A_1250 = arith.mulf %broadcast_in_dim3A_1174, %sub3A_76 : vector<16xf32>
        %add3A_1251 = arith.addf %get3A_31, %mul3A_1250 : vector<16xf32>
        %add3A_1252 = arith.addf %get3A_1249, %add3A_1251 : vector<16xf32>
        %swap3A_1253 = arith.index_cast %select_n3A_159 : i32 to index
        %swap3A_1254 = arith.index_cast %add3A_1171 : i32 to index
        %swap3A_1255 = arith.constant 80 : index
        %swap3A_1256 = tpu.vector_load %arg9[%swap3A_1253, %swap3A_1254, %swap3A_1255] {strides = array<i32>} : memref<3x128x128xf32, #tpu.memory_space<vmem>>, vector<1x1x16xf32>,
        %swap3A_1257 = vector.shape_cast %swap3A_1256 : vector<1x1x16xf32> to vector<16xf32>
        %swap3A_1258 = vector.shape_cast %add3A_1252 : vector<16xf32> to vector<1x1x16xf32>
        tpu.vector_store %arg9[%swap3A_1253, %swap3A_1254, %swap3A_1255], %swap3A_1258 {strides = array<i32>} : memref<3x128x128xf32, #tpu.memory_space<vmem>>, vector<1x1x16xf32>,
        %get3A_1259 = arith.index_cast %select_n3A_159 : i32 to index
        %get3A_1260 = arith.index_cast %add3A_1171 : i32 to index
        %get3A_1261 = arith.constant 96 : index
        %get3A_1262 = tpu.vector_load %arg9[%get3A_1259, %get3A_1260, %get3A_1261] {strides = array<i32>} : memref<3x128x128xf32, #tpu.memory_space<vmem>>, vector<1x1x16xf32>,
        %get3A_1263 = vector.shape_cast %get3A_1262 : vector<1x1x16xf32> to vector<16xf32>
        %mul3A_1264 = arith.mulf %broadcast_in_dim3A_1174, %sub3A_82 : vector<16xf32>
        %add3A_1265 = arith.addf %get3A_36, %mul3A_1264 : vector<16xf32>
        %add3A_1266 = arith.addf %get3A_1263, %add3A_1265 : vector<16xf32>
        %swap3A_1267 = arith.index_cast %select_n3A_159 : i32 to index
        %swap3A_1268 = arith.index_cast %add3A_1171 : i32 to index
        %swap3A_1269 = arith.constant 96 : index
        %swap3A_1270 = tpu.vector_load %arg9[%swap3A_1267, %swap3A_1268, %swap3A_1269] {strides = array<i32>} : memref<3x128x128xf32, #tpu.memory_space<vmem>>, vector<1x1x16xf32>,
        %swap3A_1271 = vector.shape_cast %swap3A_1270 : vector<1x1x16xf32> to vector<16xf32>
        %swap3A_1272 = vector.shape_cast %add3A_1266 : vector<16xf32> to vector<1x1x16xf32>
        tpu.vector_store %arg9[%swap3A_1267, %swap3A_1268, %swap3A_1269], %swap3A_1272 {strides = array<i32>} : memref<3x128x128xf32, #tpu.memory_space<vmem>>, vector<1x1x16xf32>,
        %get3A_1273 = arith.index_cast %select_n3A_159 : i32 to index
        %get3A_1274 = arith.index_cast %add3A_1171 : i32 to index
        %get3A_1275 = arith.constant 112 : index
        %get3A_1276 = tpu.vector_load %arg9[%get3A_1273, %get3A_1274, %get3A_1275] {strides = array<i32>} : memref<3x128x128xf32, #tpu.memory_space<vmem>>, vector<1x1x16xf32>,
        %get3A_1277 = vector.shape_cast %get3A_1276 : vector<1x1x16xf32> to vector<16xf32>
        %mul3A_1278 = arith.mulf %broadcast_in_dim3A_1174, %sub3A_88 : vector<16xf32>
        %add3A_1279 = arith.addf %get3A_41, %mul3A_1278 : vector<16xf32>
        %add3A_1280 = arith.addf %get3A_1277, %add3A_1279 : vector<16xf32>
        %swap3A_1281 = arith.index_cast %select_n3A_159 : i32 to index
        %swap3A_1282 = arith.index_cast %add3A_1171 : i32 to index
        %swap3A_1283 = arith.constant 112 : index
        %swap3A_1284 = tpu.vector_load %arg9[%swap3A_1281, %swap3A_1282, %swap3A_1283] {strides = array<i32>} : memref<3x128x128xf32, #tpu.memory_space<vmem>>, vector<1x1x16xf32>,
        %swap3A_1285 = vector.shape_cast %swap3A_1284 : vector<1x1x16xf32> to vector<16xf32>
        %swap3A_1286 = vector.shape_cast %add3A_1280 : vector<16xf32> to vector<1x1x16xf32>
        tpu.vector_store %arg9[%swap3A_1281, %swap3A_1282, %swap3A_1283], %swap3A_1286 {strides = array<i32>} : memref<3x128x128xf32, #tpu.memory_space<vmem>>, vector<1x1x16xf32>,
        %mul3A_1287 = arith.constant 16 : i32
        %mul3A_1288 = arith.muli %mul3A_1287, %scan3A_212 : i32
        %add3A_1289 = arith.constant 9 : i32
        %add3A_1290 = arith.addi %mul3A_1288, %add3A_1289 : i32
        %slice3A_1291 = vector.extract_strided_slice %convert_element_type3A_219 {offsets = [9], sizes = [1], strides = [1]} : vector<16xf32> to vector<1xf32>
        %squeeze3A_1292 = vector.extract %slice3A_1291[0] : f32 from vector<1xf32>
        %broadcast_in_dim3A_1293 = vector.broadcast %squeeze3A_1292 : f32 to vector<16xf32>
        %get3A_1294 = arith.index_cast %select_n3A_159 : i32 to index
        %get3A_1295 = arith.index_cast %add3A_1290 : i32 to index
        %get3A_1296 = arith.constant 0 : index
        %get3A_1297 = tpu.vector_load %arg9[%get3A_1294, %get3A_1295, %get3A_1296] {strides = array<i32>} : memref<3x128x128xf32, #tpu.memory_space<vmem>>, vector<1x1x16xf32>,
        %get3A_1298 = vector.shape_cast %get3A_1297 : vector<1x1x16xf32> to vector<16xf32>
        %mul3A_1299 = arith.mulf %broadcast_in_dim3A_1293, %sub3A : vector<16xf32>
        %add3A_1300 = arith.addf %get3A_6, %mul3A_1299 : vector<16xf32>
        %add3A_1301 = arith.addf %get3A_1298, %add3A_1300 : vector<16xf32>
        %swap3A_1302 = arith.index_cast %select_n3A_159 : i32 to index
        %swap3A_1303 = arith.index_cast %add3A_1290 : i32 to index
        %swap3A_1304 = arith.constant 0 : index
        %swap3A_1305 = tpu.vector_load %arg9[%swap3A_1302, %swap3A_1303, %swap3A_1304] {strides = array<i32>} : memref<3x128x128xf32, #tpu.memory_space<vmem>>, vector<1x1x16xf32>,
        %swap3A_1306 = vector.shape_cast %swap3A_1305 : vector<1x1x16xf32> to vector<16xf32>
        %swap3A_1307 = vector.shape_cast %add3A_1301 : vector<16xf32> to vector<1x1x16xf32>
        tpu.vector_store %arg9[%swap3A_1302, %swap3A_1303, %swap3A_1304], %swap3A_1307 {strides = array<i32>} : memref<3x128x128xf32, #tpu.memory_space<vmem>>, vector<1x1x16xf32>,
        %get3A_1308 = arith.index_cast %select_n3A_159 : i32 to index
        %get3A_1309 = arith.index_cast %add3A_1290 : i32 to index
        %get3A_1310 = arith.constant 16 : index
        %get3A_1311 = tpu.vector_load %arg9[%get3A_1308, %get3A_1309, %get3A_1310] {strides = array<i32>} : memref<3x128x128xf32, #tpu.memory_space<vmem>>, vector<1x1x16xf32>,
        %get3A_1312 = vector.shape_cast %get3A_1311 : vector<1x1x16xf32> to vector<16xf32>
        %mul3A_1313 = arith.mulf %broadcast_in_dim3A_1293, %sub3A_52 : vector<16xf32>
        %add3A_1314 = arith.addf %get3A_11, %mul3A_1313 : vector<16xf32>
        %add3A_1315 = arith.addf %get3A_1312, %add3A_1314 : vector<16xf32>
        %swap3A_1316 = arith.index_cast %select_n3A_159 : i32 to index
        %swap3A_1317 = arith.index_cast %add3A_1290 : i32 to index
        %swap3A_1318 = arith.constant 16 : index
        %swap3A_1319 = tpu.vector_load %arg9[%swap3A_1316, %swap3A_1317, %swap3A_1318] {strides = array<i32>} : memref<3x128x128xf32, #tpu.memory_space<vmem>>, vector<1x1x16xf32>,
        %swap3A_1320 = vector.shape_cast %swap3A_1319 : vector<1x1x16xf32> to vector<16xf32>
        %swap3A_1321 = vector.shape_cast %add3A_1315 : vector<16xf32> to vector<1x1x16xf32>
        tpu.vector_store %arg9[%swap3A_1316, %swap3A_1317, %swap3A_1318], %swap3A_1321 {strides = array<i32>} : memref<3x128x128xf32, #tpu.memory_space<vmem>>, vector<1x1x16xf32>,
        %get3A_1322 = arith.index_cast %select_n3A_159 : i32 to index
        %get3A_1323 = arith.index_cast %add3A_1290 : i32 to index
        %get3A_1324 = arith.constant 32 : index
        %get3A_1325 = tpu.vector_load %arg9[%get3A_1322, %get3A_1323, %get3A_1324] {strides = array<i32>} : memref<3x128x128xf32, #tpu.memory_space<vmem>>, vector<1x1x16xf32>,
        %get3A_1326 = vector.shape_cast %get3A_1325 : vector<1x1x16xf32> to vector<16xf32>
        %mul3A_1327 = arith.mulf %broadcast_in_dim3A_1293, %sub3A_58 : vector<16xf32>
        %add3A_1328 = arith.addf %get3A_16, %mul3A_1327 : vector<16xf32>
        %add3A_1329 = arith.addf %get3A_1326, %add3A_1328 : vector<16xf32>
        %swap3A_1330 = arith.index_cast %select_n3A_159 : i32 to index
        %swap3A_1331 = arith.index_cast %add3A_1290 : i32 to index
        %swap3A_1332 = arith.constant 32 : index
        %swap3A_1333 = tpu.vector_load %arg9[%swap3A_1330, %swap3A_1331, %swap3A_1332] {strides = array<i32>} : memref<3x128x128xf32, #tpu.memory_space<vmem>>, vector<1x1x16xf32>,
        %swap3A_1334 = vector.shape_cast %swap3A_1333 : vector<1x1x16xf32> to vector<16xf32>
        %swap3A_1335 = vector.shape_cast %add3A_1329 : vector<16xf32> to vector<1x1x16xf32>
        tpu.vector_store %arg9[%swap3A_1330, %swap3A_1331, %swap3A_1332], %swap3A_1335 {strides = array<i32>} : memref<3x128x128xf32, #tpu.memory_space<vmem>>, vector<1x1x16xf32>,
        %get3A_1336 = arith.index_cast %select_n3A_159 : i32 to index
        %get3A_1337 = arith.index_cast %add3A_1290 : i32 to index
        %get3A_1338 = arith.constant 48 : index
        %get3A_1339 = tpu.vector_load %arg9[%get3A_1336, %get3A_1337, %get3A_1338] {strides = array<i32>} : memref<3x128x128xf32, #tpu.memory_space<vmem>>, vector<1x1x16xf32>,
        %get3A_1340 = vector.shape_cast %get3A_1339 : vector<1x1x16xf32> to vector<16xf32>
        %mul3A_1341 = arith.mulf %broadcast_in_dim3A_1293, %sub3A_64 : vector<16xf32>
        %add3A_1342 = arith.addf %get3A_21, %mul3A_1341 : vector<16xf32>
        %add3A_1343 = arith.addf %get3A_1340, %add3A_1342 : vector<16xf32>
        %swap3A_1344 = arith.index_cast %select_n3A_159 : i32 to index
        %swap3A_1345 = arith.index_cast %add3A_1290 : i32 to index
        %swap3A_1346 = arith.constant 48 : index
        %swap3A_1347 = tpu.vector_load %arg9[%swap3A_1344, %swap3A_1345, %swap3A_1346] {strides = array<i32>} : memref<3x128x128xf32, #tpu.memory_space<vmem>>, vector<1x1x16xf32>,
        %swap3A_1348 = vector.shape_cast %swap3A_1347 : vector<1x1x16xf32> to vector<16xf32>
        %swap3A_1349 = vector.shape_cast %add3A_1343 : vector<16xf32> to vector<1x1x16xf32>
        tpu.vector_store %arg9[%swap3A_1344, %swap3A_1345, %swap3A_1346], %swap3A_1349 {strides = array<i32>} : memref<3x128x128xf32, #tpu.memory_space<vmem>>, vector<1x1x16xf32>,
        %get3A_1350 = arith.index_cast %select_n3A_159 : i32 to index
        %get3A_1351 = arith.index_cast %add3A_1290 : i32 to index
        %get3A_1352 = arith.constant 64 : index
        %get3A_1353 = tpu.vector_load %arg9[%get3A_1350, %get3A_1351, %get3A_1352] {strides = array<i32>} : memref<3x128x128xf32, #tpu.memory_space<vmem>>, vector<1x1x16xf32>,
        %get3A_1354 = vector.shape_cast %get3A_1353 : vector<1x1x16xf32> to vector<16xf32>
        %mul3A_1355 = arith.mulf %broadcast_in_dim3A_1293, %sub3A_70 : vector<16xf32>
        %add3A_1356 = arith.addf %get3A_26, %mul3A_1355 : vector<16xf32>
        %add3A_1357 = arith.addf %get3A_1354, %add3A_1356 : vector<16xf32>
        %swap3A_1358 = arith.index_cast %select_n3A_159 : i32 to index
        %swap3A_1359 = arith.index_cast %add3A_1290 : i32 to index
        %swap3A_1360 = arith.constant 64 : index
        %swap3A_1361 = tpu.vector_load %arg9[%swap3A_1358, %swap3A_1359, %swap3A_1360] {strides = array<i32>} : memref<3x128x128xf32, #tpu.memory_space<vmem>>, vector<1x1x16xf32>,
        %swap3A_1362 = vector.shape_cast %swap3A_1361 : vector<1x1x16xf32> to vector<16xf32>
        %swap3A_1363 = vector.shape_cast %add3A_1357 : vector<16xf32> to vector<1x1x16xf32>
        tpu.vector_store %arg9[%swap3A_1358, %swap3A_1359, %swap3A_1360], %swap3A_1363 {strides = array<i32>} : memref<3x128x128xf32, #tpu.memory_space<vmem>>, vector<1x1x16xf32>,
        %get3A_1364 = arith.index_cast %select_n3A_159 : i32 to index
        %get3A_1365 = arith.index_cast %add3A_1290 : i32 to index
        %get3A_1366 = arith.constant 80 : index
        %get3A_1367 = tpu.vector_load %arg9[%get3A_1364, %get3A_1365, %get3A_1366] {strides = array<i32>} : memref<3x128x128xf32, #tpu.memory_space<vmem>>, vector<1x1x16xf32>,
        %get3A_1368 = vector.shape_cast %get3A_1367 : vector<1x1x16xf32> to vector<16xf32>
        %mul3A_1369 = arith.mulf %broadcast_in_dim3A_1293, %sub3A_76 : vector<16xf32>
        %add3A_1370 = arith.addf %get3A_31, %mul3A_1369 : vector<16xf32>
        %add3A_1371 = arith.addf %get3A_1368, %add3A_1370 : vector<16xf32>
        %swap3A_1372 = arith.index_cast %select_n3A_159 : i32 to index
        %swap3A_1373 = arith.index_cast %add3A_1290 : i32 to index
        %swap3A_1374 = arith.constant 80 : index
        %swap3A_1375 = tpu.vector_load %arg9[%swap3A_1372, %swap3A_1373, %swap3A_1374] {strides = array<i32>} : memref<3x128x128xf32, #tpu.memory_space<vmem>>, vector<1x1x16xf32>,
        %swap3A_1376 = vector.shape_cast %swap3A_1375 : vector<1x1x16xf32> to vector<16xf32>
        %swap3A_1377 = vector.shape_cast %add3A_1371 : vector<16xf32> to vector<1x1x16xf32>
        tpu.vector_store %arg9[%swap3A_1372, %swap3A_1373, %swap3A_1374], %swap3A_1377 {strides = array<i32>} : memref<3x128x128xf32, #tpu.memory_space<vmem>>, vector<1x1x16xf32>,
        %get3A_1378 = arith.index_cast %select_n3A_159 : i32 to index
        %get3A_1379 = arith.index_cast %add3A_1290 : i32 to index
        %get3A_1380 = arith.constant 96 : index
        %get3A_1381 = tpu.vector_load %arg9[%get3A_1378, %get3A_1379, %get3A_1380] {strides = array<i32>} : memref<3x128x128xf32, #tpu.memory_space<vmem>>, vector<1x1x16xf32>,
        %get3A_1382 = vector.shape_cast %get3A_1381 : vector<1x1x16xf32> to vector<16xf32>
        %mul3A_1383 = arith.mulf %broadcast_in_dim3A_1293, %sub3A_82 : vector<16xf32>
        %add3A_1384 = arith.addf %get3A_36, %mul3A_1383 : vector<16xf32>
        %add3A_1385 = arith.addf %get3A_1382, %add3A_1384 : vector<16xf32>
        %swap3A_1386 = arith.index_cast %select_n3A_159 : i32 to index
        %swap3A_1387 = arith.index_cast %add3A_1290 : i32 to index
        %swap3A_1388 = arith.constant 96 : index
        %swap3A_1389 = tpu.vector_load %arg9[%swap3A_1386, %swap3A_1387, %swap3A_1388] {strides = array<i32>} : memref<3x128x128xf32, #tpu.memory_space<vmem>>, vector<1x1x16xf32>,
        %swap3A_1390 = vector.shape_cast %swap3A_1389 : vector<1x1x16xf32> to vector<16xf32>
        %swap3A_1391 = vector.shape_cast %add3A_1385 : vector<16xf32> to vector<1x1x16xf32>
        tpu.vector_store %arg9[%swap3A_1386, %swap3A_1387, %swap3A_1388], %swap3A_1391 {strides = array<i32>} : memref<3x128x128xf32, #tpu.memory_space<vmem>>, vector<1x1x16xf32>,
        %get3A_1392 = arith.index_cast %select_n3A_159 : i32 to index
        %get3A_1393 = arith.index_cast %add3A_1290 : i32 to index
        %get3A_1394 = arith.constant 112 : index
        %get3A_1395 = tpu.vector_load %arg9[%get3A_1392, %get3A_1393, %get3A_1394] {strides = array<i32>} : memref<3x128x128xf32, #tpu.memory_space<vmem>>, vector<1x1x16xf32>,
        %get3A_1396 = vector.shape_cast %get3A_1395 : vector<1x1x16xf32> to vector<16xf32>
        %mul3A_1397 = arith.mulf %broadcast_in_dim3A_1293, %sub3A_88 : vector<16xf32>
        %add3A_1398 = arith.addf %get3A_41, %mul3A_1397 : vector<16xf32>
        %add3A_1399 = arith.addf %get3A_1396, %add3A_1398 : vector<16xf32>
        %swap3A_1400 = arith.index_cast %select_n3A_159 : i32 to index
        %swap3A_1401 = arith.index_cast %add3A_1290 : i32 to index
        %swap3A_1402 = arith.constant 112 : index
        %swap3A_1403 = tpu.vector_load %arg9[%swap3A_1400, %swap3A_1401, %swap3A_1402] {strides = array<i32>} : memref<3x128x128xf32, #tpu.memory_space<vmem>>, vector<1x1x16xf32>,
        %swap3A_1404 = vector.shape_cast %swap3A_1403 : vector<1x1x16xf32> to vector<16xf32>
        %swap3A_1405 = vector.shape_cast %add3A_1399 : vector<16xf32> to vector<1x1x16xf32>
        tpu.vector_store %arg9[%swap3A_1400, %swap3A_1401, %swap3A_1402], %swap3A_1405 {strides = array<i32>} : memref<3x128x128xf32, #tpu.memory_space<vmem>>, vector<1x1x16xf32>,
        %mul3A_1406 = arith.constant 16 : i32
        %mul3A_1407 = arith.muli %mul3A_1406, %scan3A_212 : i32
        %add3A_1408 = arith.constant 10 : i32
        %add3A_1409 = arith.addi %mul3A_1407, %add3A_1408 : i32
        %slice3A_1410 = vector.extract_strided_slice %convert_element_type3A_219 {offsets = [10], sizes = [1], strides = [1]} : vector<16xf32> to vector<1xf32>
        %squeeze3A_1411 = vector.extract %slice3A_1410[0] : f32 from vector<1xf32>
        %broadcast_in_dim3A_1412 = vector.broadcast %squeeze3A_1411 : f32 to vector<16xf32>
        %get3A_1413 = arith.index_cast %select_n3A_159 : i32 to index
        %get3A_1414 = arith.index_cast %add3A_1409 : i32 to index
        %get3A_1415 = arith.constant 0 : index
        %get3A_1416 = tpu.vector_load %arg9[%get3A_1413, %get3A_1414, %get3A_1415] {strides = array<i32>} : memref<3x128x128xf32, #tpu.memory_space<vmem>>, vector<1x1x16xf32>,
        %get3A_1417 = vector.shape_cast %get3A_1416 : vector<1x1x16xf32> to vector<16xf32>
        %mul3A_1418 = arith.mulf %broadcast_in_dim3A_1412, %sub3A : vector<16xf32>
        %add3A_1419 = arith.addf %get3A_6, %mul3A_1418 : vector<16xf32>
        %add3A_1420 = arith.addf %get3A_1417, %add3A_1419 : vector<16xf32>
        %swap3A_1421 = arith.index_cast %select_n3A_159 : i32 to index
        %swap3A_1422 = arith.index_cast %add3A_1409 : i32 to index
        %swap3A_1423 = arith.constant 0 : index
        %swap3A_1424 = tpu.vector_load %arg9[%swap3A_1421, %swap3A_1422, %swap3A_1423] {strides = array<i32>} : memref<3x128x128xf32, #tpu.memory_space<vmem>>, vector<1x1x16xf32>,
        %swap3A_1425 = vector.shape_cast %swap3A_1424 : vector<1x1x16xf32> to vector<16xf32>
        %swap3A_1426 = vector.shape_cast %add3A_1420 : vector<16xf32> to vector<1x1x16xf32>
        tpu.vector_store %arg9[%swap3A_1421, %swap3A_1422, %swap3A_1423], %swap3A_1426 {strides = array<i32>} : memref<3x128x128xf32, #tpu.memory_space<vmem>>, vector<1x1x16xf32>,
        %get3A_1427 = arith.index_cast %select_n3A_159 : i32 to index
        %get3A_1428 = arith.index_cast %add3A_1409 : i32 to index
        %get3A_1429 = arith.constant 16 : index
        %get3A_1430 = tpu.vector_load %arg9[%get3A_1427, %get3A_1428, %get3A_1429] {strides = array<i32>} : memref<3x128x128xf32, #tpu.memory_space<vmem>>, vector<1x1x16xf32>,
        %get3A_1431 = vector.shape_cast %get3A_1430 : vector<1x1x16xf32> to vector<16xf32>
        %mul3A_1432 = arith.mulf %broadcast_in_dim3A_1412, %sub3A_52 : vector<16xf32>
        %add3A_1433 = arith.addf %get3A_11, %mul3A_1432 : vector<16xf32>
        %add3A_1434 = arith.addf %get3A_1431, %add3A_1433 : vector<16xf32>
        %swap3A_1435 = arith.index_cast %select_n3A_159 : i32 to index
        %swap3A_1436 = arith.index_cast %add3A_1409 : i32 to index
        %swap3A_1437 = arith.constant 16 : index
        %swap3A_1438 = tpu.vector_load %arg9[%swap3A_1435, %swap3A_1436, %swap3A_1437] {strides = array<i32>} : memref<3x128x128xf32, #tpu.memory_space<vmem>>, vector<1x1x16xf32>,
        %swap3A_1439 = vector.shape_cast %swap3A_1438 : vector<1x1x16xf32> to vector<16xf32>
        %swap3A_1440 = vector.shape_cast %add3A_1434 : vector<16xf32> to vector<1x1x16xf32>
        tpu.vector_store %arg9[%swap3A_1435, %swap3A_1436, %swap3A_1437], %swap3A_1440 {strides = array<i32>} : memref<3x128x128xf32, #tpu.memory_space<vmem>>, vector<1x1x16xf32>,
        %get3A_1441 = arith.index_cast %select_n3A_159 : i32 to index
        %get3A_1442 = arith.index_cast %add3A_1409 : i32 to index
        %get3A_1443 = arith.constant 32 : index
        %get3A_1444 = tpu.vector_load %arg9[%get3A_1441, %get3A_1442, %get3A_1443] {strides = array<i32>} : memref<3x128x128xf32, #tpu.memory_space<vmem>>, vector<1x1x16xf32>,
        %get3A_1445 = vector.shape_cast %get3A_1444 : vector<1x1x16xf32> to vector<16xf32>
        %mul3A_1446 = arith.mulf %broadcast_in_dim3A_1412, %sub3A_58 : vector<16xf32>
        %add3A_1447 = arith.addf %get3A_16, %mul3A_1446 : vector<16xf32>
        %add3A_1448 = arith.addf %get3A_1445, %add3A_1447 : vector<16xf32>
        %swap3A_1449 = arith.index_cast %select_n3A_159 : i32 to index
        %swap3A_1450 = arith.index_cast %add3A_1409 : i32 to index
        %swap3A_1451 = arith.constant 32 : index
        %swap3A_1452 = tpu.vector_load %arg9[%swap3A_1449, %swap3A_1450, %swap3A_1451] {strides = array<i32>} : memref<3x128x128xf32, #tpu.memory_space<vmem>>, vector<1x1x16xf32>,
        %swap3A_1453 = vector.shape_cast %swap3A_1452 : vector<1x1x16xf32> to vector<16xf32>
        %swap3A_1454 = vector.shape_cast %add3A_1448 : vector<16xf32> to vector<1x1x16xf32>
        tpu.vector_store %arg9[%swap3A_1449, %swap3A_1450, %swap3A_1451], %swap3A_1454 {strides = array<i32>} : memref<3x128x128xf32, #tpu.memory_space<vmem>>, vector<1x1x16xf32>,
        %get3A_1455 = arith.index_cast %select_n3A_159 : i32 to index
        %get3A_1456 = arith.index_cast %add3A_1409 : i32 to index
        %get3A_1457 = arith.constant 48 : index
        %get3A_1458 = tpu.vector_load %arg9[%get3A_1455, %get3A_1456, %get3A_1457] {strides = array<i32>} : memref<3x128x128xf32, #tpu.memory_space<vmem>>, vector<1x1x16xf32>,
        %get3A_1459 = vector.shape_cast %get3A_1458 : vector<1x1x16xf32> to vector<16xf32>
        %mul3A_1460 = arith.mulf %broadcast_in_dim3A_1412, %sub3A_64 : vector<16xf32>
        %add3A_1461 = arith.addf %get3A_21, %mul3A_1460 : vector<16xf32>
        %add3A_1462 = arith.addf %get3A_1459, %add3A_1461 : vector<16xf32>
        %swap3A_1463 = arith.index_cast %select_n3A_159 : i32 to index
        %swap3A_1464 = arith.index_cast %add3A_1409 : i32 to index
        %swap3A_1465 = arith.constant 48 : index
        %swap3A_1466 = tpu.vector_load %arg9[%swap3A_1463, %swap3A_1464, %swap3A_1465] {strides = array<i32>} : memref<3x128x128xf32, #tpu.memory_space<vmem>>, vector<1x1x16xf32>,
        %swap3A_1467 = vector.shape_cast %swap3A_1466 : vector<1x1x16xf32> to vector<16xf32>
        %swap3A_1468 = vector.shape_cast %add3A_1462 : vector<16xf32> to vector<1x1x16xf32>
        tpu.vector_store %arg9[%swap3A_1463, %swap3A_1464, %swap3A_1465], %swap3A_1468 {strides = array<i32>} : memref<3x128x128xf32, #tpu.memory_space<vmem>>, vector<1x1x16xf32>,
        %get3A_1469 = arith.index_cast %select_n3A_159 : i32 to index
        %get3A_1470 = arith.index_cast %add3A_1409 : i32 to index
        %get3A_1471 = arith.constant 64 : index
        %get3A_1472 = tpu.vector_load %arg9[%get3A_1469, %get3A_1470, %get3A_1471] {strides = array<i32>} : memref<3x128x128xf32, #tpu.memory_space<vmem>>, vector<1x1x16xf32>,
        %get3A_1473 = vector.shape_cast %get3A_1472 : vector<1x1x16xf32> to vector<16xf32>
        %mul3A_1474 = arith.mulf %broadcast_in_dim3A_1412, %sub3A_70 : vector<16xf32>
        %add3A_1475 = arith.addf %get3A_26, %mul3A_1474 : vector<16xf32>
        %add3A_1476 = arith.addf %get3A_1473, %add3A_1475 : vector<16xf32>
        %swap3A_1477 = arith.index_cast %select_n3A_159 : i32 to index
        %swap3A_1478 = arith.index_cast %add3A_1409 : i32 to index
        %swap3A_1479 = arith.constant 64 : index
        %swap3A_1480 = tpu.vector_load %arg9[%swap3A_1477, %swap3A_1478, %swap3A_1479] {strides = array<i32>} : memref<3x128x128xf32, #tpu.memory_space<vmem>>, vector<1x1x16xf32>,
        %swap3A_1481 = vector.shape_cast %swap3A_1480 : vector<1x1x16xf32> to vector<16xf32>
        %swap3A_1482 = vector.shape_cast %add3A_1476 : vector<16xf32> to vector<1x1x16xf32>
        tpu.vector_store %arg9[%swap3A_1477, %swap3A_1478, %swap3A_1479], %swap3A_1482 {strides = array<i32>} : memref<3x128x128xf32, #tpu.memory_space<vmem>>, vector<1x1x16xf32>,
        %get3A_1483 = arith.index_cast %select_n3A_159 : i32 to index
        %get3A_1484 = arith.index_cast %add3A_1409 : i32 to index
        %get3A_1485 = arith.constant 80 : index
        %get3A_1486 = tpu.vector_load %arg9[%get3A_1483, %get3A_1484, %get3A_1485] {strides = array<i32>} : memref<3x128x128xf32, #tpu.memory_space<vmem>>, vector<1x1x16xf32>,
        %get3A_1487 = vector.shape_cast %get3A_1486 : vector<1x1x16xf32> to vector<16xf32>
        %mul3A_1488 = arith.mulf %broadcast_in_dim3A_1412, %sub3A_76 : vector<16xf32>
        %add3A_1489 = arith.addf %get3A_31, %mul3A_1488 : vector<16xf32>
        %add3A_1490 = arith.addf %get3A_1487, %add3A_1489 : vector<16xf32>
        %swap3A_1491 = arith.index_cast %select_n3A_159 : i32 to index
        %swap3A_1492 = arith.index_cast %add3A_1409 : i32 to index
        %swap3A_1493 = arith.constant 80 : index
        %swap3A_1494 = tpu.vector_load %arg9[%swap3A_1491, %swap3A_1492, %swap3A_1493] {strides = array<i32>} : memref<3x128x128xf32, #tpu.memory_space<vmem>>, vector<1x1x16xf32>,
        %swap3A_1495 = vector.shape_cast %swap3A_1494 : vector<1x1x16xf32> to vector<16xf32>
        %swap3A_1496 = vector.shape_cast %add3A_1490 : vector<16xf32> to vector<1x1x16xf32>
        tpu.vector_store %arg9[%swap3A_1491, %swap3A_1492, %swap3A_1493], %swap3A_1496 {strides = array<i32>} : memref<3x128x128xf32, #tpu.memory_space<vmem>>, vector<1x1x16xf32>,
        %get3A_1497 = arith.index_cast %select_n3A_159 : i32 to index
        %get3A_1498 = arith.index_cast %add3A_1409 : i32 to index
        %get3A_1499 = arith.constant 96 : index
        %get3A_1500 = tpu.vector_load %arg9[%get3A_1497, %get3A_1498, %get3A_1499] {strides = array<i32>} : memref<3x128x128xf32, #tpu.memory_space<vmem>>, vector<1x1x16xf32>,
        %get3A_1501 = vector.shape_cast %get3A_1500 : vector<1x1x16xf32> to vector<16xf32>
        %mul3A_1502 = arith.mulf %broadcast_in_dim3A_1412, %sub3A_82 : vector<16xf32>
        %add3A_1503 = arith.addf %get3A_36, %mul3A_1502 : vector<16xf32>
        %add3A_1504 = arith.addf %get3A_1501, %add3A_1503 : vector<16xf32>
        %swap3A_1505 = arith.index_cast %select_n3A_159 : i32 to index
        %swap3A_1506 = arith.index_cast %add3A_1409 : i32 to index
        %swap3A_1507 = arith.constant 96 : index
        %swap3A_1508 = tpu.vector_load %arg9[%swap3A_1505, %swap3A_1506, %swap3A_1507] {strides = array<i32>} : memref<3x128x128xf32, #tpu.memory_space<vmem>>, vector<1x1x16xf32>,
        %swap3A_1509 = vector.shape_cast %swap3A_1508 : vector<1x1x16xf32> to vector<16xf32>
        %swap3A_1510 = vector.shape_cast %add3A_1504 : vector<16xf32> to vector<1x1x16xf32>
        tpu.vector_store %arg9[%swap3A_1505, %swap3A_1506, %swap3A_1507], %swap3A_1510 {strides = array<i32>} : memref<3x128x128xf32, #tpu.memory_space<vmem>>, vector<1x1x16xf32>,
        %get3A_1511 = arith.index_cast %select_n3A_159 : i32 to index
        %get3A_1512 = arith.index_cast %add3A_1409 : i32 to index
        %get3A_1513 = arith.constant 112 : index
        %get3A_1514 = tpu.vector_load %arg9[%get3A_1511, %get3A_1512, %get3A_1513] {strides = array<i32>} : memref<3x128x128xf32, #tpu.memory_space<vmem>>, vector<1x1x16xf32>,
        %get3A_1515 = vector.shape_cast %get3A_1514 : vector<1x1x16xf32> to vector<16xf32>
        %mul3A_1516 = arith.mulf %broadcast_in_dim3A_1412, %sub3A_88 : vector<16xf32>
        %add3A_1517 = arith.addf %get3A_41, %mul3A_1516 : vector<16xf32>
        %add3A_1518 = arith.addf %get3A_1515, %add3A_1517 : vector<16xf32>
        %swap3A_1519 = arith.index_cast %select_n3A_159 : i32 to index
        %swap3A_1520 = arith.index_cast %add3A_1409 : i32 to index
        %swap3A_1521 = arith.constant 112 : index
        %swap3A_1522 = tpu.vector_load %arg9[%swap3A_1519, %swap3A_1520, %swap3A_1521] {strides = array<i32>} : memref<3x128x128xf32, #tpu.memory_space<vmem>>, vector<1x1x16xf32>,
        %swap3A_1523 = vector.shape_cast %swap3A_1522 : vector<1x1x16xf32> to vector<16xf32>
        %swap3A_1524 = vector.shape_cast %add3A_1518 : vector<16xf32> to vector<1x1x16xf32>
        tpu.vector_store %arg9[%swap3A_1519, %swap3A_1520, %swap3A_1521], %swap3A_1524 {strides = array<i32>} : memref<3x128x128xf32, #tpu.memory_space<vmem>>, vector<1x1x16xf32>,
        %mul3A_1525 = arith.constant 16 : i32
        %mul3A_1526 = arith.muli %mul3A_1525, %scan3A_212 : i32
        %add3A_1527 = arith.constant 11 : i32
        %add3A_1528 = arith.addi %mul3A_1526, %add3A_1527 : i32
        %slice3A_1529 = vector.extract_strided_slice %convert_element_type3A_219 {offsets = [11], sizes = [1], strides = [1]} : vector<16xf32> to vector<1xf32>
        %squeeze3A_1530 = vector.extract %slice3A_1529[0] : f32 from vector<1xf32>
        %broadcast_in_dim3A_1531 = vector.broadcast %squeeze3A_1530 : f32 to vector<16xf32>
        %get3A_1532 = arith.index_cast %select_n3A_159 : i32 to index
        %get3A_1533 = arith.index_cast %add3A_1528 : i32 to index
        %get3A_1534 = arith.constant 0 : index
        %get3A_1535 = tpu.vector_load %arg9[%get3A_1532, %get3A_1533, %get3A_1534] {strides = array<i32>} : memref<3x128x128xf32, #tpu.memory_space<vmem>>, vector<1x1x16xf32>,
        %get3A_1536 = vector.shape_cast %get3A_1535 : vector<1x1x16xf32> to vector<16xf32>
        %mul3A_1537 = arith.mulf %broadcast_in_dim3A_1531, %sub3A : vector<16xf32>
        %add3A_1538 = arith.addf %get3A_6, %mul3A_1537 : vector<16xf32>
        %add3A_1539 = arith.addf %get3A_1536, %add3A_1538 : vector<16xf32>
        %swap3A_1540 = arith.index_cast %select_n3A_159 : i32 to index
        %swap3A_1541 = arith.index_cast %add3A_1528 : i32 to index
        %swap3A_1542 = arith.constant 0 : index
        %swap3A_1543 = tpu.vector_load %arg9[%swap3A_1540, %swap3A_1541, %swap3A_1542] {strides = array<i32>} : memref<3x128x128xf32, #tpu.memory_space<vmem>>, vector<1x1x16xf32>,
        %swap3A_1544 = vector.shape_cast %swap3A_1543 : vector<1x1x16xf32> to vector<16xf32>
        %swap3A_1545 = vector.shape_cast %add3A_1539 : vector<16xf32> to vector<1x1x16xf32>
        tpu.vector_store %arg9[%swap3A_1540, %swap3A_1541, %swap3A_1542], %swap3A_1545 {strides = array<i32>} : memref<3x128x128xf32, #tpu.memory_space<vmem>>, vector<1x1x16xf32>,
        %get3A_1546 = arith.index_cast %select_n3A_159 : i32 to index
        %get3A_1547 = arith.index_cast %add3A_1528 : i32 to index
        %get3A_1548 = arith.constant 16 : index
        %get3A_1549 = tpu.vector_load %arg9[%get3A_1546, %get3A_1547, %get3A_1548] {strides = array<i32>} : memref<3x128x128xf32, #tpu.memory_space<vmem>>, vector<1x1x16xf32>,
        %get3A_1550 = vector.shape_cast %get3A_1549 : vector<1x1x16xf32> to vector<16xf32>
        %mul3A_1551 = arith.mulf %broadcast_in_dim3A_1531, %sub3A_52 : vector<16xf32>
        %add3A_1552 = arith.addf %get3A_11, %mul3A_1551 : vector<16xf32>
        %add3A_1553 = arith.addf %get3A_1550, %add3A_1552 : vector<16xf32>
        %swap3A_1554 = arith.index_cast %select_n3A_159 : i32 to index
        %swap3A_1555 = arith.index_cast %add3A_1528 : i32 to index
        %swap3A_1556 = arith.constant 16 : index
        %swap3A_1557 = tpu.vector_load %arg9[%swap3A_1554, %swap3A_1555, %swap3A_1556] {strides = array<i32>} : memref<3x128x128xf32, #tpu.memory_space<vmem>>, vector<1x1x16xf32>,
        %swap3A_1558 = vector.shape_cast %swap3A_1557 : vector<1x1x16xf32> to vector<16xf32>
        %swap3A_1559 = vector.shape_cast %add3A_1553 : vector<16xf32> to vector<1x1x16xf32>
        tpu.vector_store %arg9[%swap3A_1554, %swap3A_1555, %swap3A_1556], %swap3A_1559 {strides = array<i32>} : memref<3x128x128xf32, #tpu.memory_space<vmem>>, vector<1x1x16xf32>,
        %get3A_1560 = arith.index_cast %select_n3A_159 : i32 to index
        %get3A_1561 = arith.index_cast %add3A_1528 : i32 to index
        %get3A_1562 = arith.constant 32 : index
        %get3A_1563 = tpu.vector_load %arg9[%get3A_1560, %get3A_1561, %get3A_1562] {strides = array<i32>} : memref<3x128x128xf32, #tpu.memory_space<vmem>>, vector<1x1x16xf32>,
        %get3A_1564 = vector.shape_cast %get3A_1563 : vector<1x1x16xf32> to vector<16xf32>
        %mul3A_1565 = arith.mulf %broadcast_in_dim3A_1531, %sub3A_58 : vector<16xf32>
        %add3A_1566 = arith.addf %get3A_16, %mul3A_1565 : vector<16xf32>
        %add3A_1567 = arith.addf %get3A_1564, %add3A_1566 : vector<16xf32>
        %swap3A_1568 = arith.index_cast %select_n3A_159 : i32 to index
        %swap3A_1569 = arith.index_cast %add3A_1528 : i32 to index
        %swap3A_1570 = arith.constant 32 : index
        %swap3A_1571 = tpu.vector_load %arg9[%swap3A_1568, %swap3A_1569, %swap3A_1570] {strides = array<i32>} : memref<3x128x128xf32, #tpu.memory_space<vmem>>, vector<1x1x16xf32>,
        %swap3A_1572 = vector.shape_cast %swap3A_1571 : vector<1x1x16xf32> to vector<16xf32>
        %swap3A_1573 = vector.shape_cast %add3A_1567 : vector<16xf32> to vector<1x1x16xf32>
        tpu.vector_store %arg9[%swap3A_1568, %swap3A_1569, %swap3A_1570], %swap3A_1573 {strides = array<i32>} : memref<3x128x128xf32, #tpu.memory_space<vmem>>, vector<1x1x16xf32>,
        %get3A_1574 = arith.index_cast %select_n3A_159 : i32 to index
        %get3A_1575 = arith.index_cast %add3A_1528 : i32 to index
        %get3A_1576 = arith.constant 48 : index
        %get3A_1577 = tpu.vector_load %arg9[%get3A_1574, %get3A_1575, %get3A_1576] {strides = array<i32>} : memref<3x128x128xf32, #tpu.memory_space<vmem>>, vector<1x1x16xf32>,
        %get3A_1578 = vector.shape_cast %get3A_1577 : vector<1x1x16xf32> to vector<16xf32>
        %mul3A_1579 = arith.mulf %broadcast_in_dim3A_1531, %sub3A_64 : vector<16xf32>
        %add3A_1580 = arith.addf %get3A_21, %mul3A_1579 : vector<16xf32>
        %add3A_1581 = arith.addf %get3A_1578, %add3A_1580 : vector<16xf32>
        %swap3A_1582 = arith.index_cast %select_n3A_159 : i32 to index
        %swap3A_1583 = arith.index_cast %add3A_1528 : i32 to index
        %swap3A_1584 = arith.constant 48 : index
        %swap3A_1585 = tpu.vector_load %arg9[%swap3A_1582, %swap3A_1583, %swap3A_1584] {strides = array<i32>} : memref<3x128x128xf32, #tpu.memory_space<vmem>>, vector<1x1x16xf32>,
        %swap3A_1586 = vector.shape_cast %swap3A_1585 : vector<1x1x16xf32> to vector<16xf32>
        %swap3A_1587 = vector.shape_cast %add3A_1581 : vector<16xf32> to vector<1x1x16xf32>
        tpu.vector_store %arg9[%swap3A_1582, %swap3A_1583, %swap3A_1584], %swap3A_1587 {strides = array<i32>} : memref<3x128x128xf32, #tpu.memory_space<vmem>>, vector<1x1x16xf32>,
        %get3A_1588 = arith.index_cast %select_n3A_159 : i32 to index
        %get3A_1589 = arith.index_cast %add3A_1528 : i32 to index
        %get3A_1590 = arith.constant 64 : index
        %get3A_1591 = tpu.vector_load %arg9[%get3A_1588, %get3A_1589, %get3A_1590] {strides = array<i32>} : memref<3x128x128xf32, #tpu.memory_space<vmem>>, vector<1x1x16xf32>,
        %get3A_1592 = vector.shape_cast %get3A_1591 : vector<1x1x16xf32> to vector<16xf32>
        %mul3A_1593 = arith.mulf %broadcast_in_dim3A_1531, %sub3A_70 : vector<16xf32>
        %add3A_1594 = arith.addf %get3A_26, %mul3A_1593 : vector<16xf32>
        %add3A_1595 = arith.addf %get3A_1592, %add3A_1594 : vector<16xf32>
        %swap3A_1596 = arith.index_cast %select_n3A_159 : i32 to index
        %swap3A_1597 = arith.index_cast %add3A_1528 : i32 to index
        %swap3A_1598 = arith.constant 64 : index
        %swap3A_1599 = tpu.vector_load %arg9[%swap3A_1596, %swap3A_1597, %swap3A_1598] {strides = array<i32>} : memref<3x128x128xf32, #tpu.memory_space<vmem>>, vector<1x1x16xf32>,
        %swap3A_1600 = vector.shape_cast %swap3A_1599 : vector<1x1x16xf32> to vector<16xf32>
        %swap3A_1601 = vector.shape_cast %add3A_1595 : vector<16xf32> to vector<1x1x16xf32>
        tpu.vector_store %arg9[%swap3A_1596, %swap3A_1597, %swap3A_1598], %swap3A_1601 {strides = array<i32>} : memref<3x128x128xf32, #tpu.memory_space<vmem>>, vector<1x1x16xf32>,
        %get3A_1602 = arith.index_cast %select_n3A_159 : i32 to index
        %get3A_1603 = arith.index_cast %add3A_1528 : i32 to index
        %get3A_1604 = arith.constant 80 : index
        %get3A_1605 = tpu.vector_load %arg9[%get3A_1602, %get3A_1603, %get3A_1604] {strides = array<i32>} : memref<3x128x128xf32, #tpu.memory_space<vmem>>, vector<1x1x16xf32>,
        %get3A_1606 = vector.shape_cast %get3A_1605 : vector<1x1x16xf32> to vector<16xf32>
        %mul3A_1607 = arith.mulf %broadcast_in_dim3A_1531, %sub3A_76 : vector<16xf32>
        %add3A_1608 = arith.addf %get3A_31, %mul3A_1607 : vector<16xf32>
        %add3A_1609 = arith.addf %get3A_1606, %add3A_1608 : vector<16xf32>
        %swap3A_1610 = arith.index_cast %select_n3A_159 : i32 to index
        %swap3A_1611 = arith.index_cast %add3A_1528 : i32 to index
        %swap3A_1612 = arith.constant 80 : index
        %swap3A_1613 = tpu.vector_load %arg9[%swap3A_1610, %swap3A_1611, %swap3A_1612] {strides = array<i32>} : memref<3x128x128xf32, #tpu.memory_space<vmem>>, vector<1x1x16xf32>,
        %swap3A_1614 = vector.shape_cast %swap3A_1613 : vector<1x1x16xf32> to vector<16xf32>
        %swap3A_1615 = vector.shape_cast %add3A_1609 : vector<16xf32> to vector<1x1x16xf32>
        tpu.vector_store %arg9[%swap3A_1610, %swap3A_1611, %swap3A_1612], %swap3A_1615 {strides = array<i32>} : memref<3x128x128xf32, #tpu.memory_space<vmem>>, vector<1x1x16xf32>,
        %get3A_1616 = arith.index_cast %select_n3A_159 : i32 to index
        %get3A_1617 = arith.index_cast %add3A_1528 : i32 to index
        %get3A_1618 = arith.constant 96 : index
        %get3A_1619 = tpu.vector_load %arg9[%get3A_1616, %get3A_1617, %get3A_1618] {strides = array<i32>} : memref<3x128x128xf32, #tpu.memory_space<vmem>>, vector<1x1x16xf32>,
        %get3A_1620 = vector.shape_cast %get3A_1619 : vector<1x1x16xf32> to vector<16xf32>
        %mul3A_1621 = arith.mulf %broadcast_in_dim3A_1531, %sub3A_82 : vector<16xf32>
        %add3A_1622 = arith.addf %get3A_36, %mul3A_1621 : vector<16xf32>
        %add3A_1623 = arith.addf %get3A_1620, %add3A_1622 : vector<16xf32>
        %swap3A_1624 = arith.index_cast %select_n3A_159 : i32 to index
        %swap3A_1625 = arith.index_cast %add3A_1528 : i32 to index
        %swap3A_1626 = arith.constant 96 : index
        %swap3A_1627 = tpu.vector_load %arg9[%swap3A_1624, %swap3A_1625, %swap3A_1626] {strides = array<i32>} : memref<3x128x128xf32, #tpu.memory_space<vmem>>, vector<1x1x16xf32>,
        %swap3A_1628 = vector.shape_cast %swap3A_1627 : vector<1x1x16xf32> to vector<16xf32>
        %swap3A_1629 = vector.shape_cast %add3A_1623 : vector<16xf32> to vector<1x1x16xf32>
        tpu.vector_store %arg9[%swap3A_1624, %swap3A_1625, %swap3A_1626], %swap3A_1629 {strides = array<i32>} : memref<3x128x128xf32, #tpu.memory_space<vmem>>, vector<1x1x16xf32>,
        %get3A_1630 = arith.index_cast %select_n3A_159 : i32 to index
        %get3A_1631 = arith.index_cast %add3A_1528 : i32 to index
        %get3A_1632 = arith.constant 112 : index
        %get3A_1633 = tpu.vector_load %arg9[%get3A_1630, %get3A_1631, %get3A_1632] {strides = array<i32>} : memref<3x128x128xf32, #tpu.memory_space<vmem>>, vector<1x1x16xf32>,
        %get3A_1634 = vector.shape_cast %get3A_1633 : vector<1x1x16xf32> to vector<16xf32>
        %mul3A_1635 = arith.mulf %broadcast_in_dim3A_1531, %sub3A_88 : vector<16xf32>
        %add3A_1636 = arith.addf %get3A_41, %mul3A_1635 : vector<16xf32>
        %add3A_1637 = arith.addf %get3A_1634, %add3A_1636 : vector<16xf32>
        %swap3A_1638 = arith.index_cast %select_n3A_159 : i32 to index
        %swap3A_1639 = arith.index_cast %add3A_1528 : i32 to index
        %swap3A_1640 = arith.constant 112 : index
        %swap3A_1641 = tpu.vector_load %arg9[%swap3A_1638, %swap3A_1639, %swap3A_1640] {strides = array<i32>} : memref<3x128x128xf32, #tpu.memory_space<vmem>>, vector<1x1x16xf32>,
        %swap3A_1642 = vector.shape_cast %swap3A_1641 : vector<1x1x16xf32> to vector<16xf32>
        %swap3A_1643 = vector.shape_cast %add3A_1637 : vector<16xf32> to vector<1x1x16xf32>
        tpu.vector_store %arg9[%swap3A_1638, %swap3A_1639, %swap3A_1640], %swap3A_1643 {strides = array<i32>} : memref<3x128x128xf32, #tpu.memory_space<vmem>>, vector<1x1x16xf32>,
        %mul3A_1644 = arith.constant 16 : i32
        %mul3A_1645 = arith.muli %mul3A_1644, %scan3A_212 : i32
        %add3A_1646 = arith.constant 12 : i32
        %add3A_1647 = arith.addi %mul3A_1645, %add3A_1646 : i32
        %slice3A_1648 = vector.extract_strided_slice %convert_element_type3A_219 {offsets = [12], sizes = [1], strides = [1]} : vector<16xf32> to vector<1xf32>
        %squeeze3A_1649 = vector.extract %slice3A_1648[0] : f32 from vector<1xf32>
        %broadcast_in_dim3A_1650 = vector.broadcast %squeeze3A_1649 : f32 to vector<16xf32>
        %get3A_1651 = arith.index_cast %select_n3A_159 : i32 to index
        %get3A_1652 = arith.index_cast %add3A_1647 : i32 to index
        %get3A_1653 = arith.constant 0 : index
        %get3A_1654 = tpu.vector_load %arg9[%get3A_1651, %get3A_1652, %get3A_1653] {strides = array<i32>} : memref<3x128x128xf32, #tpu.memory_space<vmem>>, vector<1x1x16xf32>,
        %get3A_1655 = vector.shape_cast %get3A_1654 : vector<1x1x16xf32> to vector<16xf32>
        %mul3A_1656 = arith.mulf %broadcast_in_dim3A_1650, %sub3A : vector<16xf32>
        %add3A_1657 = arith.addf %get3A_6, %mul3A_1656 : vector<16xf32>
        %add3A_1658 = arith.addf %get3A_1655, %add3A_1657 : vector<16xf32>
        %swap3A_1659 = arith.index_cast %select_n3A_159 : i32 to index
        %swap3A_1660 = arith.index_cast %add3A_1647 : i32 to index
        %swap3A_1661 = arith.constant 0 : index
        %swap3A_1662 = tpu.vector_load %arg9[%swap3A_1659, %swap3A_1660, %swap3A_1661] {strides = array<i32>} : memref<3x128x128xf32, #tpu.memory_space<vmem>>, vector<1x1x16xf32>,
        %swap3A_1663 = vector.shape_cast %swap3A_1662 : vector<1x1x16xf32> to vector<16xf32>
        %swap3A_1664 = vector.shape_cast %add3A_1658 : vector<16xf32> to vector<1x1x16xf32>
        tpu.vector_store %arg9[%swap3A_1659, %swap3A_1660, %swap3A_1661], %swap3A_1664 {strides = array<i32>} : memref<3x128x128xf32, #tpu.memory_space<vmem>>, vector<1x1x16xf32>,
        %get3A_1665 = arith.index_cast %select_n3A_159 : i32 to index
        %get3A_1666 = arith.index_cast %add3A_1647 : i32 to index
        %get3A_1667 = arith.constant 16 : index
        %get3A_1668 = tpu.vector_load %arg9[%get3A_1665, %get3A_1666, %get3A_1667] {strides = array<i32>} : memref<3x128x128xf32, #tpu.memory_space<vmem>>, vector<1x1x16xf32>,
        %get3A_1669 = vector.shape_cast %get3A_1668 : vector<1x1x16xf32> to vector<16xf32>
        %mul3A_1670 = arith.mulf %broadcast_in_dim3A_1650, %sub3A_52 : vector<16xf32>
        %add3A_1671 = arith.addf %get3A_11, %mul3A_1670 : vector<16xf32>
        %add3A_1672 = arith.addf %get3A_1669, %add3A_1671 : vector<16xf32>
        %swap3A_1673 = arith.index_cast %select_n3A_159 : i32 to index
        %swap3A_1674 = arith.index_cast %add3A_1647 : i32 to index
        %swap3A_1675 = arith.constant 16 : index
        %swap3A_1676 = tpu.vector_load %arg9[%swap3A_1673, %swap3A_1674, %swap3A_1675] {strides = array<i32>} : memref<3x128x128xf32, #tpu.memory_space<vmem>>, vector<1x1x16xf32>,
        %swap3A_1677 = vector.shape_cast %swap3A_1676 : vector<1x1x16xf32> to vector<16xf32>
        %swap3A_1678 = vector.shape_cast %add3A_1672 : vector<16xf32> to vector<1x1x16xf32>
        tpu.vector_store %arg9[%swap3A_1673, %swap3A_1674, %swap3A_1675], %swap3A_1678 {strides = array<i32>} : memref<3x128x128xf32, #tpu.memory_space<vmem>>, vector<1x1x16xf32>,
        %get3A_1679 = arith.index_cast %select_n3A_159 : i32 to index
        %get3A_1680 = arith.index_cast %add3A_1647 : i32 to index
        %get3A_1681 = arith.constant 32 : index
        %get3A_1682 = tpu.vector_load %arg9[%get3A_1679, %get3A_1680, %get3A_1681] {strides = array<i32>} : memref<3x128x128xf32, #tpu.memory_space<vmem>>, vector<1x1x16xf32>,
        %get3A_1683 = vector.shape_cast %get3A_1682 : vector<1x1x16xf32> to vector<16xf32>
        %mul3A_1684 = arith.mulf %broadcast_in_dim3A_1650, %sub3A_58 : vector<16xf32>
        %add3A_1685 = arith.addf %get3A_16, %mul3A_1684 : vector<16xf32>
        %add3A_1686 = arith.addf %get3A_1683, %add3A_1685 : vector<16xf32>
        %swap3A_1687 = arith.index_cast %select_n3A_159 : i32 to index
        %swap3A_1688 = arith.index_cast %add3A_1647 : i32 to index
        %swap3A_1689 = arith.constant 32 : index
        %swap3A_1690 = tpu.vector_load %arg9[%swap3A_1687, %swap3A_1688, %swap3A_1689] {strides = array<i32>} : memref<3x128x128xf32, #tpu.memory_space<vmem>>, vector<1x1x16xf32>,
        %swap3A_1691 = vector.shape_cast %swap3A_1690 : vector<1x1x16xf32> to vector<16xf32>
        %swap3A_1692 = vector.shape_cast %add3A_1686 : vector<16xf32> to vector<1x1x16xf32>
        tpu.vector_store %arg9[%swap3A_1687, %swap3A_1688, %swap3A_1689], %swap3A_1692 {strides = array<i32>} : memref<3x128x128xf32, #tpu.memory_space<vmem>>, vector<1x1x16xf32>,
        %get3A_1693 = arith.index_cast %select_n3A_159 : i32 to index
        %get3A_1694 = arith.index_cast %add3A_1647 : i32 to index
        %get3A_1695 = arith.constant 48 : index
        %get3A_1696 = tpu.vector_load %arg9[%get3A_1693, %get3A_1694, %get3A_1695] {strides = array<i32>} : memref<3x128x128xf32, #tpu.memory_space<vmem>>, vector<1x1x16xf32>,
        %get3A_1697 = vector.shape_cast %get3A_1696 : vector<1x1x16xf32> to vector<16xf32>
        %mul3A_1698 = arith.mulf %broadcast_in_dim3A_1650, %sub3A_64 : vector<16xf32>
        %add3A_1699 = arith.addf %get3A_21, %mul3A_1698 : vector<16xf32>
        %add3A_1700 = arith.addf %get3A_1697, %add3A_1699 : vector<16xf32>
        %swap3A_1701 = arith.index_cast %select_n3A_159 : i32 to index
        %swap3A_1702 = arith.index_cast %add3A_1647 : i32 to index
        %swap3A_1703 = arith.constant 48 : index
        %swap3A_1704 = tpu.vector_load %arg9[%swap3A_1701, %swap3A_1702, %swap3A_1703] {strides = array<i32>} : memref<3x128x128xf32, #tpu.memory_space<vmem>>, vector<1x1x16xf32>,
        %swap3A_1705 = vector.shape_cast %swap3A_1704 : vector<1x1x16xf32> to vector<16xf32>
        %swap3A_1706 = vector.shape_cast %add3A_1700 : vector<16xf32> to vector<1x1x16xf32>
        tpu.vector_store %arg9[%swap3A_1701, %swap3A_1702, %swap3A_1703], %swap3A_1706 {strides = array<i32>} : memref<3x128x128xf32, #tpu.memory_space<vmem>>, vector<1x1x16xf32>,
        %get3A_1707 = arith.index_cast %select_n3A_159 : i32 to index
        %get3A_1708 = arith.index_cast %add3A_1647 : i32 to index
        %get3A_1709 = arith.constant 64 : index
        %get3A_1710 = tpu.vector_load %arg9[%get3A_1707, %get3A_1708, %get3A_1709] {strides = array<i32>} : memref<3x128x128xf32, #tpu.memory_space<vmem>>, vector<1x1x16xf32>,
        %get3A_1711 = vector.shape_cast %get3A_1710 : vector<1x1x16xf32> to vector<16xf32>
        %mul3A_1712 = arith.mulf %broadcast_in_dim3A_1650, %sub3A_70 : vector<16xf32>
        %add3A_1713 = arith.addf %get3A_26, %mul3A_1712 : vector<16xf32>
        %add3A_1714 = arith.addf %get3A_1711, %add3A_1713 : vector<16xf32>
        %swap3A_1715 = arith.index_cast %select_n3A_159 : i32 to index
        %swap3A_1716 = arith.index_cast %add3A_1647 : i32 to index
        %swap3A_1717 = arith.constant 64 : index
        %swap3A_1718 = tpu.vector_load %arg9[%swap3A_1715, %swap3A_1716, %swap3A_1717] {strides = array<i32>} : memref<3x128x128xf32, #tpu.memory_space<vmem>>, vector<1x1x16xf32>,
        %swap3A_1719 = vector.shape_cast %swap3A_1718 : vector<1x1x16xf32> to vector<16xf32>
        %swap3A_1720 = vector.shape_cast %add3A_1714 : vector<16xf32> to vector<1x1x16xf32>
        tpu.vector_store %arg9[%swap3A_1715, %swap3A_1716, %swap3A_1717], %swap3A_1720 {strides = array<i32>} : memref<3x128x128xf32, #tpu.memory_space<vmem>>, vector<1x1x16xf32>,
        %get3A_1721 = arith.index_cast %select_n3A_159 : i32 to index
        %get3A_1722 = arith.index_cast %add3A_1647 : i32 to index
        %get3A_1723 = arith.constant 80 : index
        %get3A_1724 = tpu.vector_load %arg9[%get3A_1721, %get3A_1722, %get3A_1723] {strides = array<i32>} : memref<3x128x128xf32, #tpu.memory_space<vmem>>, vector<1x1x16xf32>,
        %get3A_1725 = vector.shape_cast %get3A_1724 : vector<1x1x16xf32> to vector<16xf32>
        %mul3A_1726 = arith.mulf %broadcast_in_dim3A_1650, %sub3A_76 : vector<16xf32>
        %add3A_1727 = arith.addf %get3A_31, %mul3A_1726 : vector<16xf32>
        %add3A_1728 = arith.addf %get3A_1725, %add3A_1727 : vector<16xf32>
        %swap3A_1729 = arith.index_cast %select_n3A_159 : i32 to index
        %swap3A_1730 = arith.index_cast %add3A_1647 : i32 to index
        %swap3A_1731 = arith.constant 80 : index
        %swap3A_1732 = tpu.vector_load %arg9[%swap3A_1729, %swap3A_1730, %swap3A_1731] {strides = array<i32>} : memref<3x128x128xf32, #tpu.memory_space<vmem>>, vector<1x1x16xf32>,
        %swap3A_1733 = vector.shape_cast %swap3A_1732 : vector<1x1x16xf32> to vector<16xf32>
        %swap3A_1734 = vector.shape_cast %add3A_1728 : vector<16xf32> to vector<1x1x16xf32>
        tpu.vector_store %arg9[%swap3A_1729, %swap3A_1730, %swap3A_1731], %swap3A_1734 {strides = array<i32>} : memref<3x128x128xf32, #tpu.memory_space<vmem>>, vector<1x1x16xf32>,
        %get3A_1735 = arith.index_cast %select_n3A_159 : i32 to index
        %get3A_1736 = arith.index_cast %add3A_1647 : i32 to index
        %get3A_1737 = arith.constant 96 : index
        %get3A_1738 = tpu.vector_load %arg9[%get3A_1735, %get3A_1736, %get3A_1737] {strides = array<i32>} : memref<3x128x128xf32, #tpu.memory_space<vmem>>, vector<1x1x16xf32>,
        %get3A_1739 = vector.shape_cast %get3A_1738 : vector<1x1x16xf32> to vector<16xf32>
        %mul3A_1740 = arith.mulf %broadcast_in_dim3A_1650, %sub3A_82 : vector<16xf32>
        %add3A_1741 = arith.addf %get3A_36, %mul3A_1740 : vector<16xf32>
        %add3A_1742 = arith.addf %get3A_1739, %add3A_1741 : vector<16xf32>
        %swap3A_1743 = arith.index_cast %select_n3A_159 : i32 to index
        %swap3A_1744 = arith.index_cast %add3A_1647 : i32 to index
        %swap3A_1745 = arith.constant 96 : index
        %swap3A_1746 = tpu.vector_load %arg9[%swap3A_1743, %swap3A_1744, %swap3A_1745] {strides = array<i32>} : memref<3x128x128xf32, #tpu.memory_space<vmem>>, vector<1x1x16xf32>,
        %swap3A_1747 = vector.shape_cast %swap3A_1746 : vector<1x1x16xf32> to vector<16xf32>
        %swap3A_1748 = vector.shape_cast %add3A_1742 : vector<16xf32> to vector<1x1x16xf32>
        tpu.vector_store %arg9[%swap3A_1743, %swap3A_1744, %swap3A_1745], %swap3A_1748 {strides = array<i32>} : memref<3x128x128xf32, #tpu.memory_space<vmem>>, vector<1x1x16xf32>,
        %get3A_1749 = arith.index_cast %select_n3A_159 : i32 to index
        %get3A_1750 = arith.index_cast %add3A_1647 : i32 to index
        %get3A_1751 = arith.constant 112 : index
        %get3A_1752 = tpu.vector_load %arg9[%get3A_1749, %get3A_1750, %get3A_1751] {strides = array<i32>} : memref<3x128x128xf32, #tpu.memory_space<vmem>>, vector<1x1x16xf32>,
        %get3A_1753 = vector.shape_cast %get3A_1752 : vector<1x1x16xf32> to vector<16xf32>
        %mul3A_1754 = arith.mulf %broadcast_in_dim3A_1650, %sub3A_88 : vector<16xf32>
        %add3A_1755 = arith.addf %get3A_41, %mul3A_1754 : vector<16xf32>
        %add3A_1756 = arith.addf %get3A_1753, %add3A_1755 : vector<16xf32>
        %swap3A_1757 = arith.index_cast %select_n3A_159 : i32 to index
        %swap3A_1758 = arith.index_cast %add3A_1647 : i32 to index
        %swap3A_1759 = arith.constant 112 : index
        %swap3A_1760 = tpu.vector_load %arg9[%swap3A_1757, %swap3A_1758, %swap3A_1759] {strides = array<i32>} : memref<3x128x128xf32, #tpu.memory_space<vmem>>, vector<1x1x16xf32>,
        %swap3A_1761 = vector.shape_cast %swap3A_1760 : vector<1x1x16xf32> to vector<16xf32>
        %swap3A_1762 = vector.shape_cast %add3A_1756 : vector<16xf32> to vector<1x1x16xf32>
        tpu.vector_store %arg9[%swap3A_1757, %swap3A_1758, %swap3A_1759], %swap3A_1762 {strides = array<i32>} : memref<3x128x128xf32, #tpu.memory_space<vmem>>, vector<1x1x16xf32>,
        %mul3A_1763 = arith.constant 16 : i32
        %mul3A_1764 = arith.muli %mul3A_1763, %scan3A_212 : i32
        %add3A_1765 = arith.constant 13 : i32
        %add3A_1766 = arith.addi %mul3A_1764, %add3A_1765 : i32
        %slice3A_1767 = vector.extract_strided_slice %convert_element_type3A_219 {offsets = [13], sizes = [1], strides = [1]} : vector<16xf32> to vector<1xf32>
        %squeeze3A_1768 = vector.extract %slice3A_1767[0] : f32 from vector<1xf32>
        %broadcast_in_dim3A_1769 = vector.broadcast %squeeze3A_1768 : f32 to vector<16xf32>
        %get3A_1770 = arith.index_cast %select_n3A_159 : i32 to index
        %get3A_1771 = arith.index_cast %add3A_1766 : i32 to index
        %get3A_1772 = arith.constant 0 : index
        %get3A_1773 = tpu.vector_load %arg9[%get3A_1770, %get3A_1771, %get3A_1772] {strides = array<i32>} : memref<3x128x128xf32, #tpu.memory_space<vmem>>, vector<1x1x16xf32>,
        %get3A_1774 = vector.shape_cast %get3A_1773 : vector<1x1x16xf32> to vector<16xf32>
        %mul3A_1775 = arith.mulf %broadcast_in_dim3A_1769, %sub3A : vector<16xf32>
        %add3A_1776 = arith.addf %get3A_6, %mul3A_1775 : vector<16xf32>
        %add3A_1777 = arith.addf %get3A_1774, %add3A_1776 : vector<16xf32>
        %swap3A_1778 = arith.index_cast %select_n3A_159 : i32 to index
        %swap3A_1779 = arith.index_cast %add3A_1766 : i32 to index
        %swap3A_1780 = arith.constant 0 : index
        %swap3A_1781 = tpu.vector_load %arg9[%swap3A_1778, %swap3A_1779, %swap3A_1780] {strides = array<i32>} : memref<3x128x128xf32, #tpu.memory_space<vmem>>, vector<1x1x16xf32>,
        %swap3A_1782 = vector.shape_cast %swap3A_1781 : vector<1x1x16xf32> to vector<16xf32>
        %swap3A_1783 = vector.shape_cast %add3A_1777 : vector<16xf32> to vector<1x1x16xf32>
        tpu.vector_store %arg9[%swap3A_1778, %swap3A_1779, %swap3A_1780], %swap3A_1783 {strides = array<i32>} : memref<3x128x128xf32, #tpu.memory_space<vmem>>, vector<1x1x16xf32>,
        %get3A_1784 = arith.index_cast %select_n3A_159 : i32 to index
        %get3A_1785 = arith.index_cast %add3A_1766 : i32 to index
        %get3A_1786 = arith.constant 16 : index
        %get3A_1787 = tpu.vector_load %arg9[%get3A_1784, %get3A_1785, %get3A_1786] {strides = array<i32>} : memref<3x128x128xf32, #tpu.memory_space<vmem>>, vector<1x1x16xf32>,
        %get3A_1788 = vector.shape_cast %get3A_1787 : vector<1x1x16xf32> to vector<16xf32>
        %mul3A_1789 = arith.mulf %broadcast_in_dim3A_1769, %sub3A_52 : vector<16xf32>
        %add3A_1790 = arith.addf %get3A_11, %mul3A_1789 : vector<16xf32>
        %add3A_1791 = arith.addf %get3A_1788, %add3A_1790 : vector<16xf32>
        %swap3A_1792 = arith.index_cast %select_n3A_159 : i32 to index
        %swap3A_1793 = arith.index_cast %add3A_1766 : i32 to index
        %swap3A_1794 = arith.constant 16 : index
        %swap3A_1795 = tpu.vector_load %arg9[%swap3A_1792, %swap3A_1793, %swap3A_1794] {strides = array<i32>} : memref<3x128x128xf32, #tpu.memory_space<vmem>>, vector<1x1x16xf32>,
        %swap3A_1796 = vector.shape_cast %swap3A_1795 : vector<1x1x16xf32> to vector<16xf32>
        %swap3A_1797 = vector.shape_cast %add3A_1791 : vector<16xf32> to vector<1x1x16xf32>
        tpu.vector_store %arg9[%swap3A_1792, %swap3A_1793, %swap3A_1794], %swap3A_1797 {strides = array<i32>} : memref<3x128x128xf32, #tpu.memory_space<vmem>>, vector<1x1x16xf32>,
        %get3A_1798 = arith.index_cast %select_n3A_159 : i32 to index
        %get3A_1799 = arith.index_cast %add3A_1766 : i32 to index
        %get3A_1800 = arith.constant 32 : index
        %get3A_1801 = tpu.vector_load %arg9[%get3A_1798, %get3A_1799, %get3A_1800] {strides = array<i32>} : memref<3x128x128xf32, #tpu.memory_space<vmem>>, vector<1x1x16xf32>,
        %get3A_1802 = vector.shape_cast %get3A_1801 : vector<1x1x16xf32> to vector<16xf32>
        %mul3A_1803 = arith.mulf %broadcast_in_dim3A_1769, %sub3A_58 : vector<16xf32>
        %add3A_1804 = arith.addf %get3A_16, %mul3A_1803 : vector<16xf32>
        %add3A_1805 = arith.addf %get3A_1802, %add3A_1804 : vector<16xf32>
        %swap3A_1806 = arith.index_cast %select_n3A_159 : i32 to index
        %swap3A_1807 = arith.index_cast %add3A_1766 : i32 to index
        %swap3A_1808 = arith.constant 32 : index
        %swap3A_1809 = tpu.vector_load %arg9[%swap3A_1806, %swap3A_1807, %swap3A_1808] {strides = array<i32>} : memref<3x128x128xf32, #tpu.memory_space<vmem>>, vector<1x1x16xf32>,
        %swap3A_1810 = vector.shape_cast %swap3A_1809 : vector<1x1x16xf32> to vector<16xf32>
        %swap3A_1811 = vector.shape_cast %add3A_1805 : vector<16xf32> to vector<1x1x16xf32>
        tpu.vector_store %arg9[%swap3A_1806, %swap3A_1807, %swap3A_1808], %swap3A_1811 {strides = array<i32>} : memref<3x128x128xf32, #tpu.memory_space<vmem>>, vector<1x1x16xf32>,
        %get3A_1812 = arith.index_cast %select_n3A_159 : i32 to index
        %get3A_1813 = arith.index_cast %add3A_1766 : i32 to index
        %get3A_1814 = arith.constant 48 : index
        %get3A_1815 = tpu.vector_load %arg9[%get3A_1812, %get3A_1813, %get3A_1814] {strides = array<i32>} : memref<3x128x128xf32, #tpu.memory_space<vmem>>, vector<1x1x16xf32>,
        %get3A_1816 = vector.shape_cast %get3A_1815 : vector<1x1x16xf32> to vector<16xf32>
        %mul3A_1817 = arith.mulf %broadcast_in_dim3A_1769, %sub3A_64 : vector<16xf32>
        %add3A_1818 = arith.addf %get3A_21, %mul3A_1817 : vector<16xf32>
        %add3A_1819 = arith.addf %get3A_1816, %add3A_1818 : vector<16xf32>
        %swap3A_1820 = arith.index_cast %select_n3A_159 : i32 to index
        %swap3A_1821 = arith.index_cast %add3A_1766 : i32 to index
        %swap3A_1822 = arith.constant 48 : index
        %swap3A_1823 = tpu.vector_load %arg9[%swap3A_1820, %swap3A_1821, %swap3A_1822] {strides = array<i32>} : memref<3x128x128xf32, #tpu.memory_space<vmem>>, vector<1x1x16xf32>,
        %swap3A_1824 = vector.shape_cast %swap3A_1823 : vector<1x1x16xf32> to vector<16xf32>
        %swap3A_1825 = vector.shape_cast %add3A_1819 : vector<16xf32> to vector<1x1x16xf32>
        tpu.vector_store %arg9[%swap3A_1820, %swap3A_1821, %swap3A_1822], %swap3A_1825 {strides = array<i32>} : memref<3x128x128xf32, #tpu.memory_space<vmem>>, vector<1x1x16xf32>,
        %get3A_1826 = arith.index_cast %select_n3A_159 : i32 to index
        %get3A_1827 = arith.index_cast %add3A_1766 : i32 to index
        %get3A_1828 = arith.constant 64 : index
        %get3A_1829 = tpu.vector_load %arg9[%get3A_1826, %get3A_1827, %get3A_1828] {strides = array<i32>} : memref<3x128x128xf32, #tpu.memory_space<vmem>>, vector<1x1x16xf32>,
        %get3A_1830 = vector.shape_cast %get3A_1829 : vector<1x1x16xf32> to vector<16xf32>
        %mul3A_1831 = arith.mulf %broadcast_in_dim3A_1769, %sub3A_70 : vector<16xf32>
        %add3A_1832 = arith.addf %get3A_26, %mul3A_1831 : vector<16xf32>
        %add3A_1833 = arith.addf %get3A_1830, %add3A_1832 : vector<16xf32>
        %swap3A_1834 = arith.index_cast %select_n3A_159 : i32 to index
        %swap3A_1835 = arith.index_cast %add3A_1766 : i32 to index
        %swap3A_1836 = arith.constant 64 : index
        %swap3A_1837 = tpu.vector_load %arg9[%swap3A_1834, %swap3A_1835, %swap3A_1836] {strides = array<i32>} : memref<3x128x128xf32, #tpu.memory_space<vmem>>, vector<1x1x16xf32>,
        %swap3A_1838 = vector.shape_cast %swap3A_1837 : vector<1x1x16xf32> to vector<16xf32>
        %swap3A_1839 = vector.shape_cast %add3A_1833 : vector<16xf32> to vector<1x1x16xf32>
        tpu.vector_store %arg9[%swap3A_1834, %swap3A_1835, %swap3A_1836], %swap3A_1839 {strides = array<i32>} : memref<3x128x128xf32, #tpu.memory_space<vmem>>, vector<1x1x16xf32>,
        %get3A_1840 = arith.index_cast %select_n3A_159 : i32 to index
        %get3A_1841 = arith.index_cast %add3A_1766 : i32 to index
        %get3A_1842 = arith.constant 80 : index
        %get3A_1843 = tpu.vector_load %arg9[%get3A_1840, %get3A_1841, %get3A_1842] {strides = array<i32>} : memref<3x128x128xf32, #tpu.memory_space<vmem>>, vector<1x1x16xf32>,
        %get3A_1844 = vector.shape_cast %get3A_1843 : vector<1x1x16xf32> to vector<16xf32>
        %mul3A_1845 = arith.mulf %broadcast_in_dim3A_1769, %sub3A_76 : vector<16xf32>
        %add3A_1846 = arith.addf %get3A_31, %mul3A_1845 : vector<16xf32>
        %add3A_1847 = arith.addf %get3A_1844, %add3A_1846 : vector<16xf32>
        %swap3A_1848 = arith.index_cast %select_n3A_159 : i32 to index
        %swap3A_1849 = arith.index_cast %add3A_1766 : i32 to index
        %swap3A_1850 = arith.constant 80 : index
        %swap3A_1851 = tpu.vector_load %arg9[%swap3A_1848, %swap3A_1849, %swap3A_1850] {strides = array<i32>} : memref<3x128x128xf32, #tpu.memory_space<vmem>>, vector<1x1x16xf32>,
        %swap3A_1852 = vector.shape_cast %swap3A_1851 : vector<1x1x16xf32> to vector<16xf32>
        %swap3A_1853 = vector.shape_cast %add3A_1847 : vector<16xf32> to vector<1x1x16xf32>
        tpu.vector_store %arg9[%swap3A_1848, %swap3A_1849, %swap3A_1850], %swap3A_1853 {strides = array<i32>} : memref<3x128x128xf32, #tpu.memory_space<vmem>>, vector<1x1x16xf32>,
        %get3A_1854 = arith.index_cast %select_n3A_159 : i32 to index
        %get3A_1855 = arith.index_cast %add3A_1766 : i32 to index
        %get3A_1856 = arith.constant 96 : index
        %get3A_1857 = tpu.vector_load %arg9[%get3A_1854, %get3A_1855, %get3A_1856] {strides = array<i32>} : memref<3x128x128xf32, #tpu.memory_space<vmem>>, vector<1x1x16xf32>,
        %get3A_1858 = vector.shape_cast %get3A_1857 : vector<1x1x16xf32> to vector<16xf32>
        %mul3A_1859 = arith.mulf %broadcast_in_dim3A_1769, %sub3A_82 : vector<16xf32>
        %add3A_1860 = arith.addf %get3A_36, %mul3A_1859 : vector<16xf32>
        %add3A_1861 = arith.addf %get3A_1858, %add3A_1860 : vector<16xf32>
        %swap3A_1862 = arith.index_cast %select_n3A_159 : i32 to index
        %swap3A_1863 = arith.index_cast %add3A_1766 : i32 to index
        %swap3A_1864 = arith.constant 96 : index
        %swap3A_1865 = tpu.vector_load %arg9[%swap3A_1862, %swap3A_1863, %swap3A_1864] {strides = array<i32>} : memref<3x128x128xf32, #tpu.memory_space<vmem>>, vector<1x1x16xf32>,
        %swap3A_1866 = vector.shape_cast %swap3A_1865 : vector<1x1x16xf32> to vector<16xf32>
        %swap3A_1867 = vector.shape_cast %add3A_1861 : vector<16xf32> to vector<1x1x16xf32>
        tpu.vector_store %arg9[%swap3A_1862, %swap3A_1863, %swap3A_1864], %swap3A_1867 {strides = array<i32>} : memref<3x128x128xf32, #tpu.memory_space<vmem>>, vector<1x1x16xf32>,
        %get3A_1868 = arith.index_cast %select_n3A_159 : i32 to index
        %get3A_1869 = arith.index_cast %add3A_1766 : i32 to index
        %get3A_1870 = arith.constant 112 : index
        %get3A_1871 = tpu.vector_load %arg9[%get3A_1868, %get3A_1869, %get3A_1870] {strides = array<i32>} : memref<3x128x128xf32, #tpu.memory_space<vmem>>, vector<1x1x16xf32>,
        %get3A_1872 = vector.shape_cast %get3A_1871 : vector<1x1x16xf32> to vector<16xf32>
        %mul3A_1873 = arith.mulf %broadcast_in_dim3A_1769, %sub3A_88 : vector<16xf32>
        %add3A_1874 = arith.addf %get3A_41, %mul3A_1873 : vector<16xf32>
        %add3A_1875 = arith.addf %get3A_1872, %add3A_1874 : vector<16xf32>
        %swap3A_1876 = arith.index_cast %select_n3A_159 : i32 to index
        %swap3A_1877 = arith.index_cast %add3A_1766 : i32 to index
        %swap3A_1878 = arith.constant 112 : index
        %swap3A_1879 = tpu.vector_load %arg9[%swap3A_1876, %swap3A_1877, %swap3A_1878] {strides = array<i32>} : memref<3x128x128xf32, #tpu.memory_space<vmem>>, vector<1x1x16xf32>,
        %swap3A_1880 = vector.shape_cast %swap3A_1879 : vector<1x1x16xf32> to vector<16xf32>
        %swap3A_1881 = vector.shape_cast %add3A_1875 : vector<16xf32> to vector<1x1x16xf32>
        tpu.vector_store %arg9[%swap3A_1876, %swap3A_1877, %swap3A_1878], %swap3A_1881 {strides = array<i32>} : memref<3x128x128xf32, #tpu.memory_space<vmem>>, vector<1x1x16xf32>,
        %mul3A_1882 = arith.constant 16 : i32
        %mul3A_1883 = arith.muli %mul3A_1882, %scan3A_212 : i32
        %add3A_1884 = arith.constant 14 : i32
        %add3A_1885 = arith.addi %mul3A_1883, %add3A_1884 : i32
        %slice3A_1886 = vector.extract_strided_slice %convert_element_type3A_219 {offsets = [14], sizes = [1], strides = [1]} : vector<16xf32> to vector<1xf32>
        %squeeze3A_1887 = vector.extract %slice3A_1886[0] : f32 from vector<1xf32>
        %broadcast_in_dim3A_1888 = vector.broadcast %squeeze3A_1887 : f32 to vector<16xf32>
        %get3A_1889 = arith.index_cast %select_n3A_159 : i32 to index
        %get3A_1890 = arith.index_cast %add3A_1885 : i32 to index
        %get3A_1891 = arith.constant 0 : index
        %get3A_1892 = tpu.vector_load %arg9[%get3A_1889, %get3A_1890, %get3A_1891] {strides = array<i32>} : memref<3x128x128xf32, #tpu.memory_space<vmem>>, vector<1x1x16xf32>,
        %get3A_1893 = vector.shape_cast %get3A_1892 : vector<1x1x16xf32> to vector<16xf32>
        %mul3A_1894 = arith.mulf %broadcast_in_dim3A_1888, %sub3A : vector<16xf32>
        %add3A_1895 = arith.addf %get3A_6, %mul3A_1894 : vector<16xf32>
        %add3A_1896 = arith.addf %get3A_1893, %add3A_1895 : vector<16xf32>
        %swap3A_1897 = arith.index_cast %select_n3A_159 : i32 to index
        %swap3A_1898 = arith.index_cast %add3A_1885 : i32 to index
        %swap3A_1899 = arith.constant 0 : index
        %swap3A_1900 = tpu.vector_load %arg9[%swap3A_1897, %swap3A_1898, %swap3A_1899] {strides = array<i32>} : memref<3x128x128xf32, #tpu.memory_space<vmem>>, vector<1x1x16xf32>,
        %swap3A_1901 = vector.shape_cast %swap3A_1900 : vector<1x1x16xf32> to vector<16xf32>
        %swap3A_1902 = vector.shape_cast %add3A_1896 : vector<16xf32> to vector<1x1x16xf32>
        tpu.vector_store %arg9[%swap3A_1897, %swap3A_1898, %swap3A_1899], %swap3A_1902 {strides = array<i32>} : memref<3x128x128xf32, #tpu.memory_space<vmem>>, vector<1x1x16xf32>,
        %get3A_1903 = arith.index_cast %select_n3A_159 : i32 to index
        %get3A_1904 = arith.index_cast %add3A_1885 : i32 to index
        %get3A_1905 = arith.constant 16 : index
        %get3A_1906 = tpu.vector_load %arg9[%get3A_1903, %get3A_1904, %get3A_1905] {strides = array<i32>} : memref<3x128x128xf32, #tpu.memory_space<vmem>>, vector<1x1x16xf32>,
        %get3A_1907 = vector.shape_cast %get3A_1906 : vector<1x1x16xf32> to vector<16xf32>
        %mul3A_1908 = arith.mulf %broadcast_in_dim3A_1888, %sub3A_52 : vector<16xf32>
        %add3A_1909 = arith.addf %get3A_11, %mul3A_1908 : vector<16xf32>
        %add3A_1910 = arith.addf %get3A_1907, %add3A_1909 : vector<16xf32>
        %swap3A_1911 = arith.index_cast %select_n3A_159 : i32 to index
        %swap3A_1912 = arith.index_cast %add3A_1885 : i32 to index
        %swap3A_1913 = arith.constant 16 : index
        %swap3A_1914 = tpu.vector_load %arg9[%swap3A_1911, %swap3A_1912, %swap3A_1913] {strides = array<i32>} : memref<3x128x128xf32, #tpu.memory_space<vmem>>, vector<1x1x16xf32>,
        %swap3A_1915 = vector.shape_cast %swap3A_1914 : vector<1x1x16xf32> to vector<16xf32>
        %swap3A_1916 = vector.shape_cast %add3A_1910 : vector<16xf32> to vector<1x1x16xf32>
        tpu.vector_store %arg9[%swap3A_1911, %swap3A_1912, %swap3A_1913], %swap3A_1916 {strides = array<i32>} : memref<3x128x128xf32, #tpu.memory_space<vmem>>, vector<1x1x16xf32>,
        %get3A_1917 = arith.index_cast %select_n3A_159 : i32 to index
        %get3A_1918 = arith.index_cast %add3A_1885 : i32 to index
        %get3A_1919 = arith.constant 32 : index
        %get3A_1920 = tpu.vector_load %arg9[%get3A_1917, %get3A_1918, %get3A_1919] {strides = array<i32>} : memref<3x128x128xf32, #tpu.memory_space<vmem>>, vector<1x1x16xf32>,
        %get3A_1921 = vector.shape_cast %get3A_1920 : vector<1x1x16xf32> to vector<16xf32>
        %mul3A_1922 = arith.mulf %broadcast_in_dim3A_1888, %sub3A_58 : vector<16xf32>
        %add3A_1923 = arith.addf %get3A_16, %mul3A_1922 : vector<16xf32>
        %add3A_1924 = arith.addf %get3A_1921, %add3A_1923 : vector<16xf32>
        %swap3A_1925 = arith.index_cast %select_n3A_159 : i32 to index
        %swap3A_1926 = arith.index_cast %add3A_1885 : i32 to index
        %swap3A_1927 = arith.constant 32 : index
        %swap3A_1928 = tpu.vector_load %arg9[%swap3A_1925, %swap3A_1926, %swap3A_1927] {strides = array<i32>} : memref<3x128x128xf32, #tpu.memory_space<vmem>>, vector<1x1x16xf32>,
        %swap3A_1929 = vector.shape_cast %swap3A_1928 : vector<1x1x16xf32> to vector<16xf32>
        %swap3A_1930 = vector.shape_cast %add3A_1924 : vector<16xf32> to vector<1x1x16xf32>
        tpu.vector_store %arg9[%swap3A_1925, %swap3A_1926, %swap3A_1927], %swap3A_1930 {strides = array<i32>} : memref<3x128x128xf32, #tpu.memory_space<vmem>>, vector<1x1x16xf32>,
        %get3A_1931 = arith.index_cast %select_n3A_159 : i32 to index
        %get3A_1932 = arith.index_cast %add3A_1885 : i32 to index
        %get3A_1933 = arith.constant 48 : index
        %get3A_1934 = tpu.vector_load %arg9[%get3A_1931, %get3A_1932, %get3A_1933] {strides = array<i32>} : memref<3x128x128xf32, #tpu.memory_space<vmem>>, vector<1x1x16xf32>,
        %get3A_1935 = vector.shape_cast %get3A_1934 : vector<1x1x16xf32> to vector<16xf32>
        %mul3A_1936 = arith.mulf %broadcast_in_dim3A_1888, %sub3A_64 : vector<16xf32>
        %add3A_1937 = arith.addf %get3A_21, %mul3A_1936 : vector<16xf32>
        %add3A_1938 = arith.addf %get3A_1935, %add3A_1937 : vector<16xf32>
        %swap3A_1939 = arith.index_cast %select_n3A_159 : i32 to index
        %swap3A_1940 = arith.index_cast %add3A_1885 : i32 to index
        %swap3A_1941 = arith.constant 48 : index
        %swap3A_1942 = tpu.vector_load %arg9[%swap3A_1939, %swap3A_1940, %swap3A_1941] {strides = array<i32>} : memref<3x128x128xf32, #tpu.memory_space<vmem>>, vector<1x1x16xf32>,
        %swap3A_1943 = vector.shape_cast %swap3A_1942 : vector<1x1x16xf32> to vector<16xf32>
        %swap3A_1944 = vector.shape_cast %add3A_1938 : vector<16xf32> to vector<1x1x16xf32>
        tpu.vector_store %arg9[%swap3A_1939, %swap3A_1940, %swap3A_1941], %swap3A_1944 {strides = array<i32>} : memref<3x128x128xf32, #tpu.memory_space<vmem>>, vector<1x1x16xf32>,
        %get3A_1945 = arith.index_cast %select_n3A_159 : i32 to index
        %get3A_1946 = arith.index_cast %add3A_1885 : i32 to index
        %get3A_1947 = arith.constant 64 : index
        %get3A_1948 = tpu.vector_load %arg9[%get3A_1945, %get3A_1946, %get3A_1947] {strides = array<i32>} : memref<3x128x128xf32, #tpu.memory_space<vmem>>, vector<1x1x16xf32>,
        %get3A_1949 = vector.shape_cast %get3A_1948 : vector<1x1x16xf32> to vector<16xf32>
        %mul3A_1950 = arith.mulf %broadcast_in_dim3A_1888, %sub3A_70 : vector<16xf32>
        %add3A_1951 = arith.addf %get3A_26, %mul3A_1950 : vector<16xf32>
        %add3A_1952 = arith.addf %get3A_1949, %add3A_1951 : vector<16xf32>
        %swap3A_1953 = arith.index_cast %select_n3A_159 : i32 to index
        %swap3A_1954 = arith.index_cast %add3A_1885 : i32 to index
        %swap3A_1955 = arith.constant 64 : index
        %swap3A_1956 = tpu.vector_load %arg9[%swap3A_1953, %swap3A_1954, %swap3A_1955] {strides = array<i32>} : memref<3x128x128xf32, #tpu.memory_space<vmem>>, vector<1x1x16xf32>,
        %swap3A_1957 = vector.shape_cast %swap3A_1956 : vector<1x1x16xf32> to vector<16xf32>
        %swap3A_1958 = vector.shape_cast %add3A_1952 : vector<16xf32> to vector<1x1x16xf32>
        tpu.vector_store %arg9[%swap3A_1953, %swap3A_1954, %swap3A_1955], %swap3A_1958 {strides = array<i32>} : memref<3x128x128xf32, #tpu.memory_space<vmem>>, vector<1x1x16xf32>,
        %get3A_1959 = arith.index_cast %select_n3A_159 : i32 to index
        %get3A_1960 = arith.index_cast %add3A_1885 : i32 to index
        %get3A_1961 = arith.constant 80 : index
        %get3A_1962 = tpu.vector_load %arg9[%get3A_1959, %get3A_1960, %get3A_1961] {strides = array<i32>} : memref<3x128x128xf32, #tpu.memory_space<vmem>>, vector<1x1x16xf32>,
        %get3A_1963 = vector.shape_cast %get3A_1962 : vector<1x1x16xf32> to vector<16xf32>
        %mul3A_1964 = arith.mulf %broadcast_in_dim3A_1888, %sub3A_76 : vector<16xf32>
        %add3A_1965 = arith.addf %get3A_31, %mul3A_1964 : vector<16xf32>
        %add3A_1966 = arith.addf %get3A_1963, %add3A_1965 : vector<16xf32>
        %swap3A_1967 = arith.index_cast %select_n3A_159 : i32 to index
        %swap3A_1968 = arith.index_cast %add3A_1885 : i32 to index
        %swap3A_1969 = arith.constant 80 : index
        %swap3A_1970 = tpu.vector_load %arg9[%swap3A_1967, %swap3A_1968, %swap3A_1969] {strides = array<i32>} : memref<3x128x128xf32, #tpu.memory_space<vmem>>, vector<1x1x16xf32>,
        %swap3A_1971 = vector.shape_cast %swap3A_1970 : vector<1x1x16xf32> to vector<16xf32>
        %swap3A_1972 = vector.shape_cast %add3A_1966 : vector<16xf32> to vector<1x1x16xf32>
        tpu.vector_store %arg9[%swap3A_1967, %swap3A_1968, %swap3A_1969], %swap3A_1972 {strides = array<i32>} : memref<3x128x128xf32, #tpu.memory_space<vmem>>, vector<1x1x16xf32>,
        %get3A_1973 = arith.index_cast %select_n3A_159 : i32 to index
        %get3A_1974 = arith.index_cast %add3A_1885 : i32 to index
        %get3A_1975 = arith.constant 96 : index
        %get3A_1976 = tpu.vector_load %arg9[%get3A_1973, %get3A_1974, %get3A_1975] {strides = array<i32>} : memref<3x128x128xf32, #tpu.memory_space<vmem>>, vector<1x1x16xf32>,
        %get3A_1977 = vector.shape_cast %get3A_1976 : vector<1x1x16xf32> to vector<16xf32>
        %mul3A_1978 = arith.mulf %broadcast_in_dim3A_1888, %sub3A_82 : vector<16xf32>
        %add3A_1979 = arith.addf %get3A_36, %mul3A_1978 : vector<16xf32>
        %add3A_1980 = arith.addf %get3A_1977, %add3A_1979 : vector<16xf32>
        %swap3A_1981 = arith.index_cast %select_n3A_159 : i32 to index
        %swap3A_1982 = arith.index_cast %add3A_1885 : i32 to index
        %swap3A_1983 = arith.constant 96 : index
        %swap3A_1984 = tpu.vector_load %arg9[%swap3A_1981, %swap3A_1982, %swap3A_1983] {strides = array<i32>} : memref<3x128x128xf32, #tpu.memory_space<vmem>>, vector<1x1x16xf32>,
        %swap3A_1985 = vector.shape_cast %swap3A_1984 : vector<1x1x16xf32> to vector<16xf32>
        %swap3A_1986 = vector.shape_cast %add3A_1980 : vector<16xf32> to vector<1x1x16xf32>
        tpu.vector_store %arg9[%swap3A_1981, %swap3A_1982, %swap3A_1983], %swap3A_1986 {strides = array<i32>} : memref<3x128x128xf32, #tpu.memory_space<vmem>>, vector<1x1x16xf32>,
        %get3A_1987 = arith.index_cast %select_n3A_159 : i32 to index
        %get3A_1988 = arith.index_cast %add3A_1885 : i32 to index
        %get3A_1989 = arith.constant 112 : index
        %get3A_1990 = tpu.vector_load %arg9[%get3A_1987, %get3A_1988, %get3A_1989] {strides = array<i32>} : memref<3x128x128xf32, #tpu.memory_space<vmem>>, vector<1x1x16xf32>,
        %get3A_1991 = vector.shape_cast %get3A_1990 : vector<1x1x16xf32> to vector<16xf32>
        %mul3A_1992 = arith.mulf %broadcast_in_dim3A_1888, %sub3A_88 : vector<16xf32>
        %add3A_1993 = arith.addf %get3A_41, %mul3A_1992 : vector<16xf32>
        %add3A_1994 = arith.addf %get3A_1991, %add3A_1993 : vector<16xf32>
        %swap3A_1995 = arith.index_cast %select_n3A_159 : i32 to index
        %swap3A_1996 = arith.index_cast %add3A_1885 : i32 to index
        %swap3A_1997 = arith.constant 112 : index
        %swap3A_1998 = tpu.vector_load %arg9[%swap3A_1995, %swap3A_1996, %swap3A_1997] {strides = array<i32>} : memref<3x128x128xf32, #tpu.memory_space<vmem>>, vector<1x1x16xf32>,
        %swap3A_1999 = vector.shape_cast %swap3A_1998 : vector<1x1x16xf32> to vector<16xf32>
        %swap3A_2000 = vector.shape_cast %add3A_1994 : vector<16xf32> to vector<1x1x16xf32>
        tpu.vector_store %arg9[%swap3A_1995, %swap3A_1996, %swap3A_1997], %swap3A_2000 {strides = array<i32>} : memref<3x128x128xf32, #tpu.memory_space<vmem>>, vector<1x1x16xf32>,
        %mul3A_2001 = arith.constant 16 : i32
        %mul3A_2002 = arith.muli %mul3A_2001, %scan3A_212 : i32
        %add3A_2003 = arith.constant 15 : i32
        %add3A_2004 = arith.addi %mul3A_2002, %add3A_2003 : i32
        %slice3A_2005 = vector.extract_strided_slice %convert_element_type3A_219 {offsets = [15], sizes = [1], strides = [1]} : vector<16xf32> to vector<1xf32>
        %squeeze3A_2006 = vector.extract %slice3A_2005[0] : f32 from vector<1xf32>
        %broadcast_in_dim3A_2007 = vector.broadcast %squeeze3A_2006 : f32 to vector<16xf32>
        %get3A_2008 = arith.index_cast %select_n3A_159 : i32 to index
        %get3A_2009 = arith.index_cast %add3A_2004 : i32 to index
        %get3A_2010 = arith.constant 0 : index
        %get3A_2011 = tpu.vector_load %arg9[%get3A_2008, %get3A_2009, %get3A_2010] {strides = array<i32>} : memref<3x128x128xf32, #tpu.memory_space<vmem>>, vector<1x1x16xf32>,
        %get3A_2012 = vector.shape_cast %get3A_2011 : vector<1x1x16xf32> to vector<16xf32>
        %mul3A_2013 = arith.mulf %broadcast_in_dim3A_2007, %sub3A : vector<16xf32>
        %add3A_2014 = arith.addf %get3A_6, %mul3A_2013 : vector<16xf32>
        %add3A_2015 = arith.addf %get3A_2012, %add3A_2014 : vector<16xf32>
        %swap3A_2016 = arith.index_cast %select_n3A_159 : i32 to index
        %swap3A_2017 = arith.index_cast %add3A_2004 : i32 to index
        %swap3A_2018 = arith.constant 0 : index
        %swap3A_2019 = tpu.vector_load %arg9[%swap3A_2016, %swap3A_2017, %swap3A_2018] {strides = array<i32>} : memref<3x128x128xf32, #tpu.memory_space<vmem>>, vector<1x1x16xf32>,
        %swap3A_2020 = vector.shape_cast %swap3A_2019 : vector<1x1x16xf32> to vector<16xf32>
        %swap3A_2021 = vector.shape_cast %add3A_2015 : vector<16xf32> to vector<1x1x16xf32>
        tpu.vector_store %arg9[%swap3A_2016, %swap3A_2017, %swap3A_2018], %swap3A_2021 {strides = array<i32>} : memref<3x128x128xf32, #tpu.memory_space<vmem>>, vector<1x1x16xf32>,
        %get3A_2022 = arith.index_cast %select_n3A_159 : i32 to index
        %get3A_2023 = arith.index_cast %add3A_2004 : i32 to index
        %get3A_2024 = arith.constant 16 : index
        %get3A_2025 = tpu.vector_load %arg9[%get3A_2022, %get3A_2023, %get3A_2024] {strides = array<i32>} : memref<3x128x128xf32, #tpu.memory_space<vmem>>, vector<1x1x16xf32>,
        %get3A_2026 = vector.shape_cast %get3A_2025 : vector<1x1x16xf32> to vector<16xf32>
        %mul3A_2027 = arith.mulf %broadcast_in_dim3A_2007, %sub3A_52 : vector<16xf32>
        %add3A_2028 = arith.addf %get3A_11, %mul3A_2027 : vector<16xf32>
        %add3A_2029 = arith.addf %get3A_2026, %add3A_2028 : vector<16xf32>
        %swap3A_2030 = arith.index_cast %select_n3A_159 : i32 to index
        %swap3A_2031 = arith.index_cast %add3A_2004 : i32 to index
        %swap3A_2032 = arith.constant 16 : index
        %swap3A_2033 = tpu.vector_load %arg9[%swap3A_2030, %swap3A_2031, %swap3A_2032] {strides = array<i32>} : memref<3x128x128xf32, #tpu.memory_space<vmem>>, vector<1x1x16xf32>,
        %swap3A_2034 = vector.shape_cast %swap3A_2033 : vector<1x1x16xf32> to vector<16xf32>
        %swap3A_2035 = vector.shape_cast %add3A_2029 : vector<16xf32> to vector<1x1x16xf32>
        tpu.vector_store %arg9[%swap3A_2030, %swap3A_2031, %swap3A_2032], %swap3A_2035 {strides = array<i32>} : memref<3x128x128xf32, #tpu.memory_space<vmem>>, vector<1x1x16xf32>,
        %get3A_2036 = arith.index_cast %select_n3A_159 : i32 to index
        %get3A_2037 = arith.index_cast %add3A_2004 : i32 to index
        %get3A_2038 = arith.constant 32 : index
        %get3A_2039 = tpu.vector_load %arg9[%get3A_2036, %get3A_2037, %get3A_2038] {strides = array<i32>} : memref<3x128x128xf32, #tpu.memory_space<vmem>>, vector<1x1x16xf32>,
        %get3A_2040 = vector.shape_cast %get3A_2039 : vector<1x1x16xf32> to vector<16xf32>
        %mul3A_2041 = arith.mulf %broadcast_in_dim3A_2007, %sub3A_58 : vector<16xf32>
        %add3A_2042 = arith.addf %get3A_16, %mul3A_2041 : vector<16xf32>
        %add3A_2043 = arith.addf %get3A_2040, %add3A_2042 : vector<16xf32>
        %swap3A_2044 = arith.index_cast %select_n3A_159 : i32 to index
        %swap3A_2045 = arith.index_cast %add3A_2004 : i32 to index
        %swap3A_2046 = arith.constant 32 : index
        %swap3A_2047 = tpu.vector_load %arg9[%swap3A_2044, %swap3A_2045, %swap3A_2046] {strides = array<i32>} : memref<3x128x128xf32, #tpu.memory_space<vmem>>, vector<1x1x16xf32>,
        %swap3A_2048 = vector.shape_cast %swap3A_2047 : vector<1x1x16xf32> to vector<16xf32>
        %swap3A_2049 = vector.shape_cast %add3A_2043 : vector<16xf32> to vector<1x1x16xf32>
        tpu.vector_store %arg9[%swap3A_2044, %swap3A_2045, %swap3A_2046], %swap3A_2049 {strides = array<i32>} : memref<3x128x128xf32, #tpu.memory_space<vmem>>, vector<1x1x16xf32>,
        %get3A_2050 = arith.index_cast %select_n3A_159 : i32 to index
        %get3A_2051 = arith.index_cast %add3A_2004 : i32 to index
        %get3A_2052 = arith.constant 48 : index
        %get3A_2053 = tpu.vector_load %arg9[%get3A_2050, %get3A_2051, %get3A_2052] {strides = array<i32>} : memref<3x128x128xf32, #tpu.memory_space<vmem>>, vector<1x1x16xf32>,
        %get3A_2054 = vector.shape_cast %get3A_2053 : vector<1x1x16xf32> to vector<16xf32>
        %mul3A_2055 = arith.mulf %broadcast_in_dim3A_2007, %sub3A_64 : vector<16xf32>
        %add3A_2056 = arith.addf %get3A_21, %mul3A_2055 : vector<16xf32>
        %add3A_2057 = arith.addf %get3A_2054, %add3A_2056 : vector<16xf32>
        %swap3A_2058 = arith.index_cast %select_n3A_159 : i32 to index
        %swap3A_2059 = arith.index_cast %add3A_2004 : i32 to index
        %swap3A_2060 = arith.constant 48 : index
        %swap3A_2061 = tpu.vector_load %arg9[%swap3A_2058, %swap3A_2059, %swap3A_2060] {strides = array<i32>} : memref<3x128x128xf32, #tpu.memory_space<vmem>>, vector<1x1x16xf32>,
        %swap3A_2062 = vector.shape_cast %swap3A_2061 : vector<1x1x16xf32> to vector<16xf32>
        %swap3A_2063 = vector.shape_cast %add3A_2057 : vector<16xf32> to vector<1x1x16xf32>
        tpu.vector_store %arg9[%swap3A_2058, %swap3A_2059, %swap3A_2060], %swap3A_2063 {strides = array<i32>} : memref<3x128x128xf32, #tpu.memory_space<vmem>>, vector<1x1x16xf32>,
        %get3A_2064 = arith.index_cast %select_n3A_159 : i32 to index
        %get3A_2065 = arith.index_cast %add3A_2004 : i32 to index
        %get3A_2066 = arith.constant 64 : index
        %get3A_2067 = tpu.vector_load %arg9[%get3A_2064, %get3A_2065, %get3A_2066] {strides = array<i32>} : memref<3x128x128xf32, #tpu.memory_space<vmem>>, vector<1x1x16xf32>,
        %get3A_2068 = vector.shape_cast %get3A_2067 : vector<1x1x16xf32> to vector<16xf32>
        %mul3A_2069 = arith.mulf %broadcast_in_dim3A_2007, %sub3A_70 : vector<16xf32>
        %add3A_2070 = arith.addf %get3A_26, %mul3A_2069 : vector<16xf32>
        %add3A_2071 = arith.addf %get3A_2068, %add3A_2070 : vector<16xf32>
        %swap3A_2072 = arith.index_cast %select_n3A_159 : i32 to index
        %swap3A_2073 = arith.index_cast %add3A_2004 : i32 to index
        %swap3A_2074 = arith.constant 64 : index
        %swap3A_2075 = tpu.vector_load %arg9[%swap3A_2072, %swap3A_2073, %swap3A_2074] {strides = array<i32>} : memref<3x128x128xf32, #tpu.memory_space<vmem>>, vector<1x1x16xf32>,
        %swap3A_2076 = vector.shape_cast %swap3A_2075 : vector<1x1x16xf32> to vector<16xf32>
        %swap3A_2077 = vector.shape_cast %add3A_2071 : vector<16xf32> to vector<1x1x16xf32>
        tpu.vector_store %arg9[%swap3A_2072, %swap3A_2073, %swap3A_2074], %swap3A_2077 {strides = array<i32>} : memref<3x128x128xf32, #tpu.memory_space<vmem>>, vector<1x1x16xf32>,
        %get3A_2078 = arith.index_cast %select_n3A_159 : i32 to index
        %get3A_2079 = arith.index_cast %add3A_2004 : i32 to index
        %get3A_2080 = arith.constant 80 : index
        %get3A_2081 = tpu.vector_load %arg9[%get3A_2078, %get3A_2079, %get3A_2080] {strides = array<i32>} : memref<3x128x128xf32, #tpu.memory_space<vmem>>, vector<1x1x16xf32>,
        %get3A_2082 = vector.shape_cast %get3A_2081 : vector<1x1x16xf32> to vector<16xf32>
        %mul3A_2083 = arith.mulf %broadcast_in_dim3A_2007, %sub3A_76 : vector<16xf32>
        %add3A_2084 = arith.addf %get3A_31, %mul3A_2083 : vector<16xf32>
        %add3A_2085 = arith.addf %get3A_2082, %add3A_2084 : vector<16xf32>
        %swap3A_2086 = arith.index_cast %select_n3A_159 : i32 to index
        %swap3A_2087 = arith.index_cast %add3A_2004 : i32 to index
        %swap3A_2088 = arith.constant 80 : index
        %swap3A_2089 = tpu.vector_load %arg9[%swap3A_2086, %swap3A_2087, %swap3A_2088] {strides = array<i32>} : memref<3x128x128xf32, #tpu.memory_space<vmem>>, vector<1x1x16xf32>,
        %swap3A_2090 = vector.shape_cast %swap3A_2089 : vector<1x1x16xf32> to vector<16xf32>
        %swap3A_2091 = vector.shape_cast %add3A_2085 : vector<16xf32> to vector<1x1x16xf32>
        tpu.vector_store %arg9[%swap3A_2086, %swap3A_2087, %swap3A_2088], %swap3A_2091 {strides = array<i32>} : memref<3x128x128xf32, #tpu.memory_space<vmem>>, vector<1x1x16xf32>,
        %get3A_2092 = arith.index_cast %select_n3A_159 : i32 to index
        %get3A_2093 = arith.index_cast %add3A_2004 : i32 to index
        %get3A_2094 = arith.constant 96 : index
        %get3A_2095 = tpu.vector_load %arg9[%get3A_2092, %get3A_2093, %get3A_2094] {strides = array<i32>} : memref<3x128x128xf32, #tpu.memory_space<vmem>>, vector<1x1x16xf32>,
        %get3A_2096 = vector.shape_cast %get3A_2095 : vector<1x1x16xf32> to vector<16xf32>
        %mul3A_2097 = arith.mulf %broadcast_in_dim3A_2007, %sub3A_82 : vector<16xf32>
        %add3A_2098 = arith.addf %get3A_36, %mul3A_2097 : vector<16xf32>
        %add3A_2099 = arith.addf %get3A_2096, %add3A_2098 : vector<16xf32>
        %swap3A_2100 = arith.index_cast %select_n3A_159 : i32 to index
        %swap3A_2101 = arith.index_cast %add3A_2004 : i32 to index
        %swap3A_2102 = arith.constant 96 : index
        %swap3A_2103 = tpu.vector_load %arg9[%swap3A_2100, %swap3A_2101, %swap3A_2102] {strides = array<i32>} : memref<3x128x128xf32, #tpu.memory_space<vmem>>, vector<1x1x16xf32>,
        %swap3A_2104 = vector.shape_cast %swap3A_2103 : vector<1x1x16xf32> to vector<16xf32>
        %swap3A_2105 = vector.shape_cast %add3A_2099 : vector<16xf32> to vector<1x1x16xf32>
        tpu.vector_store %arg9[%swap3A_2100, %swap3A_2101, %swap3A_2102], %swap3A_2105 {strides = array<i32>} : memref<3x128x128xf32, #tpu.memory_space<vmem>>, vector<1x1x16xf32>,
        %get3A_2106 = arith.index_cast %select_n3A_159 : i32 to index
        %get3A_2107 = arith.index_cast %add3A_2004 : i32 to index
        %get3A_2108 = arith.constant 112 : index
        %get3A_2109 = tpu.vector_load %arg9[%get3A_2106, %get3A_2107, %get3A_2108] {strides = array<i32>} : memref<3x128x128xf32, #tpu.memory_space<vmem>>, vector<1x1x16xf32>,
        %get3A_2110 = vector.shape_cast %get3A_2109 : vector<1x1x16xf32> to vector<16xf32>
        %mul3A_2111 = arith.mulf %broadcast_in_dim3A_2007, %sub3A_88 : vector<16xf32>
        %add3A_2112 = arith.addf %get3A_41, %mul3A_2111 : vector<16xf32>
        %add3A_2113 = arith.addf %get3A_2110, %add3A_2112 : vector<16xf32>
        %swap3A_2114 = arith.index_cast %select_n3A_159 : i32 to index
        %swap3A_2115 = arith.index_cast %add3A_2004 : i32 to index
        %swap3A_2116 = arith.constant 112 : index
        %swap3A_2117 = tpu.vector_load %arg9[%swap3A_2114, %swap3A_2115, %swap3A_2116] {strides = array<i32>} : memref<3x128x128xf32, #tpu.memory_space<vmem>>, vector<1x1x16xf32>,
        %swap3A_2118 = vector.shape_cast %swap3A_2117 : vector<1x1x16xf32> to vector<16xf32>
        %swap3A_2119 = vector.shape_cast %add3A_2113 : vector<16xf32> to vector<1x1x16xf32>
        tpu.vector_store %arg9[%swap3A_2114, %swap3A_2115, %swap3A_2116], %swap3A_2119 {strides = array<i32>} : memref<3x128x128xf32, #tpu.memory_space<vmem>>, vector<1x1x16xf32>,
      }
      %scan3A_199 = arith.constant 8 : i32
      %dma_start3A_200 = arith.constant 0 : i32
      %dma_start3A_201 = arith.constant 0 : i32
      %dma_start3A_202 = tpu.memref_slice %arg9[%select_n3A_159, %dma_start3A_200, %dma_start3A_201] : memref<3x128x128xf32, #tpu.memory_space<vmem>> -> memref<1x128x128xf32, #tpu.memory_space<vmem>>
      %dma_start3A_203 = tpu.memref_squeeze %dma_start3A_202 : memref<1x128x128xf32, #tpu.memory_space<vmem>> -> memref<128x128xf32, #tpu.memory_space<vmem>>
      %dma_start3A_204 = arith.constant 0 : i32
      %dma_start3A_205 = tpu.memref_slice %arg6[%add3A_180, %dma_start3A_204] : memref<204800x128xf32, #tpu.memory_space<hbm>> -> memref<128x128xf32, #tpu.memory_space<hbm>>
      %dma_start3A_206 = arith.constant 0 : i32
      %dma_start3A_207 = tpu.memref_slice %arg6[%add3A_180, %dma_start3A_206] : memref<204800x128xf32, #tpu.memory_space<hbm>> -> memref<128x128xf32, #tpu.memory_space<hbm>>
      %dma_start3A_208 = arith.constant 0 : i32
      %dma_start3A_209 = arith.constant 0 : i32
      %dma_start3A_210 = tpu.memref_slice %arg9[%select_n3A_159, %dma_start3A_208, %dma_start3A_209] : memref<3x128x128xf32, #tpu.memory_space<vmem>> -> memref<1x128x128xf32, #tpu.memory_space<vmem>>
      %dma_start3A_211 = tpu.memref_squeeze %dma_start3A_210 : memref<1x128x128xf32, #tpu.memory_space<vmem>> -> memref<128x128xf32, #tpu.memory_space<vmem>>
      tpu.enqueue_dma source(%dma_start3A_211 : memref<128x128xf32, #tpu.memory_space<vmem>>) target(%dma_start3A_207 : memref<128x128xf32, #tpu.memory_space<hbm>>) target_semaphore(%arg12 : memref<!tpu.dma_semaphore, #tpu.memory_space<semaphore_mem>>)
    }
    %scan3A_105 = arith.constant 50 : i32
    %add3A_106 = arith.constant 6016 : i32
    %add3A_107 = arith.addi %mul3A_2, %add3A_106 : i32
    %dma_wait3A = arith.constant 2 : i32
    %dma_wait3A_108 = arith.constant 0 : i32
    %dma_wait3A_109 = arith.constant 0 : i32
    %dma_wait3A_110 = tpu.memref_slice %arg9[%dma_wait3A, %dma_wait3A_108, %dma_wait3A_109] : memref<3x128x128xf32, #tpu.memory_space<vmem>> -> memref<1x128x128xf32, #tpu.memory_space<vmem>>
    %dma_wait3A_111 = tpu.memref_squeeze %dma_wait3A_110 : memref<1x128x128xf32, #tpu.memory_space<vmem>> -> memref<128x128xf32, #tpu.memory_space<vmem>>
    %dma_wait3A_112 = arith.constant 0 : i32
    %dma_wait3A_113 = tpu.memref_slice %arg6[%add3A_107, %dma_wait3A_112] : memref<204800x128xf32, #tpu.memory_space<hbm>> -> memref<128x128xf32, #tpu.memory_space<hbm>>
    %dma_wait3A_114 = arith.constant 0 : i32
    %dma_wait3A_115 = tpu.memref_slice %arg6[%add3A_107, %dma_wait3A_114] : memref<204800x128xf32, #tpu.memory_space<hbm>> -> memref<128x128xf32, #tpu.memory_space<hbm>>
    %dma_wait3A_116 = arith.constant 0 : i32
    %dma_wait3A_117 = arith.constant 0 : i32
    %dma_wait3A_118 = tpu.memref_slice %arg9[%dma_wait3A, %dma_wait3A_116, %dma_wait3A_117] : memref<3x128x128xf32, #tpu.memory_space<vmem>> -> memref<1x128x128xf32, #tpu.memory_space<vmem>>
    %dma_wait3A_119 = tpu.memref_squeeze %dma_wait3A_118 : memref<1x128x128xf32, #tpu.memory_space<vmem>> -> memref<128x128xf32, #tpu.memory_space<vmem>>
    tpu.wait_dma2 semaphore(%arg12 : memref<!tpu.dma_semaphore, #tpu.memory_space<semaphore_mem>>) src(%dma_wait3A_119 : memref<128x128xf32, #tpu.memory_space<vmem>>) dst(%dma_wait3A_115 : memref<128x128xf32, #tpu.memory_space<hbm>>)
    %add3A_120 = arith.constant 6144 : i32
    %add3A_121 = arith.addi %mul3A_2, %add3A_120 : i32
    %dma_wait3A_122 = arith.constant 0 : i32
    %dma_wait3A_123 = arith.constant 0 : i32
    %dma_wait3A_124 = arith.constant 0 : i32
    %dma_wait3A_125 = tpu.memref_slice %arg9[%dma_wait3A_122, %dma_wait3A_123, %dma_wait3A_124] : memref<3x128x128xf32, #tpu.memory_space<vmem>> -> memref<1x128x128xf32, #tpu.memory_space<vmem>>
    %dma_wait3A_126 = tpu.memref_squeeze %dma_wait3A_125 : memref<1x128x128xf32, #tpu.memory_space<vmem>> -> memref<128x128xf32, #tpu.memory_space<vmem>>
    %dma_wait3A_127 = arith.constant 0 : i32
    %dma_wait3A_128 = tpu.memref_slice %arg6[%add3A_121, %dma_wait3A_127] : memref<204800x128xf32, #tpu.memory_space<hbm>> -> memref<128x128xf32, #tpu.memory_space<hbm>>
    %dma_wait3A_129 = arith.constant 0 : i32
    %dma_wait3A_130 = tpu.memref_slice %arg6[%add3A_121, %dma_wait3A_129] : memref<204800x128xf32, #tpu.memory_space<hbm>> -> memref<128x128xf32, #tpu.memory_space<hbm>>
    %dma_wait3A_131 = arith.constant 0 : i32
    %dma_wait3A_132 = arith.constant 0 : i32
    %dma_wait3A_133 = tpu.memref_slice %arg9[%dma_wait3A_122, %dma_wait3A_131, %dma_wait3A_132] : memref<3x128x128xf32, #tpu.memory_space<vmem>> -> memref<1x128x128xf32, #tpu.memory_space<vmem>>
    %dma_wait3A_134 = tpu.memref_squeeze %dma_wait3A_133 : memref<1x128x128xf32, #tpu.memory_space<vmem>> -> memref<128x128xf32, #tpu.memory_space<vmem>>
    tpu.wait_dma2 semaphore(%arg12 : memref<!tpu.dma_semaphore, #tpu.memory_space<semaphore_mem>>) src(%dma_wait3A_134 : memref<128x128xf32, #tpu.memory_space<vmem>>) dst(%dma_wait3A_130 : memref<128x128xf32, #tpu.memory_space<hbm>>)
    %add3A_135 = arith.constant 6272 : i32
    %add3A_136 = arith.addi %mul3A_2, %add3A_135 : i32
    %dma_wait3A_137 = arith.constant 1 : i32
    %dma_wait3A_138 = arith.constant 0 : i32
    %dma_wait3A_139 = arith.constant 0 : i32
    %dma_wait3A_140 = tpu.memref_slice %arg9[%dma_wait3A_137, %dma_wait3A_138, %dma_wait3A_139] : memref<3x128x128xf32, #tpu.memory_space<vmem>> -> memref<1x128x128xf32, #tpu.memory_space<vmem>>
    %dma_wait3A_141 = tpu.memref_squeeze %dma_wait3A_140 : memref<1x128x128xf32, #tpu.memory_space<vmem>> -> memref<128x128xf32, #tpu.memory_space<vmem>>
    %dma_wait3A_142 = arith.constant 0 : i32
    %dma_wait3A_143 = tpu.memref_slice %arg6[%add3A_136, %dma_wait3A_142] : memref<204800x128xf32, #tpu.memory_space<hbm>> -> memref<128x128xf32, #tpu.memory_space<hbm>>
    %dma_wait3A_144 = arith.constant 0 : i32
    %dma_wait3A_145 = tpu.memref_slice %arg6[%add3A_136, %dma_wait3A_144] : memref<204800x128xf32, #tpu.memory_space<hbm>> -> memref<128x128xf32, #tpu.memory_space<hbm>>
    %dma_wait3A_146 = arith.constant 0 : i32
    %dma_wait3A_147 = arith.constant 0 : i32
    %dma_wait3A_148 = tpu.memref_slice %arg9[%dma_wait3A_137, %dma_wait3A_146, %dma_wait3A_147] : memref<3x128x128xf32, #tpu.memory_space<vmem>> -> memref<1x128x128xf32, #tpu.memory_space<vmem>>
    %dma_wait3A_149 = tpu.memref_squeeze %dma_wait3A_148 : memref<1x128x128xf32, #tpu.memory_space<vmem>> -> memref<128x128xf32, #tpu.memory_space<vmem>>
    tpu.wait_dma2 semaphore(%arg12 : memref<!tpu.dma_semaphore, #tpu.memory_space<semaphore_mem>>) src(%dma_wait3A_149 : memref<128x128xf32, #tpu.memory_space<vmem>>) dst(%dma_wait3A_145 : memref<128x128xf32, #tpu.memory_space<hbm>>)
    return
  }
}

</mosaic_0001>

<sc_bundles>
// kernel: kernel.3.cloned.1.call-start
scs
__scs_entry_jumppad:
0x0: {  	(pc) =	sbr.rel $0x88, $3  }
0x1: {  	(tag) =	ssettag $0x0;
	lr =	simm.s32 $0x1  }
0x2: {  	[smem:$0x3F9D] =	sst lr;
	_ =	strace $0xD0000000  }
0x3: {  	_ = 	snop  }
0x4: {  	_ = 	snop  }
0x5: {  	_ = 	snop  }
0x6: {  	_ = 	snop  }
0x7: {  	_ = 	snop  }
__scs_overlays_trampoline_lowered:
0x8: {  	[smem:$0x3FAC] =	sst s0  }
0x9: {  	[smem:$0x3FAD] =	sst s1  }
0xa: {  	[smem:$0x3FAE] =	sst s2  }
0xb: {  	[smem:$0x3FAF] =	sst s3  }
0xc: {  	[smem:$0x3FB0] =	sst s4  }
0xd: {  	[smem:$0x3FB1] =	sst s5  }
0xe: {  	[smem:$0x3FB2] =	sst s6  }
0xf: {  	[smem:$0x3FB3] =	sst s7  }
0x10: {  	[smem:$0x3FB4] =	sst s8  }
0x11: {  	[smem:$0x3FB5] =	sst s9;
	s0 =	simm.s32 @!p0 $0x0  }
0x12: {  	s1 =	sld [smem:$0x3F9B];
	s0 =	simm.s32 @p0 $0x1  }
0x13: {  	[smem:$0x3FB6] =	sst s0;
	s0 =	simm.s32 @!p1 $0x0  }
0x14: {  	s2 =	sld [smem:$0x3F9A];
	s0 =	simm.s32 @p1 $0x1  }
0x15: {  	[smem:$0x3FB7] =	sst s0;
	s0 =	simm.s32 @!p2 $0x0  }
0x16: {  	s3 =	sld [smem:$0x3FDB];
	s0 =	simm.s32 @p2 $0x1  }
0x17: {  	s4 =	simm.s32 $0x1BF5;
	[smem:$0x3FB9] =	sst s0  }
0x18: {  	s0 =	sld [smem:$0x3F9C];
	_ =	swait.ge [sflag:s4], $0x0  }
0x19: {  	s7 =	sld [smem:$0x3F9D]  }
0x1a: {  	s8 =	sadd.s32 $0xFFFFE003, lr  }
0x1b: {  	s9 =	sadd.s32 $0xFFFFFEF7, lr;
	s5 =	simm.s32 $0xFFFFFFFF;
	p2 =	slt.u32 s8, $0xFFFFF086  }
0x1c: {  	p1 =	slt.u32 s9, $0xF7A;
	s5 =	simm.s32 @!p2 $0x0  }
0x1d: {  	s5 =	simm.s32 @p1 $0x1;
	p0 =	seq.s32 s7, s2  }
0x1e: {  	s7 =	smul.u32 @!p0 $0xF7A, s2;
	p2 =	seq.s32 @!p0 s5, $0x0  }
0x1f: {  	s9 =	smul.u32 $0xF7A, s1;
	s8 =	simm.s32 @!p0 $0x1BF5;
	p2 =	por !p2, p0  }
0x20: {  	[sflag:s8] =	ssyncset.s32 @!p0 $0xFFFFF086;
	s6 =	sadd.s32 @!p0 s3, s7;
	s7 =	simm.s32 @!p0 $0x108  }
0x21: {  	s3 =	sadd.s32 s3, s9;
	s6 =	sadd.s32 @!p0 $0x88, s6;
	s7 =	simm.s32 @p2 $0x1082  }
0x22: {  	[simem:s7], [sflag:s8] =	dma.local @!p0 [hbm:s6], $0xF7A  }
0x23: {  	s9 =	sor.u32 $0xD0000000, s2;
	s6 =	simm.s32 $0x108;
	_ =	swait.ge @!p0 [sflag:s8], $0x0  }
0x24: {  	s3 =	sadd.s32 $0x88, s3;
	s6 =	simm.s32 @!p1 $0x1082;
	[sflag:s4] =	ssyncset.s32 $0xFFFFF086  }
0x25: {  	[simem:s6], [sflag:s4] =	dma.local [hbm:s3], $0xF7A  }
0x26: {  	[smem:$0x3F9D] =	sst s1;
	(tag) =	ssettag s2;
	_ =	strace s9  }
0x27: {  	s1 =	sld [smem:$0x3FAD]  }
0x28: {  	s2 =	sld [smem:$0x3FAE]  }
0x29: {  	s4 =	sld [smem:$0x3FB0]  }
0x2a: {  	p0 =	seq.s32 s5, $0x0;
	s5 =	sld [smem:$0x3FB1]  }
0x2b: {  	s6 =	sld [smem:$0x3FB2]  }
0x2c: {  	s7 =	sld [smem:$0x3FB3]  }
0x2d: {  	s3 =	simm.s32 $0x108;
	s8 =	sld [smem:$0x3FB4]  }
0x2e: {  	s3 =	simm.s32 @!p0 $0x1082;
	s9 =	sld [smem:$0x3FB5]  }
0x2f: {  	lr =	sadd.s32 s0, s3;
	s0 =	sld [smem:$0x3FAC]  }
0x30: {  	s3 =	sld [smem:$0x3FAF]  }
0x31: {  	[smem:$0x3FB8] =	sst s10  }
0x32: {  	s10 =	sld [smem:$0x3FB6];
	_ =	sdelay $0x3  }
0x33: {  	p0 =	seq.s32 s10, $0x1;
	s10 =	sld [smem:$0x3FB8];
	_ =	sdelay $0x3  }
0x34: {  	[smem:$0x3FB8] =	sst s10  }
0x35: {  	s10 =	sld [smem:$0x3FB7];
	_ =	sdelay $0x3  }
0x36: {  	p1 =	seq.s32 s10, $0x1;
	s10 =	sld [smem:$0x3FB8];
	_ =	sdelay $0x3  }
0x37: {  	[smem:$0x3FB8] =	sst s10  }
0x38: {  	s10 =	sld [smem:$0x3FB9]  }
0x39: {  	_ = 	snop;
	(pc) =	sbr.ind lr, $3  }
0x3a: {  	_ = 	snop  }
0x3b: {  	_ = 	snop  }
0x3c: {  	p2 =	seq.s32 s10, $0x1;
	s10 =	sld [smem:$0x3FB8]  }
0x3d: {  	_ =	shalt  }
0x3e: {  	_ =	shalt  }
0x3f: {  	_ =	shalt  }
0x40: {  	_ =	shalt  }
0x41: {  	_ =	shalt  }
0x42: {  	_ =	shalt  }
0x43: {  	_ =	shalt  }
0x44: {  	_ =	shalt  }
0x45: {  	_ =	shalt  }
0x46: {  	_ =	shalt  }
0x47: {  	_ =	shalt  }
0x48: {  	_ =	shalt  }
0x49: {  	_ =	shalt  }
0x4a: {  	_ =	shalt  }
0x4b: {  	_ =	shalt  }
0x4c: {  	_ =	shalt  }
0x4d: {  	_ =	shalt  }
0x4e: {  	_ =	shalt  }
0x4f: {  	_ =	shalt  }
0x50: {  	_ =	shalt  }
0x51: {  	_ =	shalt  }
0x52: {  	_ =	shalt  }
0x53: {  	_ =	shalt  }
0x54: {  	_ =	shalt  }
0x55: {  	_ =	shalt  }
0x56: {  	_ =	shalt  }
0x57: {  	_ =	shalt  }
0x58: {  	_ =	shalt  }
0x59: {  	_ =	shalt  }
0x5a: {  	_ =	shalt  }
0x5b: {  	_ =	shalt  }
0x5c: {  	_ =	shalt  }
0x5d: {  	_ =	shalt  }
0x5e: {  	_ =	shalt  }
0x5f: {  	_ =	shalt  }
0x60: {  	_ =	shalt  }
0x61: {  	_ =	shalt  }
0x62: {  	_ =	shalt  }
0x63: {  	_ =	shalt  }
0x64: {  	_ =	shalt  }
0x65: {  	_ =	shalt  }
0x66: {  	_ =	shalt  }
0x67: {  	_ =	shalt  }
0x68: {  	_ =	shalt  }
0x69: {  	_ =	shalt  }
0x6a: {  	_ =	shalt  }
0x6b: {  	_ =	shalt  }
0x6c: {  	_ =	shalt  }
0x6d: {  	_ =	shalt  }
0x6e: {  	_ =	shalt  }
0x6f: {  	_ =	shalt  }
0x70: {  	_ =	shalt  }
0x71: {  	_ =	shalt  }
0x72: {  	_ =	shalt  }
0x73: {  	_ =	shalt  }
0x74: {  	_ =	shalt  }
0x75: {  	_ =	shalt  }
0x76: {  	_ =	shalt  }
0x77: {  	_ =	shalt  }
0x78: {  	_ =	shalt  }
0x79: {  	_ =	shalt  }
0x7a: {  	_ =	shalt  }
0x7b: {  	_ =	shalt  }
0x7c: {  	_ =	shalt  }
0x7d: {  	_ =	shalt  }
0x7e: {  	_ =	shalt  }
0x7f: {  	_ =	shalt  }
0x80: {  	_ =	shalt  }
0x81: {  	_ =	shalt  }
0x82: {  	_ =	shalt  }
0x83: {  	_ =	shalt  }
0x84: {  	_ =	shalt  }
0x85: {  	_ =	shalt  }
0x86: {  	_ =	shalt  }
0x87: {  	_ =	shalt  }
.Lfunc_end0:
.L_simem_size_0:
called_computation.1_lowered:
.L_overlay_start_0:
0x88: {  	s2 =	sld [smem:$0x3FD9]  }
0x89: {  	s3 =	sld [smem:$0x3FFE];
	_ =	sdelay $0x1  }
0x8a: {  	s1 =	srdreg.scid  }
0x8b: {  	s0 =	sand.u32 $0x1, s1  }
0x8c: {  	s17 =	sshll.u32 s0, $0xA;
	s2 =	sadd.s32 s3, s2  }
0x8d: {  	s2 =	sadd.s32 s2, s17  }
0x8e: {  	[smem:$0x3FC4] =	sst s2  }
0x8f: {  	_ = 	snop  }
0x90: {  	s2 =	sld [smem:$0x3FC7]  }
0x91: {  	s18 =	sld [smem:$0x3FC6]  }
0x92: {  	s4 =	sld [smem:$0x3FD0];
	(tm) =	ssettm $0x1  }
0x93: {  	s5 =	sld [smem:$0x3FFB];
	_ =	sdelay $0x3  }
0x94: {  	_ =	strace s5  }
0x95: {  	s5 =	sld [smem:$0x3FFC];
	_ =	sdelay $0x3  }
0x96: {  	_ =	strace s5  }
0x97: {  	s5 =	sld [smem:$0x3FFD];
	_ =	sdelay $0x3  }
0x98: {  	_ =	strace s5  }
0x99: {  	_ =	strace $0x8FFFFFFF  }
0x9a: {  	s19 =	sld [smem:$0x3FDB];
	_ =	sdelay $0x1  }
0x9b: {  	s6 =	simm.s32 $_scs_section_size  }
0x9c: {  	s7 =	simm.s32 $_size__tile_overlayer_lowered;
	s8 =	simm.s32 $_tile_overlayer_lowered  }
0x9d: {  	s22 =	simm.s32 $0x1BFF;
	s21 =	sshll.u32 s8, $0x1;
	s5 =	sadd.s32 s6, s19  }
0x9e: {  	s9 =	simm.s32 $0x0;
	s20 =	sshll.u32 s7, $0x1;
	s7 =	sadd.s32 s21, s5  }
0x9f: {  	[timem:s9], [sflag:s22] =	dma.local [hbm:s7], s20  }
0xa0: {  	_ =	swait.ge [sflag:s22], s20  }
0xa1: {  	s6 =	ssub.s32 $0x0, s20;
	[sflag:s22] =	ssyncset.done $0x0  }
0xa2: {  	[sflag:s22] =	ssyncadd.s32 s6;
	_ =	sdelay $0x1  }
0xa3: {  	s23 =	simm.s32 $0x1B8B  }
0xa4: {  	_ =	swait.ge [sflag:s23], $0x1  }
0xa5: {  	[sflag:s23] =	ssyncset.done $0x0  }
0xa6: {  	s25 =	simm.s32 $0x1B8E;
	s24 =	sld [smem:$0x3FFE];
	[sflag:s23] =	ssyncadd.s32 $0xFFFFFFFF  }
0xa7: {  	s26 =	simm.s32 $execute0_lowered;
	[smem:$0x3FD2] =	sst s25  }
0xa8: {  	s7 =	sshll.u32 s26, $0x1;
	_ =	strace $0x80000046;
	[dreg:$0x1] =	wrdreg $0xFFFFFFFF  }
0xa9: {  	s28 =	simm.s32 $_size_execute0_lowered;
	s5 =	sadd.s32 s5, s7;
	[dreg:$0x0] =	wrdreg $0x0  }
0xaa: {  	s7 =	sshll.u32 s28, $0x1;
	[dreg:$0x2] =	wrdreg s5  }
0xab: {  	[dreg:$0x3] =	wrdreg s7  }
0xac: {  	[dreg:$0x4] =	wrdreg $0xC0  }
0xad: {  	_ =	task [dreg:s9], $0x5FFFF  }
0xae: {  	[dreg:$0x1] =	wrdreg $0xFFFFFFFF  }
0xaf: {  	[dreg:$0x0] =	wrdreg $0x60  }
0xb0: {  	[dreg:$0x2] =	wrdreg s24  }
0xb1: {  	[dreg:$0x3] =	wrdreg s2  }
0xb2: {  	[dreg:$0x4] =	wrdreg s18  }
0xb3: {  	[dreg:$0x5] =	wrdreg s4  }
0xb4: {  	[dreg:$0x6] =	wrdreg $0x9  }
0xb5: {  	_ =	task.clear_ibuf [dreg:s9], $0x7FFFF;
	_ =	strace $0x90000046  }
0xb6: {  	s29 =	simm.s32 $0x9;
	_ =	strace $0x80000048  }
0xb7: {  	_ =	swait.ge [sflag:s29], $0x1  }
0xb8: {  	[sflag:s29] =	ssyncadd.s32 $0xFFFFFFFF  }
0xb9: {  	_ =	strace $0x90000048  }
0xba: {  	_ =	sfence  }
0xbb: {  	s30 =	sld [smem:$0x0];
	_ =	sdelay $0x2  }
0xbc: {  	s31 =	sshll.u32 s1, $0xD;
	s1 =	sshrl.u32 s1, $0x2  }
0xbd: {  	s3 =	sand.u32 $0x4000, s31;
	s1 =	sadd.s32 s1, s30  }
0xbe: {  	s0 =	sor.u32 s3, s0;
	s1 =	sshll.u32 s1, $0x11  }
0xbf: {  	s0 =	sor.u32 s1, s0  }
0xc0: {  	s0 =	sadd.s32 $0x8F2B, s0  }
0xc1: {  	[sflag:s0] =	ssyncadd.remote.s32 $0x1  }
0xc2: {  	_ =	sfence.sel $0xFFFF  }
0xc3: {  	[dreg:$0x0] =	wrdreg $0xFFFFFFFF;
	(pc) =	sbr.abs _section_cstart, $3  }
0xc4: {  	[dreg:$0x1] =	wrdreg $0xFFFFFFFF  }
0xc5: {  	_ =	task.clear_ibuf [dreg:s9], $0x2FFFF;
	_ =	strace $0x9FFFFFFF  }
0xc6: {  	(tm) =	ssettm $0x7FFFFFFF  }
0xc7: {  	_ =	shalt  }
tec
execute0_lowered:
.L_overlay_start_1:
0x0: {  	(tag) =	ssettag $0x1  }
0x1: {  	s8 =	rddreg [dreg:$0x0]  }
0x2: {  	s1 =	rddreg [dreg:$0x1]  }
0x3: {  	s3 =	rddreg [dreg:$0x2];
	s2 =	srdreg.scid  }
0x4: {  	s0 =	stileid.u32;
	s4 =	rddreg [dreg:$0x3];
	s5 =	simm.s32 $0x0  }
0x5: {  	s13 =	simm.s32 $0x3;
	s14 =	simm.s32 $0x200;
	s15 =	simm.s32 $0x80  }
0x6: {  	s16 =	simm.s32 $0x400;
	s9 =	sand.u32 $0x1, s2;
	s6 =	sshll.u32 s0, $0x1  }
0x7: {  	s17 =	simm.s32 $0x1;
	s18 =	simm.s32 $0x2;
	s6 =	sor.u32 s9, s6  }
0x8: {  	s19 =	simm.s32 $0x0;
	s2 =	rddreg [dreg:$0x4];
	s6 =	smul.u32 $0x1900, s6  }
0x9: {  	[smem:$0x7FF] =	sst s5;
	s7 =	sadd.s32 $0x800, s8;
	s9 =	ssub.s32 $0x2, s9  }
0xa: {  	s8 =	sadd.s32 $0x6C00, s8;
	s10 =	sshrl.u32 s9, $0x1;
	s11 =	sshrl.u32 s6, $0x3  }
0xb: {  	_ =	strace $0x80000047;
	s12 =	ssub.s32 s9, s10;
	s9 =	sadd.s32 s7, s11  }
0xc: {  	s10 =	sadd.s32 s8, s11;
	s11 =	smax.u32 s12, $0x1;
	s12 =	simm.s32 $0xC400  }
.LBB2_1:
0xd: {  	[tilespmem:s12], [sflag:$0x3] =	stream.linear.gather [hbm4b:s3+s5], $0x100, $0x38;
	[tilespmem:$0xC500] =	vst v63  }
0xe: {  	_ =	swait.ge [sflag:s13], $0x100  }
0xf: {  	[sflag:s13] =	ssyncset.done $0x0  }
0x10: {  	[sflag:s13] =	ssyncadd.s32 $0xFFFFFF00  }
0x11: {  	v0 =	vld [tilespmem:$0xC400]  }
0x12: {  	v1 =	vld [tilespmem:$0xC410]  }
0x13: {  	v2 =	vld [tilespmem:$0xC420]  }
0x14: {  	v3 =	vld [tilespmem:$0xC430]  }
0x15: {  	v4 =	vld [tilespmem:$0xC440]  }
0x16: {  	v5 =	vld [tilespmem:$0xC450]  }
0x17: {  	v6 =	vld [tilespmem:$0xC460]  }
0x18: {  	v7 =	vld [tilespmem:$0xC470]  }
0x19: {  	v8 =	vld [tilespmem:$0xC480]  }
0x1a: {  	v9 =	vld [tilespmem:$0xC490]  }
0x1b: {  	v10 =	vld [tilespmem:$0xC4A0]  }
0x1c: {  	v11 =	vld [tilespmem:$0xC4B0]  }
0x1d: {  	v12 =	vld [tilespmem:$0xC4C0]  }
0x1e: {  	v13 =	vld [tilespmem:$0xC4D0]  }
0x1f: {  	v14 =	vld [tilespmem:$0xC4E0]  }
0x20: {  	v15 =	vld [tilespmem:$0xC4F0];
	[tilespmem:s5], [sflag:$0x3] =	stream.linear.gather [hbm4b:s9+s5], $0x80, $0x38  }
0x21: {  	_ =	swait.ge [sflag:s13], $0x80  }
0x22: {  	[sflag:s13] =	ssyncset.done $0x0  }
0x23: {  	[sflag:s13] =	ssyncadd.s32 $0xFFFFFF80  }
0x24: {  	[tilespmem:s14], [sflag:$0x3] =	stream.linear.gather [hbm4b:s10+s5], $0x80, $0x38;
	[tilespmem:$0xC500] =	vst v63  }
0x25: {  	_ =	swait.ge [sflag:s13], $0x80;
	v8 =	vsub.f32 v8, v0;
	v9 =	vsub.f32 v9, v1  }
0x26: {  	v10 =	vsub.f32 v10, v2;
	v11 =	vsub.f32 v11, v3;
	[sflag:s13] =	ssyncset.done $0x0  }
0x27: {  	s20 =	simm.s32 $0x0;
	v12 =	vsub.f32 v12, v4;
	v13 =	vsub.f32 v13, v5;
	[sflag:s13] =	ssyncadd.s32 $0xFFFFFF80  }
0x28: {  	v14 =	vsub.f32 v14, v6;
	v15 =	vsub.f32 v15, v7;
	[tilespmem:s16], [sflag:$0x1] =	stream.indirect.gather [hbm4b:s1+s15], $0x80, s5, s15, $0xb8;
	[tilespmem:$0xC500] =	vst v63  }
.LBB2_2:
0x29: {  	s23 =	smul.u32 $0xAB, s20;
	_ =	sdelay $0x1  }
0x2a: {  	s22 =	smov.u32 s20;
	s20 =	sadd.s32 $0xAB, s23  }
0x2b: {  	s20 =	sshrl.u32 s20, $0x9  }
0x2c: {  	s20 =	sand.u32 $0x7F, s20  }
0x2d: {  	s21 =	sshll.u32 s22, $0x7;
	s24 =	smul.u32 $0x3, s20  }
0x2e: {  	p0 =	seq.s32 s22, $0x31;
	s21 =	sadd.s32 s6, s21;
	s20 =	sadd.s32 $0x1, s22  }
0x2f: {  	s25 =	sshrl.u32 @!p0 s21, $0x3;
	s24 =	ssub.s32 s20, s24  }
0x30: {  	s25 =	sadd.s32 @!p0 $0x10, s25;
	s24 =	sand.u32 $0xFF, s24  }
0x31: {  	s29 =	simm.s32 @!p0 $0x0;
	s28 =	sadd.s32 @!p0 s7, s25;
	s26 =	sshll.u32 @!p0 s24, $0x7  }
0x32: {  	[tilespmem:s26], [sflag:$0x3] =	stream.linear.gather @!p0 [hbm4b:s28+s29], $0x80, $0x38;
	[tilespmem:$0xC500] =	vst v63  }
0x33: {  	s28 =	simm.s32 @!p0 $0x3  }
0x34: {  	s23 =	sshrl.u32 s23, $0x9;
	_ =	swait.ge @!p0 [sflag:s28], $0x80  }
0x35: {  	s23 =	sand.u32 $0x7F, s23;
	[sflag:s28] =	ssyncset.done @!p0 $0x0  }
0x36: {  	s25 =	sadd.s32 @!p0 s8, s25;
	s30 =	sadd.s32 @!p0 $0x200, s26;
	[sflag:s28] =	ssyncadd.s32 @!p0 $0xFFFFFF80  }
0x37: {  	[tilespmem:s30], [sflag:$0x3] =	stream.linear.gather @!p0 [hbm4b:s25+s29], $0x80, $0x38;
	[tilespmem:$0xC500] =	vst v63  }
0x38: {  	p1 =	slt.u32 @!p0 s22, $0x2;
	s23 =	smul.u32 $0x3, s23;
	_ =	swait.ge @!p0 [sflag:s28], $0x80  }
0x39: {  	p1 =	por p1, p0;
	[sflag:s28] =	ssyncset.done @!p0 $0x0  }
0x3a: {  	s22 =	ssub.s32 s22, s23;
	s25 =	simm.s32 @!p1 $0x2;
	[sflag:s28] =	ssyncadd.s32 @!p0 $0xFFFFFF80  }
0x3b: {  	s22 =	sand.u32 $0xFF, s22;
	s23 =	sshll.u32 @!p0 s24, $0xE;
	_ =	swait.ge @!p1 [sflag:s25], $0x4000  }
0x3c: {  	s24 =	simm.s32 @!p0 $0x80;
	s30 =	sshll.u32 s22, $0x7;
	[sflag:s25] =	ssyncset.done @!p1 $0x0  }
0x3d: {  	s23 =	sor.u32 @!p0 $0x400, s23;
	s31 =	sadd.s32 $0x200, s30;
	[sflag:s25] =	ssyncadd.s32 @!p1 $0xFFFFC000  }
0x3e: {  	[tilespmem:s23], [sflag:$0x1] =	stream.indirect.gather @!p0 [hbm4b:s1+s24], $0x80, s26, s24, $0xb8;
	[tilespmem:$0xC500] =	vst v63  }
0x3f: {  	s22 =	sshll.u32 s22, $0xE;
	v16 =	vmov s31;
	_ =	swait.ge [sflag:s17], $0x4000  }
0x40: {  	s22 =	sor.u32 $0x400, s22;
	[sflag:s17] =	ssyncset.done $0x0  }
0x41: {  	v17 =	vmov s22;
	s23 =	simm.s32 $0x0;
	[sflag:s17] =	ssyncadd.s32 $0xFFFFC000  }
.LBB2_3:
0x42: {  	s24 =	sshll.u32 s23, $0x4  }
0x43: {  	s24 =	sand.u32 $0x3FFFFFF0, s24  }
0x44: {  	v18 =	vld.idx.msk [tilespmem:v16+s24+$0x0 ss:$0x1], $0xffff;
	_ =	sdelay $0x4  }
0x45: {  	v18 =	vcvt.s32.f32 v18  }
0x46: {  	s31 =	sshll.u32 s23, $0xD  }
0x47: {  	s24 =	sshra.s32 s31, $0x2;
	v19 =	vbroadcast v18, $0x0  }
0x48: {  	v20 =	vld.idx.msk [tilespmem:v17+s24+$0x0 ss:$0x1], $0xffff  }
0x49: {  	v21 =	vmul.f32 v19, v8;
	_ =	sdelay $0x1  }
0x4a: {  	v21 =	vadd.f32 v21, v0;
	_ =	sdelay $0x1  }
0x4b: {  	v20 =	vadd.f32 v21, v20;
	_ =	sdelay $0x1  }
0x4c: {  	[tilespmem:v17+s24+$0x0 ss:$0x1] =	vst.idx.msk $0xffff, v20  }
0x4d: {  	v20 =	vld.idx.msk [tilespmem:v17+s24+$0x10 ss:$0x1], $0xffff  }
0x4e: {  	v59 =	vmul.f32 v19, v9;
	_ =	sdelay $0x1  }
0x4f: {  	v21 =	vadd.f32 v59, v1;
	_ =	sdelay $0x1  }
0x50: {  	v20 =	vadd.f32 v21, v20;
	_ =	sdelay $0x1  }
0x51: {  	[tilespmem:v17+s24+$0x10 ss:$0x1] =	vst.idx.msk $0xffff, v20  }
0x52: {  	v20 =	vld.idx.msk [tilespmem:v17+s24+$0x20 ss:$0x1], $0xffff  }
0x53: {  	v60 =	vmul.f32 v19, v10;
	_ =	sdelay $0x1  }
0x54: {  	v21 =	vadd.f32 v60, v2;
	_ =	sdelay $0x1  }
0x55: {  	v20 =	vadd.f32 v20, v21;
	_ =	sdelay $0x1  }
0x56: {  	[tilespmem:v17+s24+$0x20 ss:$0x1] =	vst.idx.msk $0xffff, v20  }
0x57: {  	v20 =	vld.idx.msk [tilespmem:v17+s24+$0x30 ss:$0x1], $0xffff  }
0x58: {  	v61 =	vmul.f32 v19, v11;
	_ =	sdelay $0x1  }
0x59: {  	v21 =	vadd.f32 v61, v3;
	_ =	sdelay $0x1  }
0x5a: {  	v20 =	vadd.f32 v20, v21;
	_ =	sdelay $0x1  }
0x5b: {  	[tilespmem:v17+s24+$0x30 ss:$0x1] =	vst.idx.msk $0xffff, v20  }
0x5c: {  	v20 =	vld.idx.msk [tilespmem:v17+s24+$0x40 ss:$0x1], $0xffff  }
0x5d: {  	v62 =	vmul.f32 v19, v12;
	_ =	sdelay $0x1  }
0x5e: {  	v21 =	vadd.f32 v62, v4;
	_ =	sdelay $0x1  }
0x5f: {  	v20 =	vadd.f32 v20, v21;
	_ =	sdelay $0x1  }
0x60: {  	[tilespmem:v17+s24+$0x40 ss:$0x1] =	vst.idx.msk $0xffff, v20  }
0x61: {  	v20 =	vld.idx.msk [tilespmem:v17+s24+$0x50 ss:$0x1], $0xffff  }
0x62: {  	v63 =	vmul.f32 v19, v13;
	_ =	sdelay $0x1  }
0x63: {  	v21 =	vadd.f32 v63, v5;
	_ =	sdelay $0x1  }
0x64: {  	v20 =	vadd.f32 v20, v21;
	_ =	sdelay $0x1  }
0x65: {  	[tilespmem:v17+s24+$0x50 ss:$0x1] =	vst.idx.msk $0xffff, v20  }
0x66: {  	v20 =	vld.idx.msk [tilespmem:v17+s24+$0x60 ss:$0x1], $0xffff  }
0x67: {  	v24 =	vmul.f32 v19, v14;
	_ =	sdelay $0x1  }
0x68: {  	v21 =	vadd.f32 v24, v6;
	_ =	sdelay $0x1  }
0x69: {  	v20 =	vadd.f32 v20, v21;
	_ =	sdelay $0x1  }
0x6a: {  	[tilespmem:v17+s24+$0x60 ss:$0x1] =	vst.idx.msk $0xffff, v20  }
0x6b: {  	v20 =	vld.idx.msk [tilespmem:v17+s24+$0x70 ss:$0x1], $0xffff  }
0x6c: {  	v19 =	vmul.f32 v19, v15;
	_ =	sdelay $0x1  }
0x6d: {  	v19 =	vadd.f32 v19, v7;
	_ =	sdelay $0x1  }
0x6e: {  	v19 =	vadd.f32 v20, v19;
	_ =	sdelay $0x1  }
0x6f: {  	[tilespmem:v17+s24+$0x70 ss:$0x1] =	vst.idx.msk $0xffff, v19;
	v19 =	vbroadcast v18, $0x1  }
0x70: {  	v25 =	vld.idx.msk [tilespmem:v17+s24+$0x80 ss:$0x1], $0xffff  }
0x71: {  	v26 =	vmul.f32 v19, v8;
	_ =	sdelay $0x1  }
0x72: {  	v21 =	vadd.f32 v26, v0;
	_ =	sdelay $0x1  }
0x73: {  	v20 =	vadd.f32 v25, v21;
	_ =	sdelay $0x1  }
0x74: {  	[tilespmem:v17+s24+$0x80 ss:$0x1] =	vst.idx.msk $0xffff, v20  }
0x75: {  	v20 =	vld.idx.msk [tilespmem:v17+s24+$0x90 ss:$0x1], $0xffff  }
0x76: {  	v27 =	vmul.f32 v19, v9;
	_ =	sdelay $0x1  }
0x77: {  	v21 =	vadd.f32 v27, v1;
	_ =	sdelay $0x1  }
0x78: {  	v20 =	vadd.f32 v20, v21;
	_ =	sdelay $0x1  }
0x79: {  	[tilespmem:v17+s24+$0x90 ss:$0x1] =	vst.idx.msk $0xffff, v20  }
0x7a: {  	v20 =	vld.idx.msk [tilespmem:v17+s24+$0xA0 ss:$0x1], $0xffff  }
0x7b: {  	v28 =	vmul.f32 v19, v10;
	_ =	sdelay $0x1  }
0x7c: {  	v21 =	vadd.f32 v28, v2;
	_ =	sdelay $0x1  }
0x7d: {  	v20 =	vadd.f32 v20, v21;
	_ =	sdelay $0x1  }
0x7e: {  	[tilespmem:v17+s24+$0xA0 ss:$0x1] =	vst.idx.msk $0xffff, v20  }
0x7f: {  	v20 =	vld.idx.msk [tilespmem:v17+s24+$0xB0 ss:$0x1], $0xffff  }
0x80: {  	v29 =	vmul.f32 v19, v11;
	_ =	sdelay $0x1  }
0x81: {  	v21 =	vadd.f32 v29, v3;
	_ =	sdelay $0x1  }
0x82: {  	v20 =	vadd.f32 v20, v21;
	_ =	sdelay $0x1  }
0x83: {  	[tilespmem:v17+s24+$0xB0 ss:$0x1] =	vst.idx.msk $0xffff, v20  }
0x84: {  	v20 =	vld.idx.msk [tilespmem:v17+s24+$0xC0 ss:$0x1], $0xffff  }
0x85: {  	v30 =	vmul.f32 v19, v12;
	_ =	sdelay $0x1  }
0x86: {  	v21 =	vadd.f32 v30, v4;
	_ =	sdelay $0x1  }
0x87: {  	v20 =	vadd.f32 v20, v21;
	_ =	sdelay $0x1  }
0x88: {  	[tilespmem:v17+s24+$0xC0 ss:$0x1] =	vst.idx.msk $0xffff, v20  }
0x89: {  	v20 =	vld.idx.msk [tilespmem:v17+s24+$0xD0 ss:$0x1], $0xffff  }
0x8a: {  	v31 =	vmul.f32 v19, v13;
	_ =	sdelay $0x1  }
0x8b: {  	v21 =	vadd.f32 v31, v5;
	_ =	sdelay $0x1  }
0x8c: {  	v20 =	vadd.f32 v20, v21;
	_ =	sdelay $0x1  }
0x8d: {  	[tilespmem:v17+s24+$0xD0 ss:$0x1] =	vst.idx.msk $0xffff, v20  }
0x8e: {  	v20 =	vld.idx.msk [tilespmem:v17+s24+$0xE0 ss:$0x1], $0xffff  }
0x8f: {  	v32 =	vmul.f32 v19, v14;
	_ =	sdelay $0x1  }
0x90: {  	v21 =	vadd.f32 v32, v6;
	_ =	sdelay $0x1  }
0x91: {  	v20 =	vadd.f32 v20, v21;
	_ =	sdelay $0x1  }
0x92: {  	[tilespmem:v17+s24+$0xE0 ss:$0x1] =	vst.idx.msk $0xffff, v20  }
0x93: {  	v20 =	vld.idx.msk [tilespmem:v17+s24+$0xF0 ss:$0x1], $0xffff  }
0x94: {  	v19 =	vmul.f32 v19, v15;
	_ =	sdelay $0x1  }
0x95: {  	v19 =	vadd.f32 v19, v7;
	_ =	sdelay $0x1  }
0x96: {  	v19 =	vadd.f32 v20, v19;
	_ =	sdelay $0x1  }
0x97: {  	[tilespmem:v17+s24+$0xF0 ss:$0x1] =	vst.idx.msk $0xffff, v19;
	v19 =	vbroadcast v18, $0x2  }
0x98: {  	v33 =	vld.idx.msk [tilespmem:v17+s24+$0x100 ss:$0x1], $0xffff  }
0x99: {  	v34 =	vmul.f32 v19, v8;
	_ =	sdelay $0x1  }
0x9a: {  	v21 =	vadd.f32 v34, v0;
	_ =	sdelay $0x1  }
0x9b: {  	v20 =	vadd.f32 v33, v21;
	_ =	sdelay $0x1  }
0x9c: {  	[tilespmem:v17+s24+$0x100 ss:$0x1] =	vst.idx.msk $0xffff, v20  }
0x9d: {  	v20 =	vld.idx.msk [tilespmem:v17+s24+$0x110 ss:$0x1], $0xffff  }
0x9e: {  	v35 =	vmul.f32 v19, v9;
	_ =	sdelay $0x1  }
0x9f: {  	v21 =	vadd.f32 v35, v1;
	_ =	sdelay $0x1  }
0xa0: {  	v20 =	vadd.f32 v20, v21;
	_ =	sdelay $0x1  }
0xa1: {  	[tilespmem:v17+s24+$0x110 ss:$0x1] =	vst.idx.msk $0xffff, v20  }
0xa2: {  	v20 =	vld.idx.msk [tilespmem:v17+s24+$0x120 ss:$0x1], $0xffff  }
0xa3: {  	v36 =	vmul.f32 v19, v10;
	_ =	sdelay $0x1  }
0xa4: {  	v21 =	vadd.f32 v36, v2;
	_ =	sdelay $0x1  }
0xa5: {  	v20 =	vadd.f32 v20, v21;
	_ =	sdelay $0x1  }
0xa6: {  	[tilespmem:v17+s24+$0x120 ss:$0x1] =	vst.idx.msk $0xffff, v20  }
0xa7: {  	v20 =	vld.idx.msk [tilespmem:v17+s24+$0x130 ss:$0x1], $0xffff  }
0xa8: {  	v37 =	vmul.f32 v19, v11;
	_ =	sdelay $0x1  }
0xa9: {  	v21 =	vadd.f32 v37, v3;
	_ =	sdelay $0x1  }
0xaa: {  	v20 =	vadd.f32 v20, v21;
	_ =	sdelay $0x1  }
0xab: {  	[tilespmem:v17+s24+$0x130 ss:$0x1] =	vst.idx.msk $0xffff, v20  }
0xac: {  	v20 =	vld.idx.msk [tilespmem:v17+s24+$0x140 ss:$0x1], $0xffff  }
0xad: {  	v38 =	vmul.f32 v19, v12;
	_ =	sdelay $0x1  }
0xae: {  	v21 =	vadd.f32 v38, v4;
	_ =	sdelay $0x1  }
0xaf: {  	v20 =	vadd.f32 v20, v21;
	_ =	sdelay $0x1  }
0xb0: {  	[tilespmem:v17+s24+$0x140 ss:$0x1] =	vst.idx.msk $0xffff, v20  }
0xb1: {  	v20 =	vld.idx.msk [tilespmem:v17+s24+$0x150 ss:$0x1], $0xffff  }
0xb2: {  	v39 =	vmul.f32 v19, v13;
	_ =	sdelay $0x1  }
0xb3: {  	v21 =	vadd.f32 v39, v5;
	_ =	sdelay $0x1  }
0xb4: {  	v20 =	vadd.f32 v20, v21;
	_ =	sdelay $0x1  }
0xb5: {  	[tilespmem:v17+s24+$0x150 ss:$0x1] =	vst.idx.msk $0xffff, v20  }
0xb6: {  	v20 =	vld.idx.msk [tilespmem:v17+s24+$0x160 ss:$0x1], $0xffff  }
0xb7: {  	v40 =	vmul.f32 v19, v14;
	_ =	sdelay $0x1  }
0xb8: {  	v21 =	vadd.f32 v40, v6;
	_ =	sdelay $0x1  }
0xb9: {  	v20 =	vadd.f32 v20, v21;
	_ =	sdelay $0x1  }
0xba: {  	[tilespmem:v17+s24+$0x160 ss:$0x1] =	vst.idx.msk $0xffff, v20  }
0xbb: {  	v20 =	vld.idx.msk [tilespmem:v17+s24+$0x170 ss:$0x1], $0xffff  }
0xbc: {  	v19 =	vmul.f32 v19, v15;
	_ =	sdelay $0x1  }
0xbd: {  	v19 =	vadd.f32 v19, v7;
	_ =	sdelay $0x1  }
0xbe: {  	v19 =	vadd.f32 v20, v19;
	_ =	sdelay $0x1  }
0xbf: {  	[tilespmem:v17+s24+$0x170 ss:$0x1] =	vst.idx.msk $0xffff, v19;
	v19 =	vbroadcast v18, $0x3  }
0xc0: {  	v41 =	vld.idx.msk [tilespmem:v17+s24+$0x180 ss:$0x1], $0xffff  }
0xc1: {  	v42 =	vmul.f32 v19, v8;
	_ =	sdelay $0x1  }
0xc2: {  	v21 =	vadd.f32 v42, v0;
	_ =	sdelay $0x1  }
0xc3: {  	v20 =	vadd.f32 v41, v21;
	_ =	sdelay $0x1  }
0xc4: {  	[tilespmem:v17+s24+$0x180 ss:$0x1] =	vst.idx.msk $0xffff, v20  }
0xc5: {  	v20 =	vld.idx.msk [tilespmem:v17+s24+$0x190 ss:$0x1], $0xffff  }
0xc6: {  	v43 =	vmul.f32 v19, v9;
	_ =	sdelay $0x1  }
0xc7: {  	v21 =	vadd.f32 v43, v1;
	_ =	sdelay $0x1  }
0xc8: {  	v20 =	vadd.f32 v20, v21;
	_ =	sdelay $0x1  }
0xc9: {  	[tilespmem:v17+s24+$0x190 ss:$0x1] =	vst.idx.msk $0xffff, v20  }
0xca: {  	v20 =	vld.idx.msk [tilespmem:v17+s24+$0x1A0 ss:$0x1], $0xffff  }
0xcb: {  	v44 =	vmul.f32 v19, v10;
	_ =	sdelay $0x1  }
0xcc: {  	v21 =	vadd.f32 v44, v2;
	_ =	sdelay $0x1  }
0xcd: {  	v20 =	vadd.f32 v20, v21;
	_ =	sdelay $0x1  }
0xce: {  	[tilespmem:v17+s24+$0x1A0 ss:$0x1] =	vst.idx.msk $0xffff, v20  }
0xcf: {  	v20 =	vld.idx.msk [tilespmem:v17+s24+$0x1B0 ss:$0x1], $0xffff  }
0xd0: {  	v45 =	vmul.f32 v19, v11;
	_ =	sdelay $0x1  }
0xd1: {  	v21 =	vadd.f32 v45, v3;
	_ =	sdelay $0x1  }
0xd2: {  	v20 =	vadd.f32 v20, v21;
	_ =	sdelay $0x1  }
0xd3: {  	[tilespmem:v17+s24+$0x1B0 ss:$0x1] =	vst.idx.msk $0xffff, v20  }
0xd4: {  	v20 =	vld.idx.msk [tilespmem:v17+s24+$0x1C0 ss:$0x1], $0xffff  }
0xd5: {  	v46 =	vmul.f32 v19, v12;
	_ =	sdelay $0x1  }
0xd6: {  	v21 =	vadd.f32 v46, v4;
	_ =	sdelay $0x1  }
0xd7: {  	v20 =	vadd.f32 v20, v21;
	_ =	sdelay $0x1  }
0xd8: {  	[tilespmem:v17+s24+$0x1C0 ss:$0x1] =	vst.idx.msk $0xffff, v20  }
0xd9: {  	v20 =	vld.idx.msk [tilespmem:v17+s24+$0x1D0 ss:$0x1], $0xffff  }
0xda: {  	v47 =	vmul.f32 v19, v13;
	_ =	sdelay $0x1  }
0xdb: {  	v21 =	vadd.f32 v47, v5;
	_ =	sdelay $0x1  }
0xdc: {  	v20 =	vadd.f32 v20, v21;
	_ =	sdelay $0x1  }
0xdd: {  	[tilespmem:v17+s24+$0x1D0 ss:$0x1] =	vst.idx.msk $0xffff, v20  }
0xde: {  	v20 =	vld.idx.msk [tilespmem:v17+s24+$0x1E0 ss:$0x1], $0xffff  }
0xdf: {  	v48 =	vmul.f32 v19, v14;
	_ =	sdelay $0x1  }
0xe0: {  	v21 =	vadd.f32 v48, v6;
	_ =	sdelay $0x1  }
0xe1: {  	v20 =	vadd.f32 v20, v21;
	_ =	sdelay $0x1  }
0xe2: {  	[tilespmem:v17+s24+$0x1E0 ss:$0x1] =	vst.idx.msk $0xffff, v20  }
0xe3: {  	v20 =	vld.idx.msk [tilespmem:v17+s24+$0x1F0 ss:$0x1], $0xffff  }
0xe4: {  	v19 =	vmul.f32 v19, v15;
	_ =	sdelay $0x1  }
0xe5: {  	v19 =	vadd.f32 v19, v7;
	_ =	sdelay $0x1  }
0xe6: {  	v19 =	vadd.f32 v20, v19;
	_ =	sdelay $0x1  }
0xe7: {  	[tilespmem:v17+s24+$0x1F0 ss:$0x1] =	vst.idx.msk $0xffff, v19;
	v19 =	vbroadcast v18, $0x4  }
0xe8: {  	v49 =	vld.idx.msk [tilespmem:v17+s24+$0x200 ss:$0x1], $0xffff  }
0xe9: {  	v50 =	vmul.f32 v19, v8;
	_ =	sdelay $0x1  }
0xea: {  	v21 =	vadd.f32 v50, v0;
	_ =	sdelay $0x1  }
0xeb: {  	v20 =	vadd.f32 v49, v21;
	_ =	sdelay $0x1  }
0xec: {  	[tilespmem:v17+s24+$0x200 ss:$0x1] =	vst.idx.msk $0xffff, v20  }
0xed: {  	v20 =	vld.idx.msk [tilespmem:v17+s24+$0x210 ss:$0x1], $0xffff  }
0xee: {  	v51 =	vmul.f32 v19, v9;
	_ =	sdelay $0x1  }
0xef: {  	v21 =	vadd.f32 v51, v1;
	_ =	sdelay $0x1  }
0xf0: {  	v20 =	vadd.f32 v20, v21;
	_ =	sdelay $0x1  }
0xf1: {  	[tilespmem:v17+s24+$0x210 ss:$0x1] =	vst.idx.msk $0xffff, v20  }
0xf2: {  	v20 =	vld.idx.msk [tilespmem:v17+s24+$0x220 ss:$0x1], $0xffff  }
0xf3: {  	v52 =	vmul.f32 v19, v10;
	_ =	sdelay $0x1  }
0xf4: {  	v21 =	vadd.f32 v52, v2;
	_ =	sdelay $0x1  }
0xf5: {  	v20 =	vadd.f32 v20, v21;
	_ =	sdelay $0x1  }
0xf6: {  	[tilespmem:v17+s24+$0x220 ss:$0x1] =	vst.idx.msk $0xffff, v20  }
0xf7: {  	v20 =	vld.idx.msk [tilespmem:v17+s24+$0x230 ss:$0x1], $0xffff  }
0xf8: {  	v53 =	vmul.f32 v19, v11;
	_ =	sdelay $0x1  }
0xf9: {  	v21 =	vadd.f32 v53, v3;
	_ =	sdelay $0x1  }
0xfa: {  	v20 =	vadd.f32 v20, v21;
	_ =	sdelay $0x1  }
0xfb: {  	[tilespmem:v17+s24+$0x230 ss:$0x1] =	vst.idx.msk $0xffff, v20  }
0xfc: {  	v20 =	vld.idx.msk [tilespmem:v17+s24+$0x240 ss:$0x1], $0xffff  }
0xfd: {  	v54 =	vmul.f32 v19, v12;
	_ =	sdelay $0x1  }
0xfe: {  	v21 =	vadd.f32 v54, v4;
	_ =	sdelay $0x1  }
0xff: {  	v20 =	vadd.f32 v20, v21;
	_ =	sdelay $0x1  }
0x100: {  	[tilespmem:v17+s24+$0x240 ss:$0x1] =	vst.idx.msk $0xffff, v20  }
0x101: {  	v20 =	vld.idx.msk [tilespmem:v17+s24+$0x250 ss:$0x1], $0xffff  }
0x102: {  	v55 =	vmul.f32 v19, v13;
	_ =	sdelay $0x1  }
0x103: {  	v21 =	vadd.f32 v55, v5;
	_ =	sdelay $0x1  }
0x104: {  	v20 =	vadd.f32 v20, v21;
	_ =	sdelay $0x1  }
0x105: {  	[tilespmem:v17+s24+$0x250 ss:$0x1] =	vst.idx.msk $0xffff, v20  }
0x106: {  	v20 =	vld.idx.msk [tilespmem:v17+s24+$0x260 ss:$0x1], $0xffff  }
0x107: {  	v56 =	vmul.f32 v19, v14;
	_ =	sdelay $0x1  }
0x108: {  	v21 =	vadd.f32 v56, v6;
	_ =	sdelay $0x1  }
0x109: {  	v20 =	vadd.f32 v20, v21;
	_ =	sdelay $0x1  }
0x10a: {  	[tilespmem:v17+s24+$0x260 ss:$0x1] =	vst.idx.msk $0xffff, v20  }
0x10b: {  	v20 =	vld.idx.msk [tilespmem:v17+s24+$0x270 ss:$0x1], $0xffff  }
0x10c: {  	v19 =	vmul.f32 v19, v15;
	_ =	sdelay $0x1  }
0x10d: {  	v19 =	vadd.f32 v19, v7;
	_ =	sdelay $0x1  }
0x10e: {  	v19 =	vadd.f32 v20, v19;
	_ =	sdelay $0x1  }
0x10f: {  	[tilespmem:v17+s24+$0x270 ss:$0x1] =	vst.idx.msk $0xffff, v19;
	v19 =	vbroadcast v18, $0x5  }
0x110: {  	v57 =	vld.idx.msk [tilespmem:v17+s24+$0x280 ss:$0x1], $0xffff  }
0x111: {  	v58 =	vmul.f32 v19, v8;
	_ =	sdelay $0x1  }
0x112: {  	v21 =	vadd.f32 v58, v0;
	_ =	sdelay $0x1  }
0x113: {  	v20 =	vadd.f32 v57, v21;
	_ =	sdelay $0x1  }
0x114: {  	[tilespmem:v17+s24+$0x280 ss:$0x1] =	vst.idx.msk $0xffff, v20  }
0x115: {  	v20 =	vld.idx.msk [tilespmem:v17+s24+$0x290 ss:$0x1], $0xffff  }
0x116: {  	v59 =	vmul.f32 v19, v9;
	_ =	sdelay $0x1  }
0x117: {  	v21 =	vadd.f32 v59, v1;
	_ =	sdelay $0x1  }
0x118: {  	v20 =	vadd.f32 v20, v21;
	_ =	sdelay $0x1  }
0x119: {  	[tilespmem:v17+s24+$0x290 ss:$0x1] =	vst.idx.msk $0xffff, v20  }
0x11a: {  	v20 =	vld.idx.msk [tilespmem:v17+s24+$0x2A0 ss:$0x1], $0xffff  }
0x11b: {  	v60 =	vmul.f32 v19, v10;
	_ =	sdelay $0x1  }
0x11c: {  	v21 =	vadd.f32 v60, v2;
	_ =	sdelay $0x1  }
0x11d: {  	v20 =	vadd.f32 v20, v21;
	_ =	sdelay $0x1  }
0x11e: {  	[tilespmem:v17+s24+$0x2A0 ss:$0x1] =	vst.idx.msk $0xffff, v20  }
0x11f: {  	v20 =	vld.idx.msk [tilespmem:v17+s24+$0x2B0 ss:$0x1], $0xffff  }
0x120: {  	v61 =	vmul.f32 v19, v11;
	_ =	sdelay $0x1  }
0x121: {  	v21 =	vadd.f32 v61, v3;
	_ =	sdelay $0x1  }
0x122: {  	v20 =	vadd.f32 v20, v21;
	_ =	sdelay $0x1  }
0x123: {  	[tilespmem:v17+s24+$0x2B0 ss:$0x1] =	vst.idx.msk $0xffff, v20  }
0x124: {  	v20 =	vld.idx.msk [tilespmem:v17+s24+$0x2C0 ss:$0x1], $0xffff  }
0x125: {  	v62 =	vmul.f32 v19, v12;
	_ =	sdelay $0x1  }
0x126: {  	v21 =	vadd.f32 v62, v4;
	_ =	sdelay $0x1  }
0x127: {  	v20 =	vadd.f32 v20, v21;
	_ =	sdelay $0x1  }
0x128: {  	[tilespmem:v17+s24+$0x2C0 ss:$0x1] =	vst.idx.msk $0xffff, v20  }
0x129: {  	v20 =	vld.idx.msk [tilespmem:v17+s24+$0x2D0 ss:$0x1], $0xffff  }
0x12a: {  	v63 =	vmul.f32 v19, v13;
	_ =	sdelay $0x1  }
0x12b: {  	v21 =	vadd.f32 v63, v5;
	_ =	sdelay $0x1  }
0x12c: {  	v20 =	vadd.f32 v20, v21;
	_ =	sdelay $0x1  }
0x12d: {  	[tilespmem:v17+s24+$0x2D0 ss:$0x1] =	vst.idx.msk $0xffff, v20  }
0x12e: {  	v20 =	vld.idx.msk [tilespmem:v17+s24+$0x2E0 ss:$0x1], $0xffff  }
0x12f: {  	v24 =	vmul.f32 v19, v14;
	_ =	sdelay $0x1  }
0x130: {  	v21 =	vadd.f32 v24, v6;
	_ =	sdelay $0x1  }
0x131: {  	v20 =	vadd.f32 v20, v21;
	_ =	sdelay $0x1  }
0x132: {  	[tilespmem:v17+s24+$0x2E0 ss:$0x1] =	vst.idx.msk $0xffff, v20  }
0x133: {  	v20 =	vld.idx.msk [tilespmem:v17+s24+$0x2F0 ss:$0x1], $0xffff  }
0x134: {  	v19 =	vmul.f32 v19, v15;
	_ =	sdelay $0x1  }
0x135: {  	v19 =	vadd.f32 v19, v7;
	_ =	sdelay $0x1  }
0x136: {  	v19 =	vadd.f32 v20, v19;
	_ =	sdelay $0x1  }
0x137: {  	[tilespmem:v17+s24+$0x2F0 ss:$0x1] =	vst.idx.msk $0xffff, v19;
	v19 =	vbroadcast v18, $0x6  }
0x138: {  	v25 =	vld.idx.msk [tilespmem:v17+s24+$0x300 ss:$0x1], $0xffff  }
0x139: {  	v26 =	vmul.f32 v19, v8;
	_ =	sdelay $0x1  }
0x13a: {  	v21 =	vadd.f32 v26, v0;
	_ =	sdelay $0x1  }
0x13b: {  	v20 =	vadd.f32 v25, v21;
	_ =	sdelay $0x1  }
0x13c: {  	[tilespmem:v17+s24+$0x300 ss:$0x1] =	vst.idx.msk $0xffff, v20  }
0x13d: {  	v20 =	vld.idx.msk [tilespmem:v17+s24+$0x310 ss:$0x1], $0xffff  }
0x13e: {  	v27 =	vmul.f32 v19, v9;
	_ =	sdelay $0x1  }
0x13f: {  	v21 =	vadd.f32 v27, v1;
	_ =	sdelay $0x1  }
0x140: {  	v20 =	vadd.f32 v20, v21;
	_ =	sdelay $0x1  }
0x141: {  	[tilespmem:v17+s24+$0x310 ss:$0x1] =	vst.idx.msk $0xffff, v20  }
0x142: {  	v20 =	vld.idx.msk [tilespmem:v17+s24+$0x320 ss:$0x1], $0xffff  }
0x143: {  	v28 =	vmul.f32 v19, v10;
	_ =	sdelay $0x1  }
0x144: {  	v21 =	vadd.f32 v28, v2;
	_ =	sdelay $0x1  }
0x145: {  	v20 =	vadd.f32 v20, v21;
	_ =	sdelay $0x1  }
0x146: {  	[tilespmem:v17+s24+$0x320 ss:$0x1] =	vst.idx.msk $0xffff, v20  }
0x147: {  	v20 =	vld.idx.msk [tilespmem:v17+s24+$0x330 ss:$0x1], $0xffff  }
0x148: {  	v29 =	vmul.f32 v19, v11;
	_ =	sdelay $0x1  }
0x149: {  	v21 =	vadd.f32 v29, v3;
	_ =	sdelay $0x1  }
0x14a: {  	v20 =	vadd.f32 v20, v21;
	_ =	sdelay $0x1  }
0x14b: {  	[tilespmem:v17+s24+$0x330 ss:$0x1] =	vst.idx.msk $0xffff, v20  }
0x14c: {  	v20 =	vld.idx.msk [tilespmem:v17+s24+$0x340 ss:$0x1], $0xffff  }
0x14d: {  	v30 =	vmul.f32 v19, v12;
	_ =	sdelay $0x1  }
0x14e: {  	v21 =	vadd.f32 v30, v4;
	_ =	sdelay $0x1  }
0x14f: {  	v20 =	vadd.f32 v20, v21;
	_ =	sdelay $0x1  }
0x150: {  	[tilespmem:v17+s24+$0x340 ss:$0x1] =	vst.idx.msk $0xffff, v20  }
0x151: {  	v20 =	vld.idx.msk [tilespmem:v17+s24+$0x350 ss:$0x1], $0xffff  }
0x152: {  	v31 =	vmul.f32 v19, v13;
	_ =	sdelay $0x1  }
0x153: {  	v21 =	vadd.f32 v31, v5;
	_ =	sdelay $0x1  }
0x154: {  	v20 =	vadd.f32 v20, v21;
	_ =	sdelay $0x1  }
0x155: {  	[tilespmem:v17+s24+$0x350 ss:$0x1] =	vst.idx.msk $0xffff, v20  }
0x156: {  	v20 =	vld.idx.msk [tilespmem:v17+s24+$0x360 ss:$0x1], $0xffff  }
0x157: {  	v32 =	vmul.f32 v19, v14;
	_ =	sdelay $0x1  }
0x158: {  	v21 =	vadd.f32 v32, v6;
	_ =	sdelay $0x1  }
0x159: {  	v20 =	vadd.f32 v20, v21;
	_ =	sdelay $0x1  }
0x15a: {  	[tilespmem:v17+s24+$0x360 ss:$0x1] =	vst.idx.msk $0xffff, v20  }
0x15b: {  	v20 =	vld.idx.msk [tilespmem:v17+s24+$0x370 ss:$0x1], $0xffff  }
0x15c: {  	v19 =	vmul.f32 v19, v15;
	_ =	sdelay $0x1  }
0x15d: {  	v19 =	vadd.f32 v19, v7;
	_ =	sdelay $0x1  }
0x15e: {  	v19 =	vadd.f32 v20, v19;
	_ =	sdelay $0x1  }
0x15f: {  	[tilespmem:v17+s24+$0x370 ss:$0x1] =	vst.idx.msk $0xffff, v19;
	v19 =	vbroadcast v18, $0x7  }
0x160: {  	v33 =	vld.idx.msk [tilespmem:v17+s24+$0x380 ss:$0x1], $0xffff  }
0x161: {  	v34 =	vmul.f32 v19, v8;
	_ =	sdelay $0x1  }
0x162: {  	v21 =	vadd.f32 v34, v0;
	_ =	sdelay $0x1  }
0x163: {  	v20 =	vadd.f32 v33, v21;
	_ =	sdelay $0x1  }
0x164: {  	[tilespmem:v17+s24+$0x380 ss:$0x1] =	vst.idx.msk $0xffff, v20  }
0x165: {  	v20 =	vld.idx.msk [tilespmem:v17+s24+$0x390 ss:$0x1], $0xffff  }
0x166: {  	v35 =	vmul.f32 v19, v9;
	_ =	sdelay $0x1  }
0x167: {  	v21 =	vadd.f32 v35, v1;
	_ =	sdelay $0x1  }
0x168: {  	v20 =	vadd.f32 v20, v21;
	_ =	sdelay $0x1  }
0x169: {  	[tilespmem:v17+s24+$0x390 ss:$0x1] =	vst.idx.msk $0xffff, v20  }
0x16a: {  	v20 =	vld.idx.msk [tilespmem:v17+s24+$0x3A0 ss:$0x1], $0xffff  }
0x16b: {  	v36 =	vmul.f32 v19, v10;
	_ =	sdelay $0x1  }
0x16c: {  	v21 =	vadd.f32 v36, v2;
	_ =	sdelay $0x1  }
0x16d: {  	v20 =	vadd.f32 v20, v21;
	_ =	sdelay $0x1  }
0x16e: {  	[tilespmem:v17+s24+$0x3A0 ss:$0x1] =	vst.idx.msk $0xffff, v20  }
0x16f: {  	v20 =	vld.idx.msk [tilespmem:v17+s24+$0x3B0 ss:$0x1], $0xffff  }
0x170: {  	v37 =	vmul.f32 v19, v11;
	_ =	sdelay $0x1  }
0x171: {  	v21 =	vadd.f32 v37, v3;
	_ =	sdelay $0x1  }
0x172: {  	v20 =	vadd.f32 v20, v21;
	_ =	sdelay $0x1  }
0x173: {  	[tilespmem:v17+s24+$0x3B0 ss:$0x1] =	vst.idx.msk $0xffff, v20  }
0x174: {  	v20 =	vld.idx.msk [tilespmem:v17+s24+$0x3C0 ss:$0x1], $0xffff  }
0x175: {  	v38 =	vmul.f32 v19, v12;
	_ =	sdelay $0x1  }
0x176: {  	v21 =	vadd.f32 v38, v4;
	_ =	sdelay $0x1  }
0x177: {  	v20 =	vadd.f32 v20, v21;
	_ =	sdelay $0x1  }
0x178: {  	[tilespmem:v17+s24+$0x3C0 ss:$0x1] =	vst.idx.msk $0xffff, v20  }
0x179: {  	v20 =	vld.idx.msk [tilespmem:v17+s24+$0x3D0 ss:$0x1], $0xffff  }
0x17a: {  	v39 =	vmul.f32 v19, v13;
	_ =	sdelay $0x1  }
0x17b: {  	v21 =	vadd.f32 v39, v5;
	_ =	sdelay $0x1  }
0x17c: {  	v20 =	vadd.f32 v20, v21;
	_ =	sdelay $0x1  }
0x17d: {  	[tilespmem:v17+s24+$0x3D0 ss:$0x1] =	vst.idx.msk $0xffff, v20  }
0x17e: {  	v20 =	vld.idx.msk [tilespmem:v17+s24+$0x3E0 ss:$0x1], $0xffff  }
0x17f: {  	v40 =	vmul.f32 v19, v14;
	_ =	sdelay $0x1  }
0x180: {  	v21 =	vadd.f32 v40, v6;
	_ =	sdelay $0x1  }
0x181: {  	v20 =	vadd.f32 v20, v21;
	_ =	sdelay $0x1  }
0x182: {  	[tilespmem:v17+s24+$0x3E0 ss:$0x1] =	vst.idx.msk $0xffff, v20  }
0x183: {  	v20 =	vld.idx.msk [tilespmem:v17+s24+$0x3F0 ss:$0x1], $0xffff  }
0x184: {  	v19 =	vmul.f32 v19, v15;
	_ =	sdelay $0x1  }
0x185: {  	v19 =	vadd.f32 v19, v7;
	_ =	sdelay $0x1  }
0x186: {  	v19 =	vadd.f32 v20, v19;
	_ =	sdelay $0x1  }
0x187: {  	[tilespmem:v17+s24+$0x3F0 ss:$0x1] =	vst.idx.msk $0xffff, v19;
	v19 =	vbroadcast v18, $0x8  }
0x188: {  	v41 =	vld.idx.msk [tilespmem:v17+s24+$0x400 ss:$0x1], $0xffff  }
0x189: {  	v42 =	vmul.f32 v19, v8;
	_ =	sdelay $0x1  }
0x18a: {  	v21 =	vadd.f32 v42, v0;
	_ =	sdelay $0x1  }
0x18b: {  	v20 =	vadd.f32 v41, v21;
	_ =	sdelay $0x1  }
0x18c: {  	[tilespmem:v17+s24+$0x400 ss:$0x1] =	vst.idx.msk $0xffff, v20  }
0x18d: {  	v20 =	vld.idx.msk [tilespmem:v17+s24+$0x410 ss:$0x1], $0xffff  }
0x18e: {  	v43 =	vmul.f32 v19, v9;
	_ =	sdelay $0x1  }
0x18f: {  	v21 =	vadd.f32 v43, v1;
	_ =	sdelay $0x1  }
0x190: {  	v20 =	vadd.f32 v20, v21;
	_ =	sdelay $0x1  }
0x191: {  	[tilespmem:v17+s24+$0x410 ss:$0x1] =	vst.idx.msk $0xffff, v20  }
0x192: {  	v20 =	vld.idx.msk [tilespmem:v17+s24+$0x420 ss:$0x1], $0xffff  }
0x193: {  	v44 =	vmul.f32 v19, v10;
	_ =	sdelay $0x1  }
0x194: {  	v21 =	vadd.f32 v44, v2;
	_ =	sdelay $0x1  }
0x195: {  	v20 =	vadd.f32 v20, v21;
	_ =	sdelay $0x1  }
0x196: {  	[tilespmem:v17+s24+$0x420 ss:$0x1] =	vst.idx.msk $0xffff, v20  }
0x197: {  	v20 =	vld.idx.msk [tilespmem:v17+s24+$0x430 ss:$0x1], $0xffff  }
0x198: {  	v45 =	vmul.f32 v19, v11;
	_ =	sdelay $0x1  }
0x199: {  	v21 =	vadd.f32 v45, v3;
	_ =	sdelay $0x1  }
0x19a: {  	v20 =	vadd.f32 v20, v21;
	_ =	sdelay $0x1  }
0x19b: {  	[tilespmem:v17+s24+$0x430 ss:$0x1] =	vst.idx.msk $0xffff, v20  }
0x19c: {  	v20 =	vld.idx.msk [tilespmem:v17+s24+$0x440 ss:$0x1], $0xffff  }
0x19d: {  	v46 =	vmul.f32 v19, v12;
	_ =	sdelay $0x1  }
0x19e: {  	v21 =	vadd.f32 v46, v4;
	_ =	sdelay $0x1  }
0x19f: {  	v20 =	vadd.f32 v20, v21;
	_ =	sdelay $0x1  }
0x1a0: {  	[tilespmem:v17+s24+$0x440 ss:$0x1] =	vst.idx.msk $0xffff, v20  }
0x1a1: {  	v20 =	vld.idx.msk [tilespmem:v17+s24+$0x450 ss:$0x1], $0xffff  }
0x1a2: {  	v47 =	vmul.f32 v19, v13;
	_ =	sdelay $0x1  }
0x1a3: {  	v21 =	vadd.f32 v47, v5;
	_ =	sdelay $0x1  }
0x1a4: {  	v20 =	vadd.f32 v20, v21;
	_ =	sdelay $0x1  }
0x1a5: {  	[tilespmem:v17+s24+$0x450 ss:$0x1] =	vst.idx.msk $0xffff, v20  }
0x1a6: {  	v20 =	vld.idx.msk [tilespmem:v17+s24+$0x460 ss:$0x1], $0xffff  }
0x1a7: {  	v48 =	vmul.f32 v19, v14;
	_ =	sdelay $0x1  }
0x1a8: {  	v21 =	vadd.f32 v48, v6;
	_ =	sdelay $0x1  }
0x1a9: {  	v20 =	vadd.f32 v20, v21;
	_ =	sdelay $0x1  }
0x1aa: {  	[tilespmem:v17+s24+$0x460 ss:$0x1] =	vst.idx.msk $0xffff, v20  }
0x1ab: {  	v20 =	vld.idx.msk [tilespmem:v17+s24+$0x470 ss:$0x1], $0xffff  }
0x1ac: {  	v19 =	vmul.f32 v19, v15;
	_ =	sdelay $0x1  }
0x1ad: {  	v19 =	vadd.f32 v19, v7;
	_ =	sdelay $0x1  }
0x1ae: {  	v19 =	vadd.f32 v20, v19;
	_ =	sdelay $0x1  }
0x1af: {  	[tilespmem:v17+s24+$0x470 ss:$0x1] =	vst.idx.msk $0xffff, v19;
	v19 =	vbroadcast v18, $0x9  }
0x1b0: {  	v49 =	vld.idx.msk [tilespmem:v17+s24+$0x480 ss:$0x1], $0xffff  }
0x1b1: {  	v50 =	vmul.f32 v19, v8;
	_ =	sdelay $0x1  }
0x1b2: {  	v21 =	vadd.f32 v50, v0;
	_ =	sdelay $0x1  }
0x1b3: {  	v20 =	vadd.f32 v49, v21;
	_ =	sdelay $0x1  }
0x1b4: {  	[tilespmem:v17+s24+$0x480 ss:$0x1] =	vst.idx.msk $0xffff, v20  }
0x1b5: {  	v20 =	vld.idx.msk [tilespmem:v17+s24+$0x490 ss:$0x1], $0xffff  }
0x1b6: {  	v51 =	vmul.f32 v19, v9;
	_ =	sdelay $0x1  }
0x1b7: {  	v21 =	vadd.f32 v51, v1;
	_ =	sdelay $0x1  }
0x1b8: {  	v20 =	vadd.f32 v20, v21;
	_ =	sdelay $0x1  }
0x1b9: {  	[tilespmem:v17+s24+$0x490 ss:$0x1] =	vst.idx.msk $0xffff, v20  }
0x1ba: {  	v20 =	vld.idx.msk [tilespmem:v17+s24+$0x4A0 ss:$0x1], $0xffff  }
0x1bb: {  	v52 =	vmul.f32 v19, v10;
	_ =	sdelay $0x1  }
0x1bc: {  	v21 =	vadd.f32 v52, v2;
	_ =	sdelay $0x1  }
0x1bd: {  	v20 =	vadd.f32 v20, v21;
	_ =	sdelay $0x1  }
0x1be: {  	[tilespmem:v17+s24+$0x4A0 ss:$0x1] =	vst.idx.msk $0xffff, v20  }
0x1bf: {  	v20 =	vld.idx.msk [tilespmem:v17+s24+$0x4B0 ss:$0x1], $0xffff  }
0x1c0: {  	v53 =	vmul.f32 v19, v11;
	_ =	sdelay $0x1  }
0x1c1: {  	v21 =	vadd.f32 v53, v3;
	_ =	sdelay $0x1  }
0x1c2: {  	v20 =	vadd.f32 v20, v21;
	_ =	sdelay $0x1  }
0x1c3: {  	[tilespmem:v17+s24+$0x4B0 ss:$0x1] =	vst.idx.msk $0xffff, v20  }
0x1c4: {  	v20 =	vld.idx.msk [tilespmem:v17+s24+$0x4C0 ss:$0x1], $0xffff  }
0x1c5: {  	v54 =	vmul.f32 v19, v12;
	_ =	sdelay $0x1  }
0x1c6: {  	v21 =	vadd.f32 v54, v4;
	_ =	sdelay $0x1  }
0x1c7: {  	v20 =	vadd.f32 v20, v21;
	_ =	sdelay $0x1  }
0x1c8: {  	[tilespmem:v17+s24+$0x4C0 ss:$0x1] =	vst.idx.msk $0xffff, v20  }
0x1c9: {  	v20 =	vld.idx.msk [tilespmem:v17+s24+$0x4D0 ss:$0x1], $0xffff  }
0x1ca: {  	v55 =	vmul.f32 v19, v13;
	_ =	sdelay $0x1  }
0x1cb: {  	v21 =	vadd.f32 v55, v5;
	_ =	sdelay $0x1  }
0x1cc: {  	v20 =	vadd.f32 v20, v21;
	_ =	sdelay $0x1  }
0x1cd: {  	[tilespmem:v17+s24+$0x4D0 ss:$0x1] =	vst.idx.msk $0xffff, v20  }
0x1ce: {  	v20 =	vld.idx.msk [tilespmem:v17+s24+$0x4E0 ss:$0x1], $0xffff  }
0x1cf: {  	v56 =	vmul.f32 v19, v14;
	_ =	sdelay $0x1  }
0x1d0: {  	v21 =	vadd.f32 v56, v6;
	_ =	sdelay $0x1  }
0x1d1: {  	v20 =	vadd.f32 v20, v21;
	_ =	sdelay $0x1  }
0x1d2: {  	[tilespmem:v17+s24+$0x4E0 ss:$0x1] =	vst.idx.msk $0xffff, v20  }
0x1d3: {  	v20 =	vld.idx.msk [tilespmem:v17+s24+$0x4F0 ss:$0x1], $0xffff  }
0x1d4: {  	v19 =	vmul.f32 v19, v15;
	_ =	sdelay $0x1  }
0x1d5: {  	v19 =	vadd.f32 v19, v7;
	_ =	sdelay $0x1  }
0x1d6: {  	v19 =	vadd.f32 v20, v19;
	_ =	sdelay $0x1  }
0x1d7: {  	[tilespmem:v17+s24+$0x4F0 ss:$0x1] =	vst.idx.msk $0xffff, v19;
	v19 =	vbroadcast v18, $0xA  }
0x1d8: {  	v57 =	vld.idx.msk [tilespmem:v17+s24+$0x500 ss:$0x1], $0xffff  }
0x1d9: {  	v58 =	vmul.f32 v19, v8;
	_ =	sdelay $0x1  }
0x1da: {  	v21 =	vadd.f32 v58, v0;
	_ =	sdelay $0x1  }
0x1db: {  	v20 =	vadd.f32 v57, v21;
	_ =	sdelay $0x1  }
0x1dc: {  	[tilespmem:v17+s24+$0x500 ss:$0x1] =	vst.idx.msk $0xffff, v20  }
0x1dd: {  	v20 =	vld.idx.msk [tilespmem:v17+s24+$0x510 ss:$0x1], $0xffff  }
0x1de: {  	v59 =	vmul.f32 v19, v9;
	_ =	sdelay $0x1  }
0x1df: {  	v21 =	vadd.f32 v59, v1;
	_ =	sdelay $0x1  }
0x1e0: {  	v20 =	vadd.f32 v20, v21;
	_ =	sdelay $0x1  }
0x1e1: {  	[tilespmem:v17+s24+$0x510 ss:$0x1] =	vst.idx.msk $0xffff, v20  }
0x1e2: {  	v20 =	vld.idx.msk [tilespmem:v17+s24+$0x520 ss:$0x1], $0xffff  }
0x1e3: {  	v60 =	vmul.f32 v19, v10;
	_ =	sdelay $0x1  }
0x1e4: {  	v21 =	vadd.f32 v60, v2;
	_ =	sdelay $0x1  }
0x1e5: {  	v20 =	vadd.f32 v20, v21;
	_ =	sdelay $0x1  }
0x1e6: {  	[tilespmem:v17+s24+$0x520 ss:$0x1] =	vst.idx.msk $0xffff, v20  }
0x1e7: {  	v20 =	vld.idx.msk [tilespmem:v17+s24+$0x530 ss:$0x1], $0xffff  }
0x1e8: {  	v61 =	vmul.f32 v19, v11;
	_ =	sdelay $0x1  }
0x1e9: {  	v21 =	vadd.f32 v61, v3;
	_ =	sdelay $0x1  }
0x1ea: {  	v20 =	vadd.f32 v20, v21;
	_ =	sdelay $0x1  }
0x1eb: {  	[tilespmem:v17+s24+$0x530 ss:$0x1] =	vst.idx.msk $0xffff, v20  }
0x1ec: {  	v20 =	vld.idx.msk [tilespmem:v17+s24+$0x540 ss:$0x1], $0xffff  }
0x1ed: {  	v62 =	vmul.f32 v19, v12;
	_ =	sdelay $0x1  }
0x1ee: {  	v21 =	vadd.f32 v62, v4;
	_ =	sdelay $0x1  }
0x1ef: {  	v20 =	vadd.f32 v20, v21;
	_ =	sdelay $0x1  }
0x1f0: {  	[tilespmem:v17+s24+$0x540 ss:$0x1] =	vst.idx.msk $0xffff, v20  }
0x1f1: {  	v20 =	vld.idx.msk [tilespmem:v17+s24+$0x550 ss:$0x1], $0xffff  }
0x1f2: {  	v63 =	vmul.f32 v19, v13;
	_ =	sdelay $0x1  }
0x1f3: {  	v21 =	vadd.f32 v63, v5;
	_ =	sdelay $0x1  }
0x1f4: {  	v20 =	vadd.f32 v20, v21;
	_ =	sdelay $0x1  }
0x1f5: {  	[tilespmem:v17+s24+$0x550 ss:$0x1] =	vst.idx.msk $0xffff, v20  }
0x1f6: {  	v20 =	vld.idx.msk [tilespmem:v17+s24+$0x560 ss:$0x1], $0xffff  }
0x1f7: {  	v24 =	vmul.f32 v19, v14;
	_ =	sdelay $0x1  }
0x1f8: {  	v21 =	vadd.f32 v24, v6;
	_ =	sdelay $0x1  }
0x1f9: {  	v20 =	vadd.f32 v20, v21;
	_ =	sdelay $0x1  }
0x1fa: {  	[tilespmem:v17+s24+$0x560 ss:$0x1] =	vst.idx.msk $0xffff, v20  }
0x1fb: {  	v20 =	vld.idx.msk [tilespmem:v17+s24+$0x570 ss:$0x1], $0xffff  }
0x1fc: {  	v19 =	vmul.f32 v19, v15;
	_ =	sdelay $0x1  }
0x1fd: {  	v19 =	vadd.f32 v19, v7;
	_ =	sdelay $0x1  }
0x1fe: {  	v19 =	vadd.f32 v20, v19;
	_ =	sdelay $0x1  }
0x1ff: {  	[tilespmem:v17+s24+$0x570 ss:$0x1] =	vst.idx.msk $0xffff, v19;
	v19 =	vbroadcast v18, $0xB  }
0x200: {  	v25 =	vld.idx.msk [tilespmem:v17+s24+$0x580 ss:$0x1], $0xffff  }
0x201: {  	v26 =	vmul.f32 v19, v8;
	_ =	sdelay $0x1  }
0x202: {  	v21 =	vadd.f32 v26, v0;
	_ =	sdelay $0x1  }
0x203: {  	v20 =	vadd.f32 v25, v21;
	_ =	sdelay $0x1  }
0x204: {  	[tilespmem:v17+s24+$0x580 ss:$0x1] =	vst.idx.msk $0xffff, v20  }
0x205: {  	v20 =	vld.idx.msk [tilespmem:v17+s24+$0x590 ss:$0x1], $0xffff  }
0x206: {  	v27 =	vmul.f32 v19, v9;
	_ =	sdelay $0x1  }
0x207: {  	v21 =	vadd.f32 v27, v1;
	_ =	sdelay $0x1  }
0x208: {  	v20 =	vadd.f32 v20, v21;
	_ =	sdelay $0x1  }
0x209: {  	[tilespmem:v17+s24+$0x590 ss:$0x1] =	vst.idx.msk $0xffff, v20  }
0x20a: {  	v20 =	vld.idx.msk [tilespmem:v17+s24+$0x5A0 ss:$0x1], $0xffff  }
0x20b: {  	v28 =	vmul.f32 v19, v10;
	_ =	sdelay $0x1  }
0x20c: {  	v21 =	vadd.f32 v28, v2;
	_ =	sdelay $0x1  }
0x20d: {  	v20 =	vadd.f32 v20, v21;
	_ =	sdelay $0x1  }
0x20e: {  	[tilespmem:v17+s24+$0x5A0 ss:$0x1] =	vst.idx.msk $0xffff, v20  }
0x20f: {  	v20 =	vld.idx.msk [tilespmem:v17+s24+$0x5B0 ss:$0x1], $0xffff  }
0x210: {  	v29 =	vmul.f32 v19, v11;
	_ =	sdelay $0x1  }
0x211: {  	v21 =	vadd.f32 v29, v3;
	_ =	sdelay $0x1  }
0x212: {  	v20 =	vadd.f32 v20, v21;
	_ =	sdelay $0x1  }
0x213: {  	[tilespmem:v17+s24+$0x5B0 ss:$0x1] =	vst.idx.msk $0xffff, v20  }
0x214: {  	v20 =	vld.idx.msk [tilespmem:v17+s24+$0x5C0 ss:$0x1], $0xffff  }
0x215: {  	v30 =	vmul.f32 v19, v12;
	_ =	sdelay $0x1  }
0x216: {  	v21 =	vadd.f32 v30, v4;
	_ =	sdelay $0x1  }
0x217: {  	v20 =	vadd.f32 v20, v21;
	_ =	sdelay $0x1  }
0x218: {  	[tilespmem:v17+s24+$0x5C0 ss:$0x1] =	vst.idx.msk $0xffff, v20  }
0x219: {  	v20 =	vld.idx.msk [tilespmem:v17+s24+$0x5D0 ss:$0x1], $0xffff  }
0x21a: {  	v31 =	vmul.f32 v19, v13;
	_ =	sdelay $0x1  }
0x21b: {  	v21 =	vadd.f32 v31, v5;
	_ =	sdelay $0x1  }
0x21c: {  	v20 =	vadd.f32 v20, v21;
	_ =	sdelay $0x1  }
0x21d: {  	[tilespmem:v17+s24+$0x5D0 ss:$0x1] =	vst.idx.msk $0xffff, v20  }
0x21e: {  	v20 =	vld.idx.msk [tilespmem:v17+s24+$0x5E0 ss:$0x1], $0xffff  }
0x21f: {  	v32 =	vmul.f32 v19, v14;
	_ =	sdelay $0x1  }
0x220: {  	v21 =	vadd.f32 v32, v6;
	_ =	sdelay $0x1  }
0x221: {  	v20 =	vadd.f32 v20, v21;
	_ =	sdelay $0x1  }
0x222: {  	[tilespmem:v17+s24+$0x5E0 ss:$0x1] =	vst.idx.msk $0xffff, v20  }
0x223: {  	v20 =	vld.idx.msk [tilespmem:v17+s24+$0x5F0 ss:$0x1], $0xffff  }
0x224: {  	v19 =	vmul.f32 v19, v15;
	_ =	sdelay $0x1  }
0x225: {  	v19 =	vadd.f32 v19, v7;
	_ =	sdelay $0x1  }
0x226: {  	v19 =	vadd.f32 v20, v19;
	_ =	sdelay $0x1  }
0x227: {  	[tilespmem:v17+s24+$0x5F0 ss:$0x1] =	vst.idx.msk $0xffff, v19;
	v19 =	vbroadcast v18, $0xC  }
0x228: {  	v33 =	vld.idx.msk [tilespmem:v17+s24+$0x600 ss:$0x1], $0xffff  }
0x229: {  	v34 =	vmul.f32 v19, v8;
	_ =	sdelay $0x1  }
0x22a: {  	v21 =	vadd.f32 v34, v0;
	_ =	sdelay $0x1  }
0x22b: {  	v20 =	vadd.f32 v33, v21;
	_ =	sdelay $0x1  }
0x22c: {  	[tilespmem:v17+s24+$0x600 ss:$0x1] =	vst.idx.msk $0xffff, v20  }
0x22d: {  	v20 =	vld.idx.msk [tilespmem:v17+s24+$0x610 ss:$0x1], $0xffff  }
0x22e: {  	v35 =	vmul.f32 v19, v9;
	_ =	sdelay $0x1  }
0x22f: {  	v21 =	vadd.f32 v35, v1;
	_ =	sdelay $0x1  }
0x230: {  	v20 =	vadd.f32 v20, v21;
	_ =	sdelay $0x1  }
0x231: {  	[tilespmem:v17+s24+$0x610 ss:$0x1] =	vst.idx.msk $0xffff, v20  }
0x232: {  	v20 =	vld.idx.msk [tilespmem:v17+s24+$0x620 ss:$0x1], $0xffff  }
0x233: {  	v36 =	vmul.f32 v19, v10;
	_ =	sdelay $0x1  }
0x234: {  	v21 =	vadd.f32 v36, v2;
	_ =	sdelay $0x1  }
0x235: {  	v20 =	vadd.f32 v20, v21;
	_ =	sdelay $0x1  }
0x236: {  	[tilespmem:v17+s24+$0x620 ss:$0x1] =	vst.idx.msk $0xffff, v20  }
0x237: {  	v20 =	vld.idx.msk [tilespmem:v17+s24+$0x630 ss:$0x1], $0xffff  }
0x238: {  	v37 =	vmul.f32 v19, v11;
	_ =	sdelay $0x1  }
0x239: {  	v21 =	vadd.f32 v37, v3;
	_ =	sdelay $0x1  }
0x23a: {  	v20 =	vadd.f32 v20, v21;
	_ =	sdelay $0x1  }
0x23b: {  	[tilespmem:v17+s24+$0x630 ss:$0x1] =	vst.idx.msk $0xffff, v20  }
0x23c: {  	v20 =	vld.idx.msk [tilespmem:v17+s24+$0x640 ss:$0x1], $0xffff  }
0x23d: {  	v38 =	vmul.f32 v19, v12;
	_ =	sdelay $0x1  }
0x23e: {  	v21 =	vadd.f32 v38, v4;
	_ =	sdelay $0x1  }
0x23f: {  	v20 =	vadd.f32 v20, v21;
	_ =	sdelay $0x1  }
0x240: {  	[tilespmem:v17+s24+$0x640 ss:$0x1] =	vst.idx.msk $0xffff, v20  }
0x241: {  	v20 =	vld.idx.msk [tilespmem:v17+s24+$0x650 ss:$0x1], $0xffff  }
0x242: {  	v39 =	vmul.f32 v19, v13;
	_ =	sdelay $0x1  }
0x243: {  	v21 =	vadd.f32 v39, v5;
	_ =	sdelay $0x1  }
0x244: {  	v20 =	vadd.f32 v20, v21;
	_ =	sdelay $0x1  }
0x245: {  	[tilespmem:v17+s24+$0x650 ss:$0x1] =	vst.idx.msk $0xffff, v20  }
0x246: {  	v20 =	vld.idx.msk [tilespmem:v17+s24+$0x660 ss:$0x1], $0xffff  }
0x247: {  	v40 =	vmul.f32 v19, v14;
	_ =	sdelay $0x1  }
0x248: {  	v21 =	vadd.f32 v40, v6;
	_ =	sdelay $0x1  }
0x249: {  	v20 =	vadd.f32 v20, v21;
	_ =	sdelay $0x1  }
0x24a: {  	[tilespmem:v17+s24+$0x660 ss:$0x1] =	vst.idx.msk $0xffff, v20  }
0x24b: {  	v20 =	vld.idx.msk [tilespmem:v17+s24+$0x670 ss:$0x1], $0xffff  }
0x24c: {  	v19 =	vmul.f32 v19, v15;
	_ =	sdelay $0x1  }
0x24d: {  	v19 =	vadd.f32 v19, v7;
	_ =	sdelay $0x1  }
0x24e: {  	v19 =	vadd.f32 v20, v19;
	_ =	sdelay $0x1  }
0x24f: {  	[tilespmem:v17+s24+$0x670 ss:$0x1] =	vst.idx.msk $0xffff, v19;
	v19 =	vbroadcast v18, $0xD  }
0x250: {  	v41 =	vld.idx.msk [tilespmem:v17+s24+$0x680 ss:$0x1], $0xffff  }
0x251: {  	v42 =	vmul.f32 v19, v8;
	_ =	sdelay $0x1  }
0x252: {  	v21 =	vadd.f32 v42, v0;
	_ =	sdelay $0x1  }
0x253: {  	v20 =	vadd.f32 v41, v21;
	_ =	sdelay $0x1  }
0x254: {  	[tilespmem:v17+s24+$0x680 ss:$0x1] =	vst.idx.msk $0xffff, v20  }
0x255: {  	v20 =	vld.idx.msk [tilespmem:v17+s24+$0x690 ss:$0x1], $0xffff  }
0x256: {  	v43 =	vmul.f32 v19, v9;
	_ =	sdelay $0x1  }
0x257: {  	v21 =	vadd.f32 v43, v1;
	_ =	sdelay $0x1  }
0x258: {  	v20 =	vadd.f32 v20, v21;
	_ =	sdelay $0x1  }
0x259: {  	[tilespmem:v17+s24+$0x690 ss:$0x1] =	vst.idx.msk $0xffff, v20  }
0x25a: {  	v20 =	vld.idx.msk [tilespmem:v17+s24+$0x6A0 ss:$0x1], $0xffff  }
0x25b: {  	v44 =	vmul.f32 v19, v10;
	_ =	sdelay $0x1  }
0x25c: {  	v21 =	vadd.f32 v44, v2;
	_ =	sdelay $0x1  }
0x25d: {  	v20 =	vadd.f32 v20, v21;
	_ =	sdelay $0x1  }
0x25e: {  	[tilespmem:v17+s24+$0x6A0 ss:$0x1] =	vst.idx.msk $0xffff, v20  }
0x25f: {  	v20 =	vld.idx.msk [tilespmem:v17+s24+$0x6B0 ss:$0x1], $0xffff  }
0x260: {  	v45 =	vmul.f32 v19, v11;
	_ =	sdelay $0x1  }
0x261: {  	v21 =	vadd.f32 v45, v3;
	_ =	sdelay $0x1  }
0x262: {  	v20 =	vadd.f32 v20, v21;
	_ =	sdelay $0x1  }
0x263: {  	[tilespmem:v17+s24+$0x6B0 ss:$0x1] =	vst.idx.msk $0xffff, v20  }
0x264: {  	v20 =	vld.idx.msk [tilespmem:v17+s24+$0x6C0 ss:$0x1], $0xffff  }
0x265: {  	v46 =	vmul.f32 v19, v12;
	_ =	sdelay $0x1  }
0x266: {  	v21 =	vadd.f32 v46, v4;
	_ =	sdelay $0x1  }
0x267: {  	v20 =	vadd.f32 v20, v21;
	_ =	sdelay $0x1  }
0x268: {  	[tilespmem:v17+s24+$0x6C0 ss:$0x1] =	vst.idx.msk $0xffff, v20  }
0x269: {  	v20 =	vld.idx.msk [tilespmem:v17+s24+$0x6D0 ss:$0x1], $0xffff  }
0x26a: {  	v47 =	vmul.f32 v19, v13;
	_ =	sdelay $0x1  }
0x26b: {  	v21 =	vadd.f32 v47, v5;
	_ =	sdelay $0x1  }
0x26c: {  	v20 =	vadd.f32 v20, v21;
	_ =	sdelay $0x1  }
0x26d: {  	[tilespmem:v17+s24+$0x6D0 ss:$0x1] =	vst.idx.msk $0xffff, v20  }
0x26e: {  	v20 =	vld.idx.msk [tilespmem:v17+s24+$0x6E0 ss:$0x1], $0xffff  }
0x26f: {  	v48 =	vmul.f32 v19, v14;
	_ =	sdelay $0x1  }
0x270: {  	v21 =	vadd.f32 v48, v6;
	_ =	sdelay $0x1  }
0x271: {  	v20 =	vadd.f32 v20, v21;
	_ =	sdelay $0x1  }
0x272: {  	[tilespmem:v17+s24+$0x6E0 ss:$0x1] =	vst.idx.msk $0xffff, v20  }
0x273: {  	v20 =	vld.idx.msk [tilespmem:v17+s24+$0x6F0 ss:$0x1], $0xffff  }
0x274: {  	v19 =	vmul.f32 v19, v15;
	_ =	sdelay $0x1  }
0x275: {  	v19 =	vadd.f32 v19, v7;
	_ =	sdelay $0x1  }
0x276: {  	v19 =	vadd.f32 v20, v19;
	_ =	sdelay $0x1  }
0x277: {  	[tilespmem:v17+s24+$0x6F0 ss:$0x1] =	vst.idx.msk $0xffff, v19;
	v19 =	vbroadcast v18, $0xE  }
0x278: {  	v49 =	vld.idx.msk [tilespmem:v17+s24+$0x700 ss:$0x1], $0xffff  }
0x279: {  	v50 =	vmul.f32 v19, v8;
	_ =	sdelay $0x1  }
0x27a: {  	v21 =	vadd.f32 v50, v0;
	_ =	sdelay $0x1  }
0x27b: {  	v20 =	vadd.f32 v49, v21;
	_ =	sdelay $0x1  }
0x27c: {  	[tilespmem:v17+s24+$0x700 ss:$0x1] =	vst.idx.msk $0xffff, v20  }
0x27d: {  	v20 =	vld.idx.msk [tilespmem:v17+s24+$0x710 ss:$0x1], $0xffff  }
0x27e: {  	v51 =	vmul.f32 v19, v9;
	_ =	sdelay $0x1  }
0x27f: {  	v21 =	vadd.f32 v51, v1;
	_ =	sdelay $0x1  }
0x280: {  	v20 =	vadd.f32 v20, v21;
	_ =	sdelay $0x1  }
0x281: {  	[tilespmem:v17+s24+$0x710 ss:$0x1] =	vst.idx.msk $0xffff, v20  }
0x282: {  	v20 =	vld.idx.msk [tilespmem:v17+s24+$0x720 ss:$0x1], $0xffff  }
0x283: {  	v52 =	vmul.f32 v19, v10;
	_ =	sdelay $0x1  }
0x284: {  	v21 =	vadd.f32 v52, v2;
	_ =	sdelay $0x1  }
0x285: {  	v20 =	vadd.f32 v20, v21;
	_ =	sdelay $0x1  }
0x286: {  	[tilespmem:v17+s24+$0x720 ss:$0x1] =	vst.idx.msk $0xffff, v20  }
0x287: {  	v20 =	vld.idx.msk [tilespmem:v17+s24+$0x730 ss:$0x1], $0xffff  }
0x288: {  	v53 =	vmul.f32 v19, v11;
	_ =	sdelay $0x1  }
0x289: {  	v21 =	vadd.f32 v53, v3;
	_ =	sdelay $0x1  }
0x28a: {  	v20 =	vadd.f32 v20, v21;
	_ =	sdelay $0x1  }
0x28b: {  	[tilespmem:v17+s24+$0x730 ss:$0x1] =	vst.idx.msk $0xffff, v20  }
0x28c: {  	v20 =	vld.idx.msk [tilespmem:v17+s24+$0x740 ss:$0x1], $0xffff  }
0x28d: {  	v54 =	vmul.f32 v19, v12;
	_ =	sdelay $0x1  }
0x28e: {  	v21 =	vadd.f32 v54, v4;
	_ =	sdelay $0x1  }
0x28f: {  	v20 =	vadd.f32 v20, v21;
	_ =	sdelay $0x1  }
0x290: {  	[tilespmem:v17+s24+$0x740 ss:$0x1] =	vst.idx.msk $0xffff, v20  }
0x291: {  	v20 =	vld.idx.msk [tilespmem:v17+s24+$0x750 ss:$0x1], $0xffff  }
0x292: {  	v55 =	vmul.f32 v19, v13;
	_ =	sdelay $0x1  }
0x293: {  	v21 =	vadd.f32 v55, v5;
	_ =	sdelay $0x1  }
0x294: {  	v20 =	vadd.f32 v20, v21;
	_ =	sdelay $0x1  }
0x295: {  	[tilespmem:v17+s24+$0x750 ss:$0x1] =	vst.idx.msk $0xffff, v20  }
0x296: {  	v20 =	vld.idx.msk [tilespmem:v17+s24+$0x760 ss:$0x1], $0xffff  }
0x297: {  	v56 =	vmul.f32 v19, v14;
	_ =	sdelay $0x1  }
0x298: {  	v21 =	vadd.f32 v56, v6;
	_ =	sdelay $0x1  }
0x299: {  	v20 =	vadd.f32 v20, v21;
	_ =	sdelay $0x1  }
0x29a: {  	[tilespmem:v17+s24+$0x760 ss:$0x1] =	vst.idx.msk $0xffff, v20  }
0x29b: {  	v20 =	vld.idx.msk [tilespmem:v17+s24+$0x770 ss:$0x1], $0xffff  }
0x29c: {  	v19 =	vmul.f32 v19, v15;
	_ =	sdelay $0x1  }
0x29d: {  	v19 =	vadd.f32 v19, v7;
	_ =	sdelay $0x1  }
0x29e: {  	v19 =	vadd.f32 v20, v19;
	_ =	sdelay $0x1  }
0x29f: {  	v18 =	vbroadcast v18, $0xF;
	[tilespmem:v17+s24+$0x770 ss:$0x1] =	vst.idx.msk $0xffff, v19  }
0x2a0: {  	v19 =	vld.idx.msk [tilespmem:v17+s24+$0x780 ss:$0x1], $0xffff  }
0x2a1: {  	v57 =	vmul.f32 v18, v8;
	_ =	sdelay $0x1  }
0x2a2: {  	v20 =	vadd.f32 v57, v0;
	_ =	sdelay $0x1  }
0x2a3: {  	v19 =	vadd.f32 v19, v20;
	_ =	sdelay $0x1  }
0x2a4: {  	[tilespmem:v17+s24+$0x780 ss:$0x1] =	vst.idx.msk $0xffff, v19  }
0x2a5: {  	v19 =	vld.idx.msk [tilespmem:v17+s24+$0x790 ss:$0x1], $0xffff  }
0x2a6: {  	v58 =	vmul.f32 v18, v9;
	_ =	sdelay $0x1  }
0x2a7: {  	v20 =	vadd.f32 v58, v1;
	_ =	sdelay $0x1  }
0x2a8: {  	v19 =	vadd.f32 v19, v20;
	_ =	sdelay $0x1  }
0x2a9: {  	[tilespmem:v17+s24+$0x790 ss:$0x1] =	vst.idx.msk $0xffff, v19  }
0x2aa: {  	v19 =	vld.idx.msk [tilespmem:v17+s24+$0x7A0 ss:$0x1], $0xffff  }
0x2ab: {  	v59 =	vmul.f32 v18, v10;
	_ =	sdelay $0x1  }
0x2ac: {  	v20 =	vadd.f32 v59, v2;
	_ =	sdelay $0x1  }
0x2ad: {  	v19 =	vadd.f32 v19, v20;
	_ =	sdelay $0x1  }
0x2ae: {  	[tilespmem:v17+s24+$0x7A0 ss:$0x1] =	vst.idx.msk $0xffff, v19  }
0x2af: {  	v19 =	vld.idx.msk [tilespmem:v17+s24+$0x7B0 ss:$0x1], $0xffff  }
0x2b0: {  	v60 =	vmul.f32 v18, v11;
	_ =	sdelay $0x1  }
0x2b1: {  	v20 =	vadd.f32 v60, v3;
	_ =	sdelay $0x1  }
0x2b2: {  	v19 =	vadd.f32 v19, v20;
	_ =	sdelay $0x1  }
0x2b3: {  	[tilespmem:v17+s24+$0x7B0 ss:$0x1] =	vst.idx.msk $0xffff, v19  }
0x2b4: {  	v19 =	vld.idx.msk [tilespmem:v17+s24+$0x7C0 ss:$0x1], $0xffff  }
0x2b5: {  	v61 =	vmul.f32 v18, v12;
	_ =	sdelay $0x1  }
0x2b6: {  	v20 =	vadd.f32 v61, v4;
	_ =	sdelay $0x1  }
0x2b7: {  	v19 =	vadd.f32 v19, v20;
	_ =	sdelay $0x1  }
0x2b8: {  	[tilespmem:v17+s24+$0x7C0 ss:$0x1] =	vst.idx.msk $0xffff, v19  }
0x2b9: {  	v19 =	vld.idx.msk [tilespmem:v17+s24+$0x7D0 ss:$0x1], $0xffff  }
0x2ba: {  	v62 =	vmul.f32 v18, v13;
	_ =	sdelay $0x1  }
0x2bb: {  	v20 =	vadd.f32 v62, v5;
	_ =	sdelay $0x1  }
0x2bc: {  	v19 =	vadd.f32 v19, v20;
	_ =	sdelay $0x1  }
0x2bd: {  	[tilespmem:v17+s24+$0x7D0 ss:$0x1] =	vst.idx.msk $0xffff, v19  }
0x2be: {  	v19 =	vld.idx.msk [tilespmem:v17+s24+$0x7E0 ss:$0x1], $0xffff  }
0x2bf: {  	v63 =	vmul.f32 v18, v14;
	_ =	sdelay $0x1  }
0x2c0: {  	v20 =	vadd.f32 v63, v6;
	_ =	sdelay $0x1  }
0x2c1: {  	v19 =	vadd.f32 v19, v20;
	_ =	sdelay $0x1  }
0x2c2: {  	[tilespmem:v17+s24+$0x7E0 ss:$0x1] =	vst.idx.msk $0xffff, v19  }
0x2c3: {  	v19 =	vld.idx.msk [tilespmem:v17+s24+$0x7F0 ss:$0x1], $0xffff  }
0x2c4: {  	v18 =	vmul.f32 v18, v15  }
0x2c5: {  	p0 =	sne.s32 s23, $0x7  }
.Ltmp0:
0x2c6: {  	v18 =	vadd.f32 v18, v7;
	(pc) =	sbr.rel @p0 .LBB2_3-.Ltmp0, $3  }
0x2c7: {  	_ = 	snop  }
0x2c8: {  	v18 =	vadd.f32 v19, v18;
	_ =	sdelay $0x1  }
0x2c9: {  	s23 =	sadd.s32 $0x1, s23;
	[tilespmem:v17+s24+$0x7F0 ss:$0x1] =	vst.idx.msk $0xffff, v18  }
0x2ca: {  	p0 =	sne.s32 s20, $0x32  }
.Ltmp1:
0x2cb: {  	_ = 	snop;
	(pc) =	sbr.rel @p0 .LBB2_2-.Ltmp1, $4  }
0x2cc: {  	_ = 	snop  }
0x2cd: {  	s21 =	sshll.u32 s21, $0x4  }
0x2ce: {  	s21 =	sadd.s32 s4, s21  }
0x2cf: {  	[hbm4b:s21+s5] =	stream.linear.scatter [tilespmem:s22], [sflag:$0x2], $0x4000, $0x38;
	[tilespmem:$0xC500] =	vst v63  }
0x2d0: {  	_ =	swait.ge [sflag:s18], $0x4000  }
0x2d1: {  	[sflag:s18] =	ssyncset.done $0x0  }
0x2d2: {  	s19 =	sadd.s32 $0x1, s19;
	[sflag:s18] =	ssyncadd.s32 $0xFFFFC000  }
0x2d3: {  	p0 =	sne.s32 s19, s11;
	_ =	swait.ge [sflag:s18], $0x4000  }
.Ltmp2:
0x2d4: {  	[sflag:s18] =	ssyncset.done $0x0;
	(pc) =	sbr.rel @p0 .LBB2_1-.Ltmp2, $4  }
0x2d5: {  	[sflag:s18] =	ssyncadd.s32 $0xFFFFC000  }
0x2d6: {  	_ =	swait.ge [sflag:s18], $0x4000  }
0x2d7: {  	[sflag:s18] =	ssyncset.done $0x0  }
0x2d8: {  	[sflag:s18] =	ssyncadd.s32 $0xFFFFC000  }
0x2d9: {  	_ =	sfence.sel $0x180000  }
0x2da: {  	[bflag:$0x0] =	sbarrier.arrive $0xFFFF  }
0x2db: {  	p0 =	sne.s32 s0, $0x0;
	_ =	strace $0x90000047  }
0x2dc: {  	s0 =	sadd.s32 @!p0 $0x100000, s2;
	[bflag:$0x2] =	sbarrier.arrive $0xFFFF  }
0x2dd: {  	[sflag:s0] =	ssyncadd.tile.s32 @!p0 $0x1;
	_ =	shalt  }
.Lfunc_end2:
_tile_overlayer_lowered:
.L_overlay_start_2:
0x2de: {  	(tag) =	ssettag $0x2  }
0x2df: {  	s0 =	rddreg [dreg:$0x0];
	s2 =	stileid.u32  }
0x2e0: {  	s1 =	rddreg [dreg:$0x1];
	p0 =	sne.s32 s2, $0x0  }
0x2e1: {  	s3 =	rddreg [dreg:$0x2];
	[bflag:$0x3] =	sbarrier.arrive $0xFFFF;
	s2 =	simm.s32 @!p0 $0x1C03  }
0x2e2: {  	[timem:s3], [sflag:s2] =	dma.local @!p0 [hbm:s0], s1  }
0x2e3: {  	s0 =	simm.s32 @!p0 $0x3  }
0x2e4: {  	_ =	swait.ge @!p0 [sflag:s0], s1  }
0x2e5: {  	s1 =	ssub.s32 @!p0 $0x0, s1;
	[sflag:s0] =	ssyncset.done @!p0 $0x0  }
0x2e6: {  	[sflag:s0] =	ssyncadd.s32 @!p0 s1  }
0x2e7: {  	[bflag:$0x3] =	sbarrier.arrive $0xFFFF  }
0x2e8: {  	_ =	shalt  }

// kernel: sparse-core-data-format-call.cloned.1.call-start
scs
called_computation_lowered:
.L_overlay_start_0:
0x0: {  	s2 =	sld [smem:$0x3FD9]  }
0x1: {  	s3 =	sld [smem:$0x3FFE];
	_ =	sdelay $0x1  }
0x2: {  	s1 =	srdreg.scid  }
0x3: {  	s0 =	sand.u32 $0x1, s1  }
0x4: {  	s18 =	sshll.u32 s0, $0xA;
	s2 =	sadd.s32 s3, s2  }
0x5: {  	s2 =	sadd.s32 s2, s18  }
0x6: {  	[smem:$0x3FC4] =	sst s2  }
0x7: {  	_ = 	snop  }
0x8: {  	s2 =	sld [smem:$0x3FD0];
	(tm) =	ssettm $0x1  }
0x9: {  	s19 =	sld [smem:$0x3FFB];
	_ =	sdelay $0x3  }
0xa: {  	_ =	strace s19  }
0xb: {  	s3 =	sld [smem:$0x3FFC];
	_ =	sdelay $0x3  }
0xc: {  	_ =	strace s3  }
0xd: {  	s3 =	sld [smem:$0x3FFD];
	_ =	sdelay $0x3  }
0xe: {  	_ =	strace s3  }
0xf: {  	_ =	strace $0x8FFFFFFF  }
0x10: {  	s20 =	sld [smem:$0x3FDB];
	_ =	sdelay $0x1  }
0x11: {  	s4 =	simm.s32 $_scs_section_size  }
0x12: {  	s5 =	simm.s32 $_size__tile_overlayer_lowered;
	s6 =	simm.s32 $_tile_overlayer_lowered  }
0x13: {  	s23 =	simm.s32 $0x1BFF;
	s22 =	sshll.u32 s6, $0x1;
	s3 =	sadd.s32 s4, s20  }
0x14: {  	s7 =	simm.s32 $0x0;
	s21 =	sshll.u32 s5, $0x1;
	s5 =	sadd.s32 s22, s3  }
0x15: {  	[timem:s7], [sflag:s23] =	dma.local [hbm:s5], s21  }
0x16: {  	_ =	swait.ge [sflag:s23], s21  }
0x17: {  	s4 =	ssub.s32 $0x0, s21;
	[sflag:s23] =	ssyncset.done $0x0  }
0x18: {  	[sflag:s23] =	ssyncadd.s32 s4;
	_ =	sdelay $0x1  }
0x19: {  	s24 =	simm.s32 $0x1B8B  }
0x1a: {  	_ =	swait.ge [sflag:s24], $0x1  }
0x1b: {  	[sflag:s24] =	ssyncset.done $0x0  }
0x1c: {  	s26 =	simm.s32 $0x1B8E;
	s25 =	sld [smem:$0x3FFE];
	[sflag:s24] =	ssyncadd.s32 $0xFFFFFFFF  }
0x1d: {  	s27 =	simm.s32 $execute0_lowered;
	[smem:$0x3FD2] =	sst s26  }
0x1e: {  	s5 =	sshll.u32 s27, $0x1;
	_ =	strace $0x80000049;
	[dreg:$0x1] =	wrdreg $0xFFFFFFFF  }
0x1f: {  	s28 =	simm.s32 $_size_execute0_lowered;
	s3 =	sadd.s32 s3, s5;
	[dreg:$0x0] =	wrdreg $0x0  }
0x20: {  	s5 =	sshll.u32 s28, $0x1;
	[dreg:$0x2] =	wrdreg s3  }
0x21: {  	[dreg:$0x3] =	wrdreg s5  }
0x22: {  	[dreg:$0x4] =	wrdreg $0xC0  }
0x23: {  	_ =	task [dreg:s7], $0x5FFFF  }
0x24: {  	[dreg:$0x1] =	wrdreg $0xFFFFFFFF  }
0x25: {  	[dreg:$0x0] =	wrdreg $0x60  }
0x26: {  	[dreg:$0x2] =	wrdreg s25  }
0x27: {  	[dreg:$0x3] =	wrdreg s2  }
0x28: {  	[dreg:$0x4] =	wrdreg $0x9  }
0x29: {  	_ =	task.clear_ibuf [dreg:s7], $0x5FFFF;
	_ =	strace $0x90000049  }
0x2a: {  	s29 =	simm.s32 $0x9;
	_ =	strace $0x8000004B  }
0x2b: {  	_ =	swait.ge [sflag:s29], $0x1  }
0x2c: {  	[sflag:s29] =	ssyncadd.s32 $0xFFFFFFFF  }
0x2d: {  	_ =	strace $0x9000004B  }
0x2e: {  	_ =	sfence  }
0x2f: {  	s30 =	sld [smem:$0x0];
	_ =	sdelay $0x2  }
0x30: {  	s31 =	sshll.u32 s1, $0xD;
	s1 =	sshrl.u32 s1, $0x2  }
0x31: {  	s3 =	sand.u32 $0x4000, s31;
	s1 =	sadd.s32 s1, s30  }
0x32: {  	s0 =	sor.u32 s3, s0;
	s1 =	sshll.u32 s1, $0x11  }
0x33: {  	s0 =	sor.u32 s1, s0  }
0x34: {  	s0 =	sadd.s32 $0x8F2B, s0  }
0x35: {  	[sflag:s0] =	ssyncadd.remote.s32 $0x1  }
0x36: {  	_ =	sfence.sel $0xFFFF  }
0x37: {  	[dreg:$0x0] =	wrdreg $0xFFFFFFFF;
	(pc) =	sbr.abs _section_cstart, $3  }
0x38: {  	[dreg:$0x1] =	wrdreg $0xFFFFFFFF  }
0x39: {  	_ =	task.clear_ibuf [dreg:s7], $0x2FFFF;
	_ =	strace $0x9FFFFFFF  }
0x3a: {  	(tm) =	ssettm $0x7FFFFFFF  }
0x3b: {  	_ =	shalt  }
tec
execute0_lowered:
.L_overlay_start_1:
0x0: {  	(tag) =	ssettag $0x1  }
0x1: {  	s0 =	srdreg.scid  }
0x2: {  	s1 =	sshll.u32 s0, $0x4  }
0x3: {  	s0 =	stileid.u32;
	s1 =	sand.u32 $0x10, s1  }
0x4: {  	s1 =	sor.u32 s0, s1  }
0x5: {  	s6 =	rddreg [dreg:$0x0];
	s4 =	simm.s32 $0x1;
	s2 =	sshll.u32 s1, $0x6  }
0x6: {  	s7 =	simm.s32 $0x2;
	s13 =	simm.s32 $0x0;
	s1 =	ssub.s32 $0x1000, s2  }
0x7: {  	s8 =	simm.s32 $0x2000;
	s9 =	simm.s32 $0x80000;
	s3 =	sand.u32 $0x7C0, s1  }
0x8: {  	s14 =	simm.s32 $0x0;
	s5 =	sshrl.u32 s1, $0xB;
	p0 =	sne.s32 s3, $0x0  }
.Ltmp0:
0x9: {  	s1 =	rddreg [dreg:$0x2];
	s4 =	simm.s32 @!p0 $0x0;
	(pc) =	sbr.rel .LBB1_1-.Ltmp0, $4  }
0xa: {  	s10 =	simm.s32 $0x0;
	s3 =	rddreg [dreg:$0x1];
	s5 =	sadd.s32 s4, s5  }
0xb: {  	_ =	strace $0x8000004A;
	s4 =	simm.s32 $0x1;
	s5 =	smul.u32 $0x19, s5  }
0xc: {  	s12 =	simm.s32 $0x0;
	s6 =	sadd.s32 $0x800, s6;
	[sflag:s4] =	ssyncpa.u1 $0x0  }
0xd: {  	s11 =	smov.u32 s2;
	[sflag:s7] =	ssyncpa.u1 $0x0;
	s7 =	sadd.s32 $0x1, s5  }
.LBB1_7:
0xe: {  	s15 =	sadd.s32 $0x2, s10  }
0xf: {  	s13 =	sadd.s32 $0x800, s11;
	s17 =	smov.u32 s11;
	p1 =	sgt.s32 s15, $0x31  }
0x10: {  	s17 =	smov.u32 @p1 s13  }
0x11: {  	s15 =	simm.s32 @p1 $0x0;
	p1 =	sgt.s32 s17, $0xFFF  }
0x12: {  	s17 =	smov.u32 @p1 s2;
	p1 =	sne.s32 s12, s7  }
.Ltmp1:
0x13: {  	p0 =	slt.u32 s12, $0x2;
	(pc) =	sbr.rel @!p1 .LBB1_8-.Ltmp1, $4  }
0x14: {  	s16 =	simm.s32 @!p0 $0x2  }
0x15: {  	s14 =	smov.u32 s11;
	_ =	swait.ge @!p0 [sflag:s16], $0x4000  }
0x16: {  	s13 =	smov.u32 s10;
	[sflag:s16] =	ssyncset.done @!p0 $0x0;
	s10 =	smov.u32 s15  }
0x17: {  	s12 =	sadd.s32 $0x1, s12;
	[sflag:s16] =	ssyncadd.s32 @!p0 $0xFFFFC000;
	s11 =	smov.u32 s17  }
.LBB1_1:
0x18: {  	p0 =	sge.u32 s12, s5  }
0x19: {  	s15 =	sand.u32 @!p0 $0x1FFFFFF, s10  }
0x1a: {  	s16 =	smulhi.u32 @!p0 $0x4924925, s15;
	_ =	sdelay $0x1  }
0x1b: {  	s16 =	smul.u32 @!p0 $0x38, s16  }
0x1c: {  	s17 =	sxor.u32 @!p0 $0xFFFFFFFF, s12;
	s18 =	smul.u32 @!p0 $0x380, s11  }
0x1d: {  	s31 =	sadd.s32 $0xFFFFFFFF, s12;
	s17 =	sshll.u32 @!p0 s17, $0xE;
	s15 =	ssub.s32 @!p0 s15, s16  }
0x1e: {  	s16 =	sand.u32 @!p0 $0x4000, s17;
	s17 =	sadd.s32 @!p0 s6, s18;
	s15 =	sshll.u32 @!p0 s15, $0x4  }
0x1f: {  	s18 =	simm.s32 @!p0 $0x1C00;
	s15 =	sadd.s32 @!p0 s15, s17;
	s17 =	simm.s32 @!p0 $0x100  }
0x20: {  	[tilespmem:s16], [sflag:$0x1] =	stream.strided.gather @!p0 [hbm4b:s15+s17], $0x4000, s18, s17, $0x38;
	[tilespmem:$0x10000] =	vst v63  }
0x21: {  	p0 =	sge.u32 s31, s5  }
.Ltmp2:
0x22: {  	_ = 	snop;
	(pc) =	sbr.rel @p0 .LBB1_7-.Ltmp2, $1  }
0x23: {  	_ =	sdelay $0x3  }
0x24: {  	_ =	swait.ge [sflag:s4], $0x4000;
	s15 =	sshll.u32 s12, $0xE  }
0x25: {  	[sflag:s4] =	ssyncset.done $0x0;
	s16 =	sand.u32 $0x4000, s15  }
0x26: {  	s17 =	simm.s32 $0x0;
	[sflag:s4] =	ssyncadd.s32 $0xFFFFC000;
	s15 =	sor.u32 $0x8000, s16  }
.LBB1_3:
0x27: {  	s18 =	sshll.u32 s17, $0x8  }
0x28: {  	s18 =	sand.u32 $0x3FFFFF00, s18  }
0x29: {  	s19 =	sshll.u32 s17, $0x7;
	s18 =	sadd.s32 s18, s16  }
0x2a: {  	s19 =	sand.u32 $0x3FFFFF80, s19;
	v0 =	vmov s18  }
0x2b: {  	s19 =	sadd.s32 s19, s15  }
0x2c: {  	p0 =	por $0x1, $0x1;
	v1 =	vmov s19;
	s18 =	simm.s32 $0x0  }
.LBB1_4:
0x2d: {  	s19 =	sshll.u32 s18, $0x7  }
0x2e: {  	s19 =	sand.u32 $0x3FFFFF80, s19  }
0x2f: {  	v2 =	vld.idx.msk [tilespmem:v0+s19+$0x0 ss:$0x1], $0xffff  }
0x30: {  	v3 =	vld.idx.msk [tilespmem:v0+s19+$0x10 ss:$0x1], $0xffff  }
0x31: {  	v4 =	vld.idx.msk [tilespmem:v0+s19+$0x20 ss:$0x1], $0xffff  }
0x32: {  	s31 =	sshll.u32 s18, $0xD;
	v5 =	vld.idx.msk [tilespmem:v0+s19+$0x30 ss:$0x1], $0xffff  }
0x33: {  	s18 =	sand.u32 $0x3FFFE000, s31;
	v6 =	vld.idx.msk [tilespmem:v0+s19+$0x40 ss:$0x1], $0xffff  }
0x34: {  	v63 =	vld.idx.msk [tilespmem:v0+s19+$0x70 ss:$0x1], $0xffff;
	[tilespmem:v1+s18+$0x0 ss:$0x1] =	vst.idx.msk $0xffff, v2  }
0x35: {  	v2 =	vld.idx.msk [tilespmem:v0+s19+$0x50 ss:$0x1], $0xffff;
	[tilespmem:v1+s18+$0x10 ss:$0x1] =	vst.idx.msk $0xffff, v3  }
0x36: {  	p1 =	por p0, p0;
	v3 =	vld.idx.msk [tilespmem:v0+s19+$0x60 ss:$0x1], $0xffff;
	[tilespmem:v1+s18+$0x20 ss:$0x1] =	vst.idx.msk $0xffff, v4  }
.Ltmp3:
0x37: {  	[tilespmem:v1+s18+$0x30 ss:$0x1] =	vst.idx.msk $0xffff, v5;
	(pc) =	sbr.rel @p1 .LBB1_4-.Ltmp3, $4  }
0x38: {  	[tilespmem:v1+s18+$0x40 ss:$0x1] =	vst.idx.msk $0xffff, v6  }
0x39: {  	[tilespmem:v1+s18+$0x70 ss:$0x1] =	vst.idx.msk $0xffff, v63  }
0x3a: {  	[tilespmem:v1+s18+$0x50 ss:$0x1] =	vst.idx.msk $0xffff, v2  }
0x3b: {  	p0 =	por $0x0, $0x0;
	[tilespmem:v1+s18+$0x60 ss:$0x1] =	vst.idx.msk $0xffff, v3;
	s18 =	simm.s32 $0x1  }
0x3c: {  	s17 =	sadd.s32 $0x1, s17  }
0x3d: {  	p0 =	sne.s32 s17, $0x40  }
.Ltmp4:
0x3e: {  	_ = 	snop;
	(pc) =	sbr.rel @p0 .LBB1_3-.Ltmp4, $1  }
0x3f: {  	_ =	sdelay $0x3  }
.Ltmp5:
0x40: {  	s14 =	sshll.u32 s14, $0x4;
	(pc) =	sbr.rel .LBB1_7-.Ltmp5, $4  }
0x41: {  	s14 =	sand.u32 $0xFFF0, s14  }
0x42: {  	s13 =	sshll.u32 s13, $0x10;
	s14 =	sadd.s32 s3, s14  }
0x43: {  	s13 =	sadd.s32 s13, s14  }
0x44: {  	[hbm4b:s13+s8] =	stream.strided.scatter [tilespmem:s15], [sflag:$0x2], $0x4000, s9, s8, $0x38;
	[tilespmem:$0x10000] =	vst v63  }
.LBB1_8:
0x45: {  	_ =	sfence.sel $0x180000  }
0x46: {  	s2 =	simm.s32 $0x1;
	[bflag:$0x0] =	sbarrier.arrive $0xFFFF  }
0x47: {  	s31 =	simm.s32 $0x2;
	[sflag:s2] =	ssyncpa.u1 $0x1  }
0x48: {  	[sflag:s31] =	ssyncpa.u1 $0x1  }
0x49: {  	p0 =	sne.s32 s0, $0x0;
	_ =	strace $0x9000004A  }
0x4a: {  	s0 =	sadd.s32 @!p0 $0x100000, s1;
	[bflag:$0x2] =	sbarrier.arrive $0xFFFF  }
0x4b: {  	[sflag:s0] =	ssyncadd.tile.s32 @!p0 $0x1;
	_ =	shalt  }
.Lfunc_end1:
_tile_overlayer_lowered:
.L_overlay_start_2:
0x4c: {  	(tag) =	ssettag $0x2  }
0x4d: {  	s0 =	rddreg [dreg:$0x0];
	s2 =	stileid.u32  }
0x4e: {  	s1 =	rddreg [dreg:$0x1];
	p0 =	sne.s32 s2, $0x0  }
0x4f: {  	s3 =	rddreg [dreg:$0x2];
	[bflag:$0x3] =	sbarrier.arrive $0xFFFF;
	s2 =	simm.s32 @!p0 $0x1C01  }
0x50: {  	[timem:s3], [sflag:s2] =	dma.local @!p0 [hbm:s0], s1  }
0x51: {  	s0 =	simm.s32 @!p0 $0x1  }
0x52: {  	_ =	swait.ge @!p0 [sflag:s0], s1  }
0x53: {  	s1 =	ssub.s32 @!p0 $0x0, s1;
	[sflag:s0] =	ssyncset.done @!p0 $0x0  }
0x54: {  	[sflag:s0] =	ssyncadd.s32 @!p0 s1  }
0x55: {  	[bflag:$0x3] =	sbarrier.arrive $0xFFFF  }
0x56: {  	_ =	shalt  }

</sc_bundles>
